<compile_context>
chip_gen: v7x
topology: tpu7x:2x2x1
jax: 0.10.2.dev20260603
libtpu: 0.0.44.dev20260713+nightly
codegen_flags: <defaults>
</compile_context>

<pallas_src>
import functools

import jax
import jax.numpy as jnp
from jax import lax
from jax.experimental import pallas as pl
from jax.experimental.pallas import tpu as pltpu
from jax.experimental.pallas import tpu_sc as plsc

_NC = 2
_NS = 16
_NW = _NC * _NS
_L = 16
_C = 16
_NBUF = 5
_LOOKAHEAD = 2


def kernel(input_ids, word_embeddings, position_embeddings):
    B, S = input_ids.shape
    _, H = word_embeddings.shape
    W = S // _NW
    n_chunks = W // _C
    ids = input_ids.astype(jnp.int32)

    mesh = plsc.VectorSubcoreMesh(core_axis_name="c", subcore_axis_name="s")

    @functools.partial(
        pl.kernel,
        mesh=mesh,
        out_type=jax.ShapeDtypeStruct((B * S, H), jnp.float32),
        scratch_types=(
            [pltpu.VMEM((B * W,), jnp.int32)]
            + [pltpu.VMEM((_C, H), jnp.float32) for _ in range(_NBUF + 2)]
            + [pltpu.SemaphoreType.DMA for _ in range(2 * _NBUF + 3)]
        ),
    )
    def embed(ids_hbm, we_hbm, pe_hbm, out_hbm, idx_v, *bufs_and_sems):
        rbufs = bufs_and_sems[:_NBUF]
        pbufs = bufs_and_sems[_NBUF:_NBUF + 2]
        sems = bufs_and_sems[_NBUF + 2:]
        gsems = sems[:_NBUF]
        wsems = sems[_NBUF:2 * _NBUF]
        psems = sems[2 * _NBUF:2 * _NBUF + 2]
        isem = sems[2 * _NBUF + 2]

        wid = lax.axis_index("s") * _NC + lax.axis_index("c")
        s_base = wid * W

        i_cps = [
            pltpu.async_copy(ids_hbm.at[b].at[pl.ds(s_base, W)],
                             idx_v.at[pl.ds(b * W, W)], isem)
            for b in range(B)
        ]
        n_items = n_chunks * B

        def item_params(i):
            return i // B, i % B

        def fire_gather(i):
            sc, b = item_params(i)
            return pltpu.async_copy(
                we_hbm.at[idx_v.at[pl.ds(b * W + sc * _C, _C)]],
                rbufs[i % _NBUF], gsems[i % _NBUF])

        def fire_pos(sc):
            return pltpu.async_copy(
                pe_hbm.at[pl.ds(s_base + sc * _C, _C)],
                pbufs[sc % 2], psems[sc % 2])

        def add_pos(buf, pbuf):
            @pl.loop(0, _C)
            def _row(r):
                @plsc.parallel_loop(0, H, step=_L, unroll=8)
                def _col(c):
                    buf.at[r, pl.ds(c, _L)][...] = (
                        buf.at[r, pl.ds(c, _L)][...]
                        + pbuf.at[r, pl.ds(c, _L)][...])

        p_cps = {0: fire_pos(0)}
        for cp in i_cps:
            cp.wait()
        g_cps = {i: fire_gather(i) for i in range(min(_LOOKAHEAD, n_items))}
        w_cps = {}
        w_waited = set()
        for i in range(n_items):
            k = i % _NBUF
            sc, b = item_params(i)
            if b == 0:
                p_cps[sc].wait()
                if sc + 1 < n_chunks:
                    p_cps[sc + 1] = fire_pos(sc + 1)
            j = i + _LOOKAHEAD
            if j < n_items:
                if j - _NBUF in w_cps:
                    w_cps[j - _NBUF].wait()
                    w_waited.add(j - _NBUF)
                g_cps[j] = fire_gather(j)
            g_cps[i].wait()
            add_pos(rbufs[k], pbufs[sc % 2])
            w_cps[i] = pltpu.async_copy(
                rbufs[k], out_hbm.at[pl.ds(b * S + s_base + sc * _C, _C)],
                wsems[k])
        for i in range(n_items):
            if i not in w_waited:
                w_cps[i].wait()

    out = embed(ids, word_embeddings, position_embeddings)
    return out.reshape(B, S, H)

# --- scband reference (transcript-rebuilt; emitter-appended) ---
"""Pipeline reference for scband-tiny-stories-embeddings-65695819759823 (READ-ONLY COPY).

The authoritative reference and input builder live on the scoring server;
editing this copy changes nothing except your own understanding.
"""

import jax, jax.numpy as jnp
import numpy as np

VOCAB = 100000
HIDDEN = 1024
MAX_POS = 2048
BATCH = 4
SEQ = 2048

def setup_inputs(seed: int = 0) -> dict:
    key = jax.random.key(seed)
    k1, k2, k3 = jax.random.split(key, 3)
    input_ids = jax.random.randint(k1, (BATCH, SEQ), 0, VOCAB, dtype=jnp.int64 if jax.config.jax_enable_x64 else jnp.int32)
    word_embeddings = jax.random.normal(k2, (VOCAB, HIDDEN), dtype=jnp.float32) * 0.02
    position_embeddings = jax.random.normal(k3, (MAX_POS, HIDDEN), dtype=jnp.float32) * 0.02
    return {"input_ids": input_ids, "word_embeddings": word_embeddings, "position_embeddings": position_embeddings}

def reference(input_ids, word_embeddings, position_embeddings):
    # Faithful translation of TinyStoriesEmbeddings.forward (eval mode: dropout is identity)
    seq_length = input_ids.shape[1]
    position_ids = jnp.arange(MAX_POS)[None, :][:, :seq_length]  # (1, seq)
    inputs_embeds = jnp.take(word_embeddings, input_ids, axis=0)  # (B, S, H)
    pos_embeds = jnp.take(position_embeddings, position_ids, axis=0)  # (1, S, H)
    embeddings = inputs_embeds + pos_embeds
    return embeddings

if __name__ == "__main__":
    import jax
    _d = setup_inputs()
    print(jax.jit(kernel)(*tuple(_d.values())))

</pallas_src>

<mosaic_0001>
#map = affine_map<(d0, d1) -> (0, 0)>
module attributes {stable_mosaic.version = 14 : i64} {
  func.func @embed(%arg0: i32, %arg1: i32, %arg2: memref<4x2048xi32, #tpu.memory_space<hbm>>, %arg3: memref<100000x1024xf32, #tpu.memory_space<hbm>>, %arg4: memref<2048x1024xf32, #tpu.memory_space<hbm>>, %arg5: memref<8192x1024xf32, #tpu.memory_space<hbm>>, %arg6: memref<256xi32, #tpu.memory_space<vmem>>, %arg7: memref<16x1024xf32, #tpu.memory_space<vmem>>, %arg8: memref<16x1024xf32, #tpu.memory_space<vmem>>, %arg9: memref<16x1024xf32, #tpu.memory_space<vmem>>, %arg10: memref<16x1024xf32, #tpu.memory_space<vmem>>, %arg11: memref<16x1024xf32, #tpu.memory_space<vmem>>, %arg12: memref<16x1024xf32, #tpu.memory_space<vmem>>, %arg13: memref<16x1024xf32, #tpu.memory_space<vmem>>, %arg14: memref<!tpu.dma_semaphore, #tpu.memory_space<semaphore_mem>>, %arg15: memref<!tpu.dma_semaphore, #tpu.memory_space<semaphore_mem>>, %arg16: memref<!tpu.dma_semaphore, #tpu.memory_space<semaphore_mem>>, %arg17: memref<!tpu.dma_semaphore, #tpu.memory_space<semaphore_mem>>, %arg18: memref<!tpu.dma_semaphore, #tpu.memory_space<semaphore_mem>>, %arg19: memref<!tpu.dma_semaphore, #tpu.memory_space<semaphore_mem>>, %arg20: memref<!tpu.dma_semaphore, #tpu.memory_space<semaphore_mem>>, %arg21: memref<!tpu.dma_semaphore, #tpu.memory_space<semaphore_mem>>, %arg22: memref<!tpu.dma_semaphore, #tpu.memory_space<semaphore_mem>>, %arg23: memref<!tpu.dma_semaphore, #tpu.memory_space<semaphore_mem>>, %arg24: memref<!tpu.dma_semaphore, #tpu.memory_space<semaphore_mem>>, %arg25: memref<!tpu.dma_semaphore, #tpu.memory_space<semaphore_mem>>, %arg26: memref<!tpu.dma_semaphore, #tpu.memory_space<semaphore_mem>>) attributes {dimension_semantics = [#tpu.dimension_semantics<core_parallel>, #tpu.dimension_semantics<subcore_parallel>], iteration_bounds = array<i64: 2, 16>, scalar_prefetch = 0 : i64, scratch_operands = 21 : i64, tpu.core_type = #tpu.core_type<sc_vector_subcore>, window_params = [{transform_indices = #map}, {transform_indices = #map}, {transform_indices = #map}, {transform_indices = #map}]} {
    %mul3A = arith.constant 2 : i32
    %mul3A_0 = arith.muli %arg1, %mul3A : i32
    %add3A = arith.addi %mul3A_0, %arg0 : i32
    %mul3A_1 = arith.constant 64 : i32
    %mul3A_2 = arith.muli %add3A, %mul3A_1 : i32
    %dma_start3A = arith.constant 0 : i32
    %dma_start3A_3 = arith.constant 0 : i32
    %dma_start3A_4 = tpu.memref_slice %arg6[%dma_start3A_3] : memref<256xi32, #tpu.memory_space<vmem>> -> memref<64xi32, #tpu.memory_space<vmem>>
    %dma_start3A_5 = arith.constant 0 : i32
    %dma_start3A_6 = tpu.memref_slice %arg2[%dma_start3A, %dma_start3A_5] : memref<4x2048xi32, #tpu.memory_space<hbm>> -> memref<1x2048xi32, #tpu.memory_space<hbm>>
    %dma_start3A_7 = tpu.memref_squeeze %dma_start3A_6 : memref<1x2048xi32, #tpu.memory_space<hbm>> -> memref<2048xi32, #tpu.memory_space<hbm>>
    %dma_start3A_8 = tpu.memref_slice %dma_start3A_7[%mul3A_2] : memref<2048xi32, #tpu.memory_space<hbm>> -> memref<64xi32, #tpu.memory_space<hbm>>
    %dma_start3A_9 = arith.constant 0 : i32
    %dma_start3A_10 = tpu.memref_slice %arg6[%dma_start3A_9] : memref<256xi32, #tpu.memory_space<vmem>> -> memref<64xi32, #tpu.memory_space<vmem>>
    %dma_start3A_11 = arith.constant 0 : i32
    %dma_start3A_12 = tpu.memref_slice %arg2[%dma_start3A, %dma_start3A_11] : memref<4x2048xi32, #tpu.memory_space<hbm>> -> memref<1x2048xi32, #tpu.memory_space<hbm>>
    %dma_start3A_13 = tpu.memref_squeeze %dma_start3A_12 : memref<1x2048xi32, #tpu.memory_space<hbm>> -> memref<2048xi32, #tpu.memory_space<hbm>>
    %dma_start3A_14 = tpu.memref_slice %dma_start3A_13[%mul3A_2] : memref<2048xi32, #tpu.memory_space<hbm>> -> memref<64xi32, #tpu.memory_space<hbm>>
    tpu.enqueue_dma source(%dma_start3A_14 : memref<64xi32, #tpu.memory_space<hbm>>) target(%dma_start3A_10 : memref<64xi32, #tpu.memory_space<vmem>>) target_semaphore(%arg26 : memref<!tpu.dma_semaphore, #tpu.memory_space<semaphore_mem>>)
    %dma_start3A_15 = arith.constant 1 : i32
    %dma_start3A_16 = arith.constant 64 : i32
    %dma_start3A_17 = tpu.memref_slice %arg6[%dma_start3A_16] : memref<256xi32, #tpu.memory_space<vmem>> -> memref<64xi32, #tpu.memory_space<vmem>>
    %dma_start3A_18 = arith.constant 0 : i32
    %dma_start3A_19 = tpu.memref_slice %arg2[%dma_start3A_15, %dma_start3A_18] : memref<4x2048xi32, #tpu.memory_space<hbm>> -> memref<1x2048xi32, #tpu.memory_space<hbm>>
    %dma_start3A_20 = tpu.memref_squeeze %dma_start3A_19 : memref<1x2048xi32, #tpu.memory_space<hbm>> -> memref<2048xi32, #tpu.memory_space<hbm>>
    %dma_start3A_21 = tpu.memref_slice %dma_start3A_20[%mul3A_2] : memref<2048xi32, #tpu.memory_space<hbm>> -> memref<64xi32, #tpu.memory_space<hbm>>
    %dma_start3A_22 = arith.constant 64 : i32
    %dma_start3A_23 = tpu.memref_slice %arg6[%dma_start3A_22] : memref<256xi32, #tpu.memory_space<vmem>> -> memref<64xi32, #tpu.memory_space<vmem>>
    %dma_start3A_24 = arith.constant 0 : i32
    %dma_start3A_25 = tpu.memref_slice %arg2[%dma_start3A_15, %dma_start3A_24] : memref<4x2048xi32, #tpu.memory_space<hbm>> -> memref<1x2048xi32, #tpu.memory_space<hbm>>
    %dma_start3A_26 = tpu.memref_squeeze %dma_start3A_25 : memref<1x2048xi32, #tpu.memory_space<hbm>> -> memref<2048xi32, #tpu.memory_space<hbm>>
    %dma_start3A_27 = tpu.memref_slice %dma_start3A_26[%mul3A_2] : memref<2048xi32, #tpu.memory_space<hbm>> -> memref<64xi32, #tpu.memory_space<hbm>>
    tpu.enqueue_dma source(%dma_start3A_27 : memref<64xi32, #tpu.memory_space<hbm>>) target(%dma_start3A_23 : memref<64xi32, #tpu.memory_space<vmem>>) target_semaphore(%arg26 : memref<!tpu.dma_semaphore, #tpu.memory_space<semaphore_mem>>)
    %dma_start3A_28 = arith.constant 2 : i32
    %dma_start3A_29 = arith.constant 128 : i32
    %dma_start3A_30 = tpu.memref_slice %arg6[%dma_start3A_29] : memref<256xi32, #tpu.memory_space<vmem>> -> memref<64xi32, #tpu.memory_space<vmem>>
    %dma_start3A_31 = arith.constant 0 : i32
    %dma_start3A_32 = tpu.memref_slice %arg2[%dma_start3A_28, %dma_start3A_31] : memref<4x2048xi32, #tpu.memory_space<hbm>> -> memref<1x2048xi32, #tpu.memory_space<hbm>>
    %dma_start3A_33 = tpu.memref_squeeze %dma_start3A_32 : memref<1x2048xi32, #tpu.memory_space<hbm>> -> memref<2048xi32, #tpu.memory_space<hbm>>
    %dma_start3A_34 = tpu.memref_slice %dma_start3A_33[%mul3A_2] : memref<2048xi32, #tpu.memory_space<hbm>> -> memref<64xi32, #tpu.memory_space<hbm>>
    %dma_start3A_35 = arith.constant 128 : i32
    %dma_start3A_36 = tpu.memref_slice %arg6[%dma_start3A_35] : memref<256xi32, #tpu.memory_space<vmem>> -> memref<64xi32, #tpu.memory_space<vmem>>
    %dma_start3A_37 = arith.constant 0 : i32
    %dma_start3A_38 = tpu.memref_slice %arg2[%dma_start3A_28, %dma_start3A_37] : memref<4x2048xi32, #tpu.memory_space<hbm>> -> memref<1x2048xi32, #tpu.memory_space<hbm>>
    %dma_start3A_39 = tpu.memref_squeeze %dma_start3A_38 : memref<1x2048xi32, #tpu.memory_space<hbm>> -> memref<2048xi32, #tpu.memory_space<hbm>>
    %dma_start3A_40 = tpu.memref_slice %dma_start3A_39[%mul3A_2] : memref<2048xi32, #tpu.memory_space<hbm>> -> memref<64xi32, #tpu.memory_space<hbm>>
    tpu.enqueue_dma source(%dma_start3A_40 : memref<64xi32, #tpu.memory_space<hbm>>) target(%dma_start3A_36 : memref<64xi32, #tpu.memory_space<vmem>>) target_semaphore(%arg26 : memref<!tpu.dma_semaphore, #tpu.memory_space<semaphore_mem>>)
    %dma_start3A_41 = arith.constant 3 : i32
    %dma_start3A_42 = arith.constant 192 : i32
    %dma_start3A_43 = tpu.memref_slice %arg6[%dma_start3A_42] : memref<256xi32, #tpu.memory_space<vmem>> -> memref<64xi32, #tpu.memory_space<vmem>>
    %dma_start3A_44 = arith.constant 0 : i32
    %dma_start3A_45 = tpu.memref_slice %arg2[%dma_start3A_41, %dma_start3A_44] : memref<4x2048xi32, #tpu.memory_space<hbm>> -> memref<1x2048xi32, #tpu.memory_space<hbm>>
    %dma_start3A_46 = tpu.memref_squeeze %dma_start3A_45 : memref<1x2048xi32, #tpu.memory_space<hbm>> -> memref<2048xi32, #tpu.memory_space<hbm>>
    %dma_start3A_47 = tpu.memref_slice %dma_start3A_46[%mul3A_2] : memref<2048xi32, #tpu.memory_space<hbm>> -> memref<64xi32, #tpu.memory_space<hbm>>
    %dma_start3A_48 = arith.constant 192 : i32
    %dma_start3A_49 = tpu.memref_slice %arg6[%dma_start3A_48] : memref<256xi32, #tpu.memory_space<vmem>> -> memref<64xi32, #tpu.memory_space<vmem>>
    %dma_start3A_50 = arith.constant 0 : i32
    %dma_start3A_51 = tpu.memref_slice %arg2[%dma_start3A_41, %dma_start3A_50] : memref<4x2048xi32, #tpu.memory_space<hbm>> -> memref<1x2048xi32, #tpu.memory_space<hbm>>
    %dma_start3A_52 = tpu.memref_squeeze %dma_start3A_51 : memref<1x2048xi32, #tpu.memory_space<hbm>> -> memref<2048xi32, #tpu.memory_space<hbm>>
    %dma_start3A_53 = tpu.memref_slice %dma_start3A_52[%mul3A_2] : memref<2048xi32, #tpu.memory_space<hbm>> -> memref<64xi32, #tpu.memory_space<hbm>>
    tpu.enqueue_dma source(%dma_start3A_53 : memref<64xi32, #tpu.memory_space<hbm>>) target(%dma_start3A_49 : memref<64xi32, #tpu.memory_space<vmem>>) target_semaphore(%arg26 : memref<!tpu.dma_semaphore, #tpu.memory_space<semaphore_mem>>)
    %add3A_54 = arith.constant 0 : i32
    %add3A_55 = arith.addi %mul3A_2, %add3A_54 : i32
    %dma_start3A_56 = arith.constant 0 : i32
    %dma_start3A_57 = tpu.memref_slice %arg4[%add3A_55, %dma_start3A_56] : memref<2048x1024xf32, #tpu.memory_space<hbm>> -> memref<16x1024xf32, #tpu.memory_space<hbm>>
    %dma_start3A_58 = arith.constant 0 : i32
    %dma_start3A_59 = tpu.memref_slice %arg4[%add3A_55, %dma_start3A_58] : memref<2048x1024xf32, #tpu.memory_space<hbm>> -> memref<16x1024xf32, #tpu.memory_space<hbm>>
    tpu.enqueue_dma source(%dma_start3A_59 : memref<16x1024xf32, #tpu.memory_space<hbm>>) target(%arg12 : memref<16x1024xf32, #tpu.memory_space<vmem>>) target_semaphore(%arg24 : memref<!tpu.dma_semaphore, #tpu.memory_space<semaphore_mem>>)
    %dma_wait3A = arith.constant 0 : i32
    %dma_wait3A_60 = arith.constant 0 : i32
    %dma_wait3A_61 = tpu.memref_slice %arg6[%dma_wait3A_60] : memref<256xi32, #tpu.memory_space<vmem>> -> memref<64xi32, #tpu.memory_space<vmem>>
    %dma_wait3A_62 = arith.constant 0 : i32
    %dma_wait3A_63 = tpu.memref_slice %arg2[%dma_wait3A, %dma_wait3A_62] : memref<4x2048xi32, #tpu.memory_space<hbm>> -> memref<1x2048xi32, #tpu.memory_space<hbm>>
    %dma_wait3A_64 = tpu.memref_squeeze %dma_wait3A_63 : memref<1x2048xi32, #tpu.memory_space<hbm>> -> memref<2048xi32, #tpu.memory_space<hbm>>
    %dma_wait3A_65 = tpu.memref_slice %dma_wait3A_64[%mul3A_2] : memref<2048xi32, #tpu.memory_space<hbm>> -> memref<64xi32, #tpu.memory_space<hbm>>
    %dma_wait3A_66 = arith.constant 0 : i32
    %dma_wait3A_67 = tpu.memref_slice %arg6[%dma_wait3A_66] : memref<256xi32, #tpu.memory_space<vmem>> -> memref<64xi32, #tpu.memory_space<vmem>>
    %dma_wait3A_68 = arith.constant 0 : i32
    %dma_wait3A_69 = tpu.memref_slice %arg2[%dma_wait3A, %dma_wait3A_68] : memref<4x2048xi32, #tpu.memory_space<hbm>> -> memref<1x2048xi32, #tpu.memory_space<hbm>>
    %dma_wait3A_70 = tpu.memref_squeeze %dma_wait3A_69 : memref<1x2048xi32, #tpu.memory_space<hbm>> -> memref<2048xi32, #tpu.memory_space<hbm>>
    %dma_wait3A_71 = tpu.memref_slice %dma_wait3A_70[%mul3A_2] : memref<2048xi32, #tpu.memory_space<hbm>> -> memref<64xi32, #tpu.memory_space<hbm>>
    tpu.wait_dma2 semaphore(%arg26 : memref<!tpu.dma_semaphore, #tpu.memory_space<semaphore_mem>>) src(%dma_wait3A_71 : memref<64xi32, #tpu.memory_space<hbm>>) dst(%dma_wait3A_67 : memref<64xi32, #tpu.memory_space<vmem>>)
    %dma_wait3A_72 = arith.constant 1 : i32
    %dma_wait3A_73 = arith.constant 64 : i32
    %dma_wait3A_74 = tpu.memref_slice %arg6[%dma_wait3A_73] : memref<256xi32, #tpu.memory_space<vmem>> -> memref<64xi32, #tpu.memory_space<vmem>>
    %dma_wait3A_75 = arith.constant 0 : i32
    %dma_wait3A_76 = tpu.memref_slice %arg2[%dma_wait3A_72, %dma_wait3A_75] : memref<4x2048xi32, #tpu.memory_space<hbm>> -> memref<1x2048xi32, #tpu.memory_space<hbm>>
    %dma_wait3A_77 = tpu.memref_squeeze %dma_wait3A_76 : memref<1x2048xi32, #tpu.memory_space<hbm>> -> memref<2048xi32, #tpu.memory_space<hbm>>
    %dma_wait3A_78 = tpu.memref_slice %dma_wait3A_77[%mul3A_2] : memref<2048xi32, #tpu.memory_space<hbm>> -> memref<64xi32, #tpu.memory_space<hbm>>
    %dma_wait3A_79 = arith.constant 64 : i32
    %dma_wait3A_80 = tpu.memref_slice %arg6[%dma_wait3A_79] : memref<256xi32, #tpu.memory_space<vmem>> -> memref<64xi32, #tpu.memory_space<vmem>>
    %dma_wait3A_81 = arith.constant 0 : i32
    %dma_wait3A_82 = tpu.memref_slice %arg2[%dma_wait3A_72, %dma_wait3A_81] : memref<4x2048xi32, #tpu.memory_space<hbm>> -> memref<1x2048xi32, #tpu.memory_space<hbm>>
    %dma_wait3A_83 = tpu.memref_squeeze %dma_wait3A_82 : memref<1x2048xi32, #tpu.memory_space<hbm>> -> memref<2048xi32, #tpu.memory_space<hbm>>
    %dma_wait3A_84 = tpu.memref_slice %dma_wait3A_83[%mul3A_2] : memref<2048xi32, #tpu.memory_space<hbm>> -> memref<64xi32, #tpu.memory_space<hbm>>
    tpu.wait_dma2 semaphore(%arg26 : memref<!tpu.dma_semaphore, #tpu.memory_space<semaphore_mem>>) src(%dma_wait3A_84 : memref<64xi32, #tpu.memory_space<hbm>>) dst(%dma_wait3A_80 : memref<64xi32, #tpu.memory_space<vmem>>)
    %dma_wait3A_85 = arith.constant 2 : i32
    %dma_wait3A_86 = arith.constant 128 : i32
    %dma_wait3A_87 = tpu.memref_slice %arg6[%dma_wait3A_86] : memref<256xi32, #tpu.memory_space<vmem>> -> memref<64xi32, #tpu.memory_space<vmem>>
    %dma_wait3A_88 = arith.constant 0 : i32
    %dma_wait3A_89 = tpu.memref_slice %arg2[%dma_wait3A_85, %dma_wait3A_88] : memref<4x2048xi32, #tpu.memory_space<hbm>> -> memref<1x2048xi32, #tpu.memory_space<hbm>>
    %dma_wait3A_90 = tpu.memref_squeeze %dma_wait3A_89 : memref<1x2048xi32, #tpu.memory_space<hbm>> -> memref<2048xi32, #tpu.memory_space<hbm>>
    %dma_wait3A_91 = tpu.memref_slice %dma_wait3A_90[%mul3A_2] : memref<2048xi32, #tpu.memory_space<hbm>> -> memref<64xi32, #tpu.memory_space<hbm>>
    %dma_wait3A_92 = arith.constant 128 : i32
    %dma_wait3A_93 = tpu.memref_slice %arg6[%dma_wait3A_92] : memref<256xi32, #tpu.memory_space<vmem>> -> memref<64xi32, #tpu.memory_space<vmem>>
    %dma_wait3A_94 = arith.constant 0 : i32
    %dma_wait3A_95 = tpu.memref_slice %arg2[%dma_wait3A_85, %dma_wait3A_94] : memref<4x2048xi32, #tpu.memory_space<hbm>> -> memref<1x2048xi32, #tpu.memory_space<hbm>>
    %dma_wait3A_96 = tpu.memref_squeeze %dma_wait3A_95 : memref<1x2048xi32, #tpu.memory_space<hbm>> -> memref<2048xi32, #tpu.memory_space<hbm>>
    %dma_wait3A_97 = tpu.memref_slice %dma_wait3A_96[%mul3A_2] : memref<2048xi32, #tpu.memory_space<hbm>> -> memref<64xi32, #tpu.memory_space<hbm>>
    tpu.wait_dma2 semaphore(%arg26 : memref<!tpu.dma_semaphore, #tpu.memory_space<semaphore_mem>>) src(%dma_wait3A_97 : memref<64xi32, #tpu.memory_space<hbm>>) dst(%dma_wait3A_93 : memref<64xi32, #tpu.memory_space<vmem>>)
    %dma_wait3A_98 = arith.constant 3 : i32
    %dma_wait3A_99 = arith.constant 192 : i32
    %dma_wait3A_100 = tpu.memref_slice %arg6[%dma_wait3A_99] : memref<256xi32, #tpu.memory_space<vmem>> -> memref<64xi32, #tpu.memory_space<vmem>>
    %dma_wait3A_101 = arith.constant 0 : i32
    %dma_wait3A_102 = tpu.memref_slice %arg2[%dma_wait3A_98, %dma_wait3A_101] : memref<4x2048xi32, #tpu.memory_space<hbm>> -> memref<1x2048xi32, #tpu.memory_space<hbm>>
    %dma_wait3A_103 = tpu.memref_squeeze %dma_wait3A_102 : memref<1x2048xi32, #tpu.memory_space<hbm>> -> memref<2048xi32, #tpu.memory_space<hbm>>
    %dma_wait3A_104 = tpu.memref_slice %dma_wait3A_103[%mul3A_2] : memref<2048xi32, #tpu.memory_space<hbm>> -> memref<64xi32, #tpu.memory_space<hbm>>
    %dma_wait3A_105 = arith.constant 192 : i32
    %dma_wait3A_106 = tpu.memref_slice %arg6[%dma_wait3A_105] : memref<256xi32, #tpu.memory_space<vmem>> -> memref<64xi32, #tpu.memory_space<vmem>>
    %dma_wait3A_107 = arith.constant 0 : i32
    %dma_wait3A_108 = tpu.memref_slice %arg2[%dma_wait3A_98, %dma_wait3A_107] : memref<4x2048xi32, #tpu.memory_space<hbm>> -> memref<1x2048xi32, #tpu.memory_space<hbm>>
    %dma_wait3A_109 = tpu.memref_squeeze %dma_wait3A_108 : memref<1x2048xi32, #tpu.memory_space<hbm>> -> memref<2048xi32, #tpu.memory_space<hbm>>
    %dma_wait3A_110 = tpu.memref_slice %dma_wait3A_109[%mul3A_2] : memref<2048xi32, #tpu.memory_space<hbm>> -> memref<64xi32, #tpu.memory_space<hbm>>
    tpu.wait_dma2 semaphore(%arg26 : memref<!tpu.dma_semaphore, #tpu.memory_space<semaphore_mem>>) src(%dma_wait3A_110 : memref<64xi32, #tpu.memory_space<hbm>>) dst(%dma_wait3A_106 : memref<64xi32, #tpu.memory_space<vmem>>)
    %dma_start3A_111 = arith.constant 0 : i32
    %dma_start3A_112 = tpu.memref_slice %arg6[%dma_start3A_111] : memref<256xi32, #tpu.memory_space<vmem>> -> memref<16xi32, #tpu.memory_space<vmem>>
    %dma_start3A_113 = arith.constant 0 : i32
    %dma_start3A_114 = arith.constant 0 : i32
    %dma_start3A_115 = tpu.memref_slice %arg3[%dma_start3A_113, %dma_start3A_114] : memref<100000x1024xf32, #tpu.memory_space<hbm>> -> memref<100000x1024xf32, #tpu.memory_space<hbm>>
    tpu.enqueue_indirect_dma source(%dma_start3A_115 : memref<100000x1024xf32, #tpu.memory_space<hbm>>) target(%arg7 : memref<16x1024xf32, #tpu.memory_space<vmem>>) offsets(%dma_start3A_112 : memref<16xi32, #tpu.memory_space<vmem>>) semaphore(%arg14 : memref<!tpu.dma_semaphore, #tpu.memory_space<semaphore_mem>>)
    %dma_start3A_116 = arith.constant 64 : i32
    %dma_start3A_117 = tpu.memref_slice %arg6[%dma_start3A_116] : memref<256xi32, #tpu.memory_space<vmem>> -> memref<16xi32, #tpu.memory_space<vmem>>
    %dma_start3A_118 = arith.constant 0 : i32
    %dma_start3A_119 = arith.constant 0 : i32
    %dma_start3A_120 = tpu.memref_slice %arg3[%dma_start3A_118, %dma_start3A_119] : memref<100000x1024xf32, #tpu.memory_space<hbm>> -> memref<100000x1024xf32, #tpu.memory_space<hbm>>
    tpu.enqueue_indirect_dma source(%dma_start3A_120 : memref<100000x1024xf32, #tpu.memory_space<hbm>>) target(%arg8 : memref<16x1024xf32, #tpu.memory_space<vmem>>) offsets(%dma_start3A_117 : memref<16xi32, #tpu.memory_space<vmem>>) semaphore(%arg15 : memref<!tpu.dma_semaphore, #tpu.memory_space<semaphore_mem>>)
    %dma_wait3A_121 = arith.constant 0 : i32
    %dma_wait3A_122 = tpu.memref_slice %arg4[%add3A_55, %dma_wait3A_121] : memref<2048x1024xf32, #tpu.memory_space<hbm>> -> memref<16x1024xf32, #tpu.memory_space<hbm>>
    %dma_wait3A_123 = arith.constant 0 : i32
    %dma_wait3A_124 = tpu.memref_slice %arg4[%add3A_55, %dma_wait3A_123] : memref<2048x1024xf32, #tpu.memory_space<hbm>> -> memref<16x1024xf32, #tpu.memory_space<hbm>>
    tpu.wait_dma2 semaphore(%arg24 : memref<!tpu.dma_semaphore, #tpu.memory_space<semaphore_mem>>) src(%dma_wait3A_124 : memref<16x1024xf32, #tpu.memory_space<hbm>>) dst(%arg12 : memref<16x1024xf32, #tpu.memory_space<vmem>>)
    %add3A_125 = arith.constant 16 : i32
    %add3A_126 = arith.addi %mul3A_2, %add3A_125 : i32
    %dma_start3A_127 = arith.constant 0 : i32
    %dma_start3A_128 = tpu.memref_slice %arg4[%add3A_126, %dma_start3A_127] : memref<2048x1024xf32, #tpu.memory_space<hbm>> -> memref<16x1024xf32, #tpu.memory_space<hbm>>
    %dma_start3A_129 = arith.constant 0 : i32
    %dma_start3A_130 = tpu.memref_slice %arg4[%add3A_126, %dma_start3A_129] : memref<2048x1024xf32, #tpu.memory_space<hbm>> -> memref<16x1024xf32, #tpu.memory_space<hbm>>
    tpu.enqueue_dma source(%dma_start3A_130 : memref<16x1024xf32, #tpu.memory_space<hbm>>) target(%arg13 : memref<16x1024xf32, #tpu.memory_space<vmem>>) target_semaphore(%arg25 : memref<!tpu.dma_semaphore, #tpu.memory_space<semaphore_mem>>)
    %dma_start3A_131 = arith.constant 128 : i32
    %dma_start3A_132 = tpu.memref_slice %arg6[%dma_start3A_131] : memref<256xi32, #tpu.memory_space<vmem>> -> memref<16xi32, #tpu.memory_space<vmem>>
    %dma_start3A_133 = arith.constant 0 : i32
    %dma_start3A_134 = arith.constant 0 : i32
    %dma_start3A_135 = tpu.memref_slice %arg3[%dma_start3A_133, %dma_start3A_134] : memref<100000x1024xf32, #tpu.memory_space<hbm>> -> memref<100000x1024xf32, #tpu.memory_space<hbm>>
    tpu.enqueue_indirect_dma source(%dma_start3A_135 : memref<100000x1024xf32, #tpu.memory_space<hbm>>) target(%arg9 : memref<16x1024xf32, #tpu.memory_space<vmem>>) offsets(%dma_start3A_132 : memref<16xi32, #tpu.memory_space<vmem>>) semaphore(%arg16 : memref<!tpu.dma_semaphore, #tpu.memory_space<semaphore_mem>>)
    %dma_wait3A_136 = arith.constant 0 : i32
    %dma_wait3A_137 = tpu.memref_slice %arg6[%dma_wait3A_136] : memref<256xi32, #tpu.memory_space<vmem>> -> memref<16xi32, #tpu.memory_space<vmem>>
    %dma_wait3A_138 = arith.constant 0 : i32
    %dma_wait3A_139 = arith.constant 0 : i32
    %dma_wait3A_140 = tpu.memref_slice %arg3[%dma_wait3A_138, %dma_wait3A_139] : memref<100000x1024xf32, #tpu.memory_space<hbm>> -> memref<100000x1024xf32, #tpu.memory_space<hbm>>
    tpu.wait_indirect_dma semaphore(%arg14 : memref<!tpu.dma_semaphore, #tpu.memory_space<semaphore_mem>>) src(%dma_wait3A_140 : memref<100000x1024xf32, #tpu.memory_space<hbm>>) dst(%arg7 : memref<16x1024xf32, #tpu.memory_space<vmem>>)
    %scan3A = arith.constant 0 : i32
    %scan3A_141 = arith.constant 16 : i32
    %scan3A_142 = arith.addi %scan3A, %scan3A_141 : i32
    %scan3A_143 = arith.constant 1 : i32
    scf.for %scan3A_576 = %scan3A to %scan3A_142 step %scan3A_143  : i32 {
      %mul3A_577 = arith.constant 1 : i32
      %mul3A_578 = arith.muli %scan3A_576, %mul3A_577 : i32
      %add3A_579 = arith.constant 0 : i32
      %add3A_580 = arith.addi %add3A_579, %mul3A_578 : i32
      %parallel_loop3A = arith.constant 0 : i32
      %parallel_loop3A_581 = arith.constant 1024 : i32
      %parallel_loop3A_582 = arith.constant 16 : i32
      scf.for %parallel_loop3A_583 = %parallel_loop3A to %parallel_loop3A_581 step %parallel_loop3A_582  : i32 {
        %parallel_loop3A_584 = arith.index_cast %add3A_580 : i32 to index
        %parallel_loop3A_585 = arith.index_cast %parallel_loop3A_583 : i32 to index
        %parallel_loop3A_586 = tpu.vector_load %arg7[%parallel_loop3A_584, %parallel_loop3A_585] {strides = array<i32>} : memref<16x1024xf32, #tpu.memory_space<vmem>>, vector<1x16xf32>,
        %parallel_loop3A_587 = vector.shape_cast %parallel_loop3A_586 : vector<1x16xf32> to vector<16xf32>
        %parallel_loop3A_588 = arith.index_cast %add3A_580 : i32 to index
        %parallel_loop3A_589 = arith.index_cast %parallel_loop3A_583 : i32 to index
        %parallel_loop3A_590 = tpu.vector_load %arg12[%parallel_loop3A_588, %parallel_loop3A_589] {strides = array<i32>} : memref<16x1024xf32, #tpu.memory_space<vmem>>, vector<1x16xf32>,
        %parallel_loop3A_591 = vector.shape_cast %parallel_loop3A_590 : vector<1x16xf32> to vector<16xf32>
        %parallel_loop3A_592 = arith.addf %parallel_loop3A_587, %parallel_loop3A_591 : vector<16xf32>
        %parallel_loop3A_593 = arith.index_cast %add3A_580 : i32 to index
        %parallel_loop3A_594 = arith.index_cast %parallel_loop3A_583 : i32 to index
        %parallel_loop3A_595 = tpu.vector_load %arg7[%parallel_loop3A_593, %parallel_loop3A_594] {strides = array<i32>} : memref<16x1024xf32, #tpu.memory_space<vmem>>, vector<1x16xf32>,
        %parallel_loop3A_596 = vector.shape_cast %parallel_loop3A_595 : vector<1x16xf32> to vector<16xf32>
        %parallel_loop3A_597 = vector.shape_cast %parallel_loop3A_592 : vector<16xf32> to vector<1x16xf32>
        tpu.vector_store %arg7[%parallel_loop3A_593, %parallel_loop3A_594], %parallel_loop3A_597 {strides = array<i32>} : memref<16x1024xf32, #tpu.memory_space<vmem>>, vector<1x16xf32>,
      } {sc.loop_unroll_factor = 8 : i64, sc.parallel_access}
    }
    %scan3A_144 = arith.constant 16 : i32
    %add3A_145 = arith.constant 0 : i32
    %add3A_146 = arith.addi %add3A_145, %mul3A_2 : i32
    %add3A_147 = arith.constant 0 : i32
    %add3A_148 = arith.addi %add3A_146, %add3A_147 : i32
    %dma_start3A_149 = arith.constant 0 : i32
    %dma_start3A_150 = tpu.memref_slice %arg5[%add3A_148, %dma_start3A_149] : memref<8192x1024xf32, #tpu.memory_space<hbm>> -> memref<16x1024xf32, #tpu.memory_space<hbm>>
    %dma_start3A_151 = arith.constant 0 : i32
    %dma_start3A_152 = tpu.memref_slice %arg5[%add3A_148, %dma_start3A_151] : memref<8192x1024xf32, #tpu.memory_space<hbm>> -> memref<16x1024xf32, #tpu.memory_space<hbm>>
    tpu.enqueue_dma source(%arg7 : memref<16x1024xf32, #tpu.memory_space<vmem>>) target(%dma_start3A_152 : memref<16x1024xf32, #tpu.memory_space<hbm>>) target_semaphore(%arg19 : memref<!tpu.dma_semaphore, #tpu.memory_space<semaphore_mem>>)
    %dma_start3A_153 = arith.constant 192 : i32
    %dma_start3A_154 = tpu.memref_slice %arg6[%dma_start3A_153] : memref<256xi32, #tpu.memory_space<vmem>> -> memref<16xi32, #tpu.memory_space<vmem>>
    %dma_start3A_155 = arith.constant 0 : i32
    %dma_start3A_156 = arith.constant 0 : i32
    %dma_start3A_157 = tpu.memref_slice %arg3[%dma_start3A_155, %dma_start3A_156] : memref<100000x1024xf32, #tpu.memory_space<hbm>> -> memref<100000x1024xf32, #tpu.memory_space<hbm>>
    tpu.enqueue_indirect_dma source(%dma_start3A_157 : memref<100000x1024xf32, #tpu.memory_space<hbm>>) target(%arg10 : memref<16x1024xf32, #tpu.memory_space<vmem>>) offsets(%dma_start3A_154 : memref<16xi32, #tpu.memory_space<vmem>>) semaphore(%arg17 : memref<!tpu.dma_semaphore, #tpu.memory_space<semaphore_mem>>)
    %dma_wait3A_158 = arith.constant 64 : i32
    %dma_wait3A_159 = tpu.memref_slice %arg6[%dma_wait3A_158] : memref<256xi32, #tpu.memory_space<vmem>> -> memref<16xi32, #tpu.memory_space<vmem>>
    %dma_wait3A_160 = arith.constant 0 : i32
    %dma_wait3A_161 = arith.constant 0 : i32
    %dma_wait3A_162 = tpu.memref_slice %arg3[%dma_wait3A_160, %dma_wait3A_161] : memref<100000x1024xf32, #tpu.memory_space<hbm>> -> memref<100000x1024xf32, #tpu.memory_space<hbm>>
    tpu.wait_indirect_dma semaphore(%arg15 : memref<!tpu.dma_semaphore, #tpu.memory_space<semaphore_mem>>) src(%dma_wait3A_162 : memref<100000x1024xf32, #tpu.memory_space<hbm>>) dst(%arg8 : memref<16x1024xf32, #tpu.memory_space<vmem>>)
    %scan3A_163 = arith.constant 0 : i32
    %scan3A_164 = arith.constant 16 : i32
    %scan3A_165 = arith.addi %scan3A_163, %scan3A_164 : i32
    %scan3A_166 = arith.constant 1 : i32
    scf.for %scan3A_576 = %scan3A_163 to %scan3A_165 step %scan3A_166  : i32 {
      %mul3A_577 = arith.constant 1 : i32
      %mul3A_578 = arith.muli %scan3A_576, %mul3A_577 : i32
      %add3A_579 = arith.constant 0 : i32
      %add3A_580 = arith.addi %add3A_579, %mul3A_578 : i32
      %parallel_loop3A = arith.constant 0 : i32
      %parallel_loop3A_581 = arith.constant 1024 : i32
      %parallel_loop3A_582 = arith.constant 16 : i32
      scf.for %parallel_loop3A_583 = %parallel_loop3A to %parallel_loop3A_581 step %parallel_loop3A_582  : i32 {
        %parallel_loop3A_584 = arith.index_cast %add3A_580 : i32 to index
        %parallel_loop3A_585 = arith.index_cast %parallel_loop3A_583 : i32 to index
        %parallel_loop3A_586 = tpu.vector_load %arg8[%parallel_loop3A_584, %parallel_loop3A_585] {strides = array<i32>} : memref<16x1024xf32, #tpu.memory_space<vmem>>, vector<1x16xf32>,
        %parallel_loop3A_587 = vector.shape_cast %parallel_loop3A_586 : vector<1x16xf32> to vector<16xf32>
        %parallel_loop3A_588 = arith.index_cast %add3A_580 : i32 to index
        %parallel_loop3A_589 = arith.index_cast %parallel_loop3A_583 : i32 to index
        %parallel_loop3A_590 = tpu.vector_load %arg12[%parallel_loop3A_588, %parallel_loop3A_589] {strides = array<i32>} : memref<16x1024xf32, #tpu.memory_space<vmem>>, vector<1x16xf32>,
        %parallel_loop3A_591 = vector.shape_cast %parallel_loop3A_590 : vector<1x16xf32> to vector<16xf32>
        %parallel_loop3A_592 = arith.addf %parallel_loop3A_587, %parallel_loop3A_591 : vector<16xf32>
        %parallel_loop3A_593 = arith.index_cast %add3A_580 : i32 to index
        %parallel_loop3A_594 = arith.index_cast %parallel_loop3A_583 : i32 to index
        %parallel_loop3A_595 = tpu.vector_load %arg8[%parallel_loop3A_593, %parallel_loop3A_594] {strides = array<i32>} : memref<16x1024xf32, #tpu.memory_space<vmem>>, vector<1x16xf32>,
        %parallel_loop3A_596 = vector.shape_cast %parallel_loop3A_595 : vector<1x16xf32> to vector<16xf32>
        %parallel_loop3A_597 = vector.shape_cast %parallel_loop3A_592 : vector<16xf32> to vector<1x16xf32>
        tpu.vector_store %arg8[%parallel_loop3A_593, %parallel_loop3A_594], %parallel_loop3A_597 {strides = array<i32>} : memref<16x1024xf32, #tpu.memory_space<vmem>>, vector<1x16xf32>,
      } {sc.loop_unroll_factor = 8 : i64, sc.parallel_access}
    }
    %scan3A_167 = arith.constant 16 : i32
    %add3A_168 = arith.constant 2048 : i32
    %add3A_169 = arith.addi %add3A_168, %mul3A_2 : i32
    %add3A_170 = arith.constant 0 : i32
    %add3A_171 = arith.addi %add3A_169, %add3A_170 : i32
    %dma_start3A_172 = arith.constant 0 : i32
    %dma_start3A_173 = tpu.memref_slice %arg5[%add3A_171, %dma_start3A_172] : memref<8192x1024xf32, #tpu.memory_space<hbm>> -> memref<16x1024xf32, #tpu.memory_space<hbm>>
    %dma_start3A_174 = arith.constant 0 : i32
    %dma_start3A_175 = tpu.memref_slice %arg5[%add3A_171, %dma_start3A_174] : memref<8192x1024xf32, #tpu.memory_space<hbm>> -> memref<16x1024xf32, #tpu.memory_space<hbm>>
    tpu.enqueue_dma source(%arg8 : memref<16x1024xf32, #tpu.memory_space<vmem>>) target(%dma_start3A_175 : memref<16x1024xf32, #tpu.memory_space<hbm>>) target_semaphore(%arg20 : memref<!tpu.dma_semaphore, #tpu.memory_space<semaphore_mem>>)
    %dma_start3A_176 = arith.constant 16 : i32
    %dma_start3A_177 = tpu.memref_slice %arg6[%dma_start3A_176] : memref<256xi32, #tpu.memory_space<vmem>> -> memref<16xi32, #tpu.memory_space<vmem>>
    %dma_start3A_178 = arith.constant 0 : i32
    %dma_start3A_179 = arith.constant 0 : i32
    %dma_start3A_180 = tpu.memref_slice %arg3[%dma_start3A_178, %dma_start3A_179] : memref<100000x1024xf32, #tpu.memory_space<hbm>> -> memref<100000x1024xf32, #tpu.memory_space<hbm>>
    tpu.enqueue_indirect_dma source(%dma_start3A_180 : memref<100000x1024xf32, #tpu.memory_space<hbm>>) target(%arg11 : memref<16x1024xf32, #tpu.memory_space<vmem>>) offsets(%dma_start3A_177 : memref<16xi32, #tpu.memory_space<vmem>>) semaphore(%arg18 : memref<!tpu.dma_semaphore, #tpu.memory_space<semaphore_mem>>)
    %dma_wait3A_181 = arith.constant 128 : i32
    %dma_wait3A_182 = tpu.memref_slice %arg6[%dma_wait3A_181] : memref<256xi32, #tpu.memory_space<vmem>> -> memref<16xi32, #tpu.memory_space<vmem>>
    %dma_wait3A_183 = arith.constant 0 : i32
    %dma_wait3A_184 = arith.constant 0 : i32
    %dma_wait3A_185 = tpu.memref_slice %arg3[%dma_wait3A_183, %dma_wait3A_184] : memref<100000x1024xf32, #tpu.memory_space<hbm>> -> memref<100000x1024xf32, #tpu.memory_space<hbm>>
    tpu.wait_indirect_dma semaphore(%arg16 : memref<!tpu.dma_semaphore, #tpu.memory_space<semaphore_mem>>) src(%dma_wait3A_185 : memref<100000x1024xf32, #tpu.memory_space<hbm>>) dst(%arg9 : memref<16x1024xf32, #tpu.memory_space<vmem>>)
    %scan3A_186 = arith.constant 0 : i32
    %scan3A_187 = arith.constant 16 : i32
    %scan3A_188 = arith.addi %scan3A_186, %scan3A_187 : i32
    %scan3A_189 = arith.constant 1 : i32
    scf.for %scan3A_576 = %scan3A_186 to %scan3A_188 step %scan3A_189  : i32 {
      %mul3A_577 = arith.constant 1 : i32
      %mul3A_578 = arith.muli %scan3A_576, %mul3A_577 : i32
      %add3A_579 = arith.constant 0 : i32
      %add3A_580 = arith.addi %add3A_579, %mul3A_578 : i32
      %parallel_loop3A = arith.constant 0 : i32
      %parallel_loop3A_581 = arith.constant 1024 : i32
      %parallel_loop3A_582 = arith.constant 16 : i32
      scf.for %parallel_loop3A_583 = %parallel_loop3A to %parallel_loop3A_581 step %parallel_loop3A_582  : i32 {
        %parallel_loop3A_584 = arith.index_cast %add3A_580 : i32 to index
        %parallel_loop3A_585 = arith.index_cast %parallel_loop3A_583 : i32 to index
        %parallel_loop3A_586 = tpu.vector_load %arg9[%parallel_loop3A_584, %parallel_loop3A_585] {strides = array<i32>} : memref<16x1024xf32, #tpu.memory_space<vmem>>, vector<1x16xf32>,
        %parallel_loop3A_587 = vector.shape_cast %parallel_loop3A_586 : vector<1x16xf32> to vector<16xf32>
        %parallel_loop3A_588 = arith.index_cast %add3A_580 : i32 to index
        %parallel_loop3A_589 = arith.index_cast %parallel_loop3A_583 : i32 to index
        %parallel_loop3A_590 = tpu.vector_load %arg12[%parallel_loop3A_588, %parallel_loop3A_589] {strides = array<i32>} : memref<16x1024xf32, #tpu.memory_space<vmem>>, vector<1x16xf32>,
        %parallel_loop3A_591 = vector.shape_cast %parallel_loop3A_590 : vector<1x16xf32> to vector<16xf32>
        %parallel_loop3A_592 = arith.addf %parallel_loop3A_587, %parallel_loop3A_591 : vector<16xf32>
        %parallel_loop3A_593 = arith.index_cast %add3A_580 : i32 to index
        %parallel_loop3A_594 = arith.index_cast %parallel_loop3A_583 : i32 to index
        %parallel_loop3A_595 = tpu.vector_load %arg9[%parallel_loop3A_593, %parallel_loop3A_594] {strides = array<i32>} : memref<16x1024xf32, #tpu.memory_space<vmem>>, vector<1x16xf32>,
        %parallel_loop3A_596 = vector.shape_cast %parallel_loop3A_595 : vector<1x16xf32> to vector<16xf32>
        %parallel_loop3A_597 = vector.shape_cast %parallel_loop3A_592 : vector<16xf32> to vector<1x16xf32>
        tpu.vector_store %arg9[%parallel_loop3A_593, %parallel_loop3A_594], %parallel_loop3A_597 {strides = array<i32>} : memref<16x1024xf32, #tpu.memory_space<vmem>>, vector<1x16xf32>,
      } {sc.loop_unroll_factor = 8 : i64, sc.parallel_access}
    }
    %scan3A_190 = arith.constant 16 : i32
    %add3A_191 = arith.constant 4096 : i32
    %add3A_192 = arith.addi %add3A_191, %mul3A_2 : i32
    %add3A_193 = arith.constant 0 : i32
    %add3A_194 = arith.addi %add3A_192, %add3A_193 : i32
    %dma_start3A_195 = arith.constant 0 : i32
    %dma_start3A_196 = tpu.memref_slice %arg5[%add3A_194, %dma_start3A_195] : memref<8192x1024xf32, #tpu.memory_space<hbm>> -> memref<16x1024xf32, #tpu.memory_space<hbm>>
    %dma_start3A_197 = arith.constant 0 : i32
    %dma_start3A_198 = tpu.memref_slice %arg5[%add3A_194, %dma_start3A_197] : memref<8192x1024xf32, #tpu.memory_space<hbm>> -> memref<16x1024xf32, #tpu.memory_space<hbm>>
    tpu.enqueue_dma source(%arg9 : memref<16x1024xf32, #tpu.memory_space<vmem>>) target(%dma_start3A_198 : memref<16x1024xf32, #tpu.memory_space<hbm>>) target_semaphore(%arg21 : memref<!tpu.dma_semaphore, #tpu.memory_space<semaphore_mem>>)
    %dma_wait3A_199 = arith.constant 0 : i32
    %dma_wait3A_200 = tpu.memref_slice %arg5[%add3A_148, %dma_wait3A_199] : memref<8192x1024xf32, #tpu.memory_space<hbm>> -> memref<16x1024xf32, #tpu.memory_space<hbm>>
    %dma_wait3A_201 = arith.constant 0 : i32
    %dma_wait3A_202 = tpu.memref_slice %arg5[%add3A_148, %dma_wait3A_201] : memref<8192x1024xf32, #tpu.memory_space<hbm>> -> memref<16x1024xf32, #tpu.memory_space<hbm>>
    tpu.wait_dma2 semaphore(%arg19 : memref<!tpu.dma_semaphore, #tpu.memory_space<semaphore_mem>>) src(%arg7 : memref<16x1024xf32, #tpu.memory_space<vmem>>) dst(%dma_wait3A_202 : memref<16x1024xf32, #tpu.memory_space<hbm>>)
    %dma_start3A_203 = arith.constant 80 : i32
    %dma_start3A_204 = tpu.memref_slice %arg6[%dma_start3A_203] : memref<256xi32, #tpu.memory_space<vmem>> -> memref<16xi32, #tpu.memory_space<vmem>>
    %dma_start3A_205 = arith.constant 0 : i32
    %dma_start3A_206 = arith.constant 0 : i32
    %dma_start3A_207 = tpu.memref_slice %arg3[%dma_start3A_205, %dma_start3A_206] : memref<100000x1024xf32, #tpu.memory_space<hbm>> -> memref<100000x1024xf32, #tpu.memory_space<hbm>>
    tpu.enqueue_indirect_dma source(%dma_start3A_207 : memref<100000x1024xf32, #tpu.memory_space<hbm>>) target(%arg7 : memref<16x1024xf32, #tpu.memory_space<vmem>>) offsets(%dma_start3A_204 : memref<16xi32, #tpu.memory_space<vmem>>) semaphore(%arg14 : memref<!tpu.dma_semaphore, #tpu.memory_space<semaphore_mem>>)
    %dma_wait3A_208 = arith.constant 192 : i32
    %dma_wait3A_209 = tpu.memref_slice %arg6[%dma_wait3A_208] : memref<256xi32, #tpu.memory_space<vmem>> -> memref<16xi32, #tpu.memory_space<vmem>>
    %dma_wait3A_210 = arith.constant 0 : i32
    %dma_wait3A_211 = arith.constant 0 : i32
    %dma_wait3A_212 = tpu.memref_slice %arg3[%dma_wait3A_210, %dma_wait3A_211] : memref<100000x1024xf32, #tpu.memory_space<hbm>> -> memref<100000x1024xf32, #tpu.memory_space<hbm>>
    tpu.wait_indirect_dma semaphore(%arg17 : memref<!tpu.dma_semaphore, #tpu.memory_space<semaphore_mem>>) src(%dma_wait3A_212 : memref<100000x1024xf32, #tpu.memory_space<hbm>>) dst(%arg10 : memref<16x1024xf32, #tpu.memory_space<vmem>>)
    %scan3A_213 = arith.constant 0 : i32
    %scan3A_214 = arith.constant 16 : i32
    %scan3A_215 = arith.addi %scan3A_213, %scan3A_214 : i32
    %scan3A_216 = arith.constant 1 : i32
    scf.for %scan3A_576 = %scan3A_213 to %scan3A_215 step %scan3A_216  : i32 {
      %mul3A_577 = arith.constant 1 : i32
      %mul3A_578 = arith.muli %scan3A_576, %mul3A_577 : i32
      %add3A_579 = arith.constant 0 : i32
      %add3A_580 = arith.addi %add3A_579, %mul3A_578 : i32
      %parallel_loop3A = arith.constant 0 : i32
      %parallel_loop3A_581 = arith.constant 1024 : i32
      %parallel_loop3A_582 = arith.constant 16 : i32
      scf.for %parallel_loop3A_583 = %parallel_loop3A to %parallel_loop3A_581 step %parallel_loop3A_582  : i32 {
        %parallel_loop3A_584 = arith.index_cast %add3A_580 : i32 to index
        %parallel_loop3A_585 = arith.index_cast %parallel_loop3A_583 : i32 to index
        %parallel_loop3A_586 = tpu.vector_load %arg10[%parallel_loop3A_584, %parallel_loop3A_585] {strides = array<i32>} : memref<16x1024xf32, #tpu.memory_space<vmem>>, vector<1x16xf32>,
        %parallel_loop3A_587 = vector.shape_cast %parallel_loop3A_586 : vector<1x16xf32> to vector<16xf32>
        %parallel_loop3A_588 = arith.index_cast %add3A_580 : i32 to index
        %parallel_loop3A_589 = arith.index_cast %parallel_loop3A_583 : i32 to index
        %parallel_loop3A_590 = tpu.vector_load %arg12[%parallel_loop3A_588, %parallel_loop3A_589] {strides = array<i32>} : memref<16x1024xf32, #tpu.memory_space<vmem>>, vector<1x16xf32>,
        %parallel_loop3A_591 = vector.shape_cast %parallel_loop3A_590 : vector<1x16xf32> to vector<16xf32>
        %parallel_loop3A_592 = arith.addf %parallel_loop3A_587, %parallel_loop3A_591 : vector<16xf32>
        %parallel_loop3A_593 = arith.index_cast %add3A_580 : i32 to index
        %parallel_loop3A_594 = arith.index_cast %parallel_loop3A_583 : i32 to index
        %parallel_loop3A_595 = tpu.vector_load %arg10[%parallel_loop3A_593, %parallel_loop3A_594] {strides = array<i32>} : memref<16x1024xf32, #tpu.memory_space<vmem>>, vector<1x16xf32>,
        %parallel_loop3A_596 = vector.shape_cast %parallel_loop3A_595 : vector<1x16xf32> to vector<16xf32>
        %parallel_loop3A_597 = vector.shape_cast %parallel_loop3A_592 : vector<16xf32> to vector<1x16xf32>
        tpu.vector_store %arg10[%parallel_loop3A_593, %parallel_loop3A_594], %parallel_loop3A_597 {strides = array<i32>} : memref<16x1024xf32, #tpu.memory_space<vmem>>, vector<1x16xf32>,
      } {sc.loop_unroll_factor = 8 : i64, sc.parallel_access}
    }
    %scan3A_217 = arith.constant 16 : i32
    %add3A_218 = arith.constant 6144 : i32
    %add3A_219 = arith.addi %add3A_218, %mul3A_2 : i32
    %add3A_220 = arith.constant 0 : i32
    %add3A_221 = arith.addi %add3A_219, %add3A_220 : i32
    %dma_start3A_222 = arith.constant 0 : i32
    %dma_start3A_223 = tpu.memref_slice %arg5[%add3A_221, %dma_start3A_222] : memref<8192x1024xf32, #tpu.memory_space<hbm>> -> memref<16x1024xf32, #tpu.memory_space<hbm>>
    %dma_start3A_224 = arith.constant 0 : i32
    %dma_start3A_225 = tpu.memref_slice %arg5[%add3A_221, %dma_start3A_224] : memref<8192x1024xf32, #tpu.memory_space<hbm>> -> memref<16x1024xf32, #tpu.memory_space<hbm>>
    tpu.enqueue_dma source(%arg10 : memref<16x1024xf32, #tpu.memory_space<vmem>>) target(%dma_start3A_225 : memref<16x1024xf32, #tpu.memory_space<hbm>>) target_semaphore(%arg22 : memref<!tpu.dma_semaphore, #tpu.memory_space<semaphore_mem>>)
    %dma_wait3A_226 = arith.constant 0 : i32
    %dma_wait3A_227 = tpu.memref_slice %arg4[%add3A_126, %dma_wait3A_226] : memref<2048x1024xf32, #tpu.memory_space<hbm>> -> memref<16x1024xf32, #tpu.memory_space<hbm>>
    %dma_wait3A_228 = arith.constant 0 : i32
    %dma_wait3A_229 = tpu.memref_slice %arg4[%add3A_126, %dma_wait3A_228] : memref<2048x1024xf32, #tpu.memory_space<hbm>> -> memref<16x1024xf32, #tpu.memory_space<hbm>>
    tpu.wait_dma2 semaphore(%arg25 : memref<!tpu.dma_semaphore, #tpu.memory_space<semaphore_mem>>) src(%dma_wait3A_229 : memref<16x1024xf32, #tpu.memory_space<hbm>>) dst(%arg13 : memref<16x1024xf32, #tpu.memory_space<vmem>>)
    %add3A_230 = arith.constant 32 : i32
    %add3A_231 = arith.addi %mul3A_2, %add3A_230 : i32
    %dma_start3A_232 = arith.constant 0 : i32
    %dma_start3A_233 = tpu.memref_slice %arg4[%add3A_231, %dma_start3A_232] : memref<2048x1024xf32, #tpu.memory_space<hbm>> -> memref<16x1024xf32, #tpu.memory_space<hbm>>
    %dma_start3A_234 = arith.constant 0 : i32
    %dma_start3A_235 = tpu.memref_slice %arg4[%add3A_231, %dma_start3A_234] : memref<2048x1024xf32, #tpu.memory_space<hbm>> -> memref<16x1024xf32, #tpu.memory_space<hbm>>
    tpu.enqueue_dma source(%dma_start3A_235 : memref<16x1024xf32, #tpu.memory_space<hbm>>) target(%arg12 : memref<16x1024xf32, #tpu.memory_space<vmem>>) target_semaphore(%arg24 : memref<!tpu.dma_semaphore, #tpu.memory_space<semaphore_mem>>)
    %dma_wait3A_236 = arith.constant 0 : i32
    %dma_wait3A_237 = tpu.memref_slice %arg5[%add3A_171, %dma_wait3A_236] : memref<8192x1024xf32, #tpu.memory_space<hbm>> -> memref<16x1024xf32, #tpu.memory_space<hbm>>
    %dma_wait3A_238 = arith.constant 0 : i32
    %dma_wait3A_239 = tpu.memref_slice %arg5[%add3A_171, %dma_wait3A_238] : memref<8192x1024xf32, #tpu.memory_space<hbm>> -> memref<16x1024xf32, #tpu.memory_space<hbm>>
    tpu.wait_dma2 semaphore(%arg20 : memref<!tpu.dma_semaphore, #tpu.memory_space<semaphore_mem>>) src(%arg8 : memref<16x1024xf32, #tpu.memory_space<vmem>>) dst(%dma_wait3A_239 : memref<16x1024xf32, #tpu.memory_space<hbm>>)
    %dma_start3A_240 = arith.constant 144 : i32
    %dma_start3A_241 = tpu.memref_slice %arg6[%dma_start3A_240] : memref<256xi32, #tpu.memory_space<vmem>> -> memref<16xi32, #tpu.memory_space<vmem>>
    %dma_start3A_242 = arith.constant 0 : i32
    %dma_start3A_243 = arith.constant 0 : i32
    %dma_start3A_244 = tpu.memref_slice %arg3[%dma_start3A_242, %dma_start3A_243] : memref<100000x1024xf32, #tpu.memory_space<hbm>> -> memref<100000x1024xf32, #tpu.memory_space<hbm>>
    tpu.enqueue_indirect_dma source(%dma_start3A_244 : memref<100000x1024xf32, #tpu.memory_space<hbm>>) target(%arg8 : memref<16x1024xf32, #tpu.memory_space<vmem>>) offsets(%dma_start3A_241 : memref<16xi32, #tpu.memory_space<vmem>>) semaphore(%arg15 : memref<!tpu.dma_semaphore, #tpu.memory_space<semaphore_mem>>)
    %dma_wait3A_245 = arith.constant 16 : i32
    %dma_wait3A_246 = tpu.memref_slice %arg6[%dma_wait3A_245] : memref<256xi32, #tpu.memory_space<vmem>> -> memref<16xi32, #tpu.memory_space<vmem>>
    %dma_wait3A_247 = arith.constant 0 : i32
    %dma_wait3A_248 = arith.constant 0 : i32
    %dma_wait3A_249 = tpu.memref_slice %arg3[%dma_wait3A_247, %dma_wait3A_248] : memref<100000x1024xf32, #tpu.memory_space<hbm>> -> memref<100000x1024xf32, #tpu.memory_space<hbm>>
    tpu.wait_indirect_dma semaphore(%arg18 : memref<!tpu.dma_semaphore, #tpu.memory_space<semaphore_mem>>) src(%dma_wait3A_249 : memref<100000x1024xf32, #tpu.memory_space<hbm>>) dst(%arg11 : memref<16x1024xf32, #tpu.memory_space<vmem>>)
    %scan3A_250 = arith.constant 0 : i32
    %scan3A_251 = arith.constant 16 : i32
    %scan3A_252 = arith.addi %scan3A_250, %scan3A_251 : i32
    %scan3A_253 = arith.constant 1 : i32
    scf.for %scan3A_576 = %scan3A_250 to %scan3A_252 step %scan3A_253  : i32 {
      %mul3A_577 = arith.constant 1 : i32
      %mul3A_578 = arith.muli %scan3A_576, %mul3A_577 : i32
      %add3A_579 = arith.constant 0 : i32
      %add3A_580 = arith.addi %add3A_579, %mul3A_578 : i32
      %parallel_loop3A = arith.constant 0 : i32
      %parallel_loop3A_581 = arith.constant 1024 : i32
      %parallel_loop3A_582 = arith.constant 16 : i32
      scf.for %parallel_loop3A_583 = %parallel_loop3A to %parallel_loop3A_581 step %parallel_loop3A_582  : i32 {
        %parallel_loop3A_584 = arith.index_cast %add3A_580 : i32 to index
        %parallel_loop3A_585 = arith.index_cast %parallel_loop3A_583 : i32 to index
        %parallel_loop3A_586 = tpu.vector_load %arg11[%parallel_loop3A_584, %parallel_loop3A_585] {strides = array<i32>} : memref<16x1024xf32, #tpu.memory_space<vmem>>, vector<1x16xf32>,
        %parallel_loop3A_587 = vector.shape_cast %parallel_loop3A_586 : vector<1x16xf32> to vector<16xf32>
        %parallel_loop3A_588 = arith.index_cast %add3A_580 : i32 to index
        %parallel_loop3A_589 = arith.index_cast %parallel_loop3A_583 : i32 to index
        %parallel_loop3A_590 = tpu.vector_load %arg13[%parallel_loop3A_588, %parallel_loop3A_589] {strides = array<i32>} : memref<16x1024xf32, #tpu.memory_space<vmem>>, vector<1x16xf32>,
        %parallel_loop3A_591 = vector.shape_cast %parallel_loop3A_590 : vector<1x16xf32> to vector<16xf32>
        %parallel_loop3A_592 = arith.addf %parallel_loop3A_587, %parallel_loop3A_591 : vector<16xf32>
        %parallel_loop3A_593 = arith.index_cast %add3A_580 : i32 to index
        %parallel_loop3A_594 = arith.index_cast %parallel_loop3A_583 : i32 to index
        %parallel_loop3A_595 = tpu.vector_load %arg11[%parallel_loop3A_593, %parallel_loop3A_594] {strides = array<i32>} : memref<16x1024xf32, #tpu.memory_space<vmem>>, vector<1x16xf32>,
        %parallel_loop3A_596 = vector.shape_cast %parallel_loop3A_595 : vector<1x16xf32> to vector<16xf32>
        %parallel_loop3A_597 = vector.shape_cast %parallel_loop3A_592 : vector<16xf32> to vector<1x16xf32>
        tpu.vector_store %arg11[%parallel_loop3A_593, %parallel_loop3A_594], %parallel_loop3A_597 {strides = array<i32>} : memref<16x1024xf32, #tpu.memory_space<vmem>>, vector<1x16xf32>,
      } {sc.loop_unroll_factor = 8 : i64, sc.parallel_access}
    }
    %scan3A_254 = arith.constant 16 : i32
    %add3A_255 = arith.constant 0 : i32
    %add3A_256 = arith.addi %add3A_255, %mul3A_2 : i32
    %add3A_257 = arith.constant 16 : i32
    %add3A_258 = arith.addi %add3A_256, %add3A_257 : i32
    %dma_start3A_259 = arith.constant 0 : i32
    %dma_start3A_260 = tpu.memref_slice %arg5[%add3A_258, %dma_start3A_259] : memref<8192x1024xf32, #tpu.memory_space<hbm>> -> memref<16x1024xf32, #tpu.memory_space<hbm>>
    %dma_start3A_261 = arith.constant 0 : i32
    %dma_start3A_262 = tpu.memref_slice %arg5[%add3A_258, %dma_start3A_261] : memref<8192x1024xf32, #tpu.memory_space<hbm>> -> memref<16x1024xf32, #tpu.memory_space<hbm>>
    tpu.enqueue_dma source(%arg11 : memref<16x1024xf32, #tpu.memory_space<vmem>>) target(%dma_start3A_262 : memref<16x1024xf32, #tpu.memory_space<hbm>>) target_semaphore(%arg23 : memref<!tpu.dma_semaphore, #tpu.memory_space<semaphore_mem>>)
    %dma_wait3A_263 = arith.constant 0 : i32
    %dma_wait3A_264 = tpu.memref_slice %arg5[%add3A_194, %dma_wait3A_263] : memref<8192x1024xf32, #tpu.memory_space<hbm>> -> memref<16x1024xf32, #tpu.memory_space<hbm>>
    %dma_wait3A_265 = arith.constant 0 : i32
    %dma_wait3A_266 = tpu.memref_slice %arg5[%add3A_194, %dma_wait3A_265] : memref<8192x1024xf32, #tpu.memory_space<hbm>> -> memref<16x1024xf32, #tpu.memory_space<hbm>>
    tpu.wait_dma2 semaphore(%arg21 : memref<!tpu.dma_semaphore, #tpu.memory_space<semaphore_mem>>) src(%arg9 : memref<16x1024xf32, #tpu.memory_space<vmem>>) dst(%dma_wait3A_266 : memref<16x1024xf32, #tpu.memory_space<hbm>>)
    %dma_start3A_267 = arith.constant 208 : i32
    %dma_start3A_268 = tpu.memref_slice %arg6[%dma_start3A_267] : memref<256xi32, #tpu.memory_space<vmem>> -> memref<16xi32, #tpu.memory_space<vmem>>
    %dma_start3A_269 = arith.constant 0 : i32
    %dma_start3A_270 = arith.constant 0 : i32
    %dma_start3A_271 = tpu.memref_slice %arg3[%dma_start3A_269, %dma_start3A_270] : memref<100000x1024xf32, #tpu.memory_space<hbm>> -> memref<100000x1024xf32, #tpu.memory_space<hbm>>
    tpu.enqueue_indirect_dma source(%dma_start3A_271 : memref<100000x1024xf32, #tpu.memory_space<hbm>>) target(%arg9 : memref<16x1024xf32, #tpu.memory_space<vmem>>) offsets(%dma_start3A_268 : memref<16xi32, #tpu.memory_space<vmem>>) semaphore(%arg16 : memref<!tpu.dma_semaphore, #tpu.memory_space<semaphore_mem>>)
    %dma_wait3A_272 = arith.constant 80 : i32
    %dma_wait3A_273 = tpu.memref_slice %arg6[%dma_wait3A_272] : memref<256xi32, #tpu.memory_space<vmem>> -> memref<16xi32, #tpu.memory_space<vmem>>
    %dma_wait3A_274 = arith.constant 0 : i32
    %dma_wait3A_275 = arith.constant 0 : i32
    %dma_wait3A_276 = tpu.memref_slice %arg3[%dma_wait3A_274, %dma_wait3A_275] : memref<100000x1024xf32, #tpu.memory_space<hbm>> -> memref<100000x1024xf32, #tpu.memory_space<hbm>>
    tpu.wait_indirect_dma semaphore(%arg14 : memref<!tpu.dma_semaphore, #tpu.memory_space<semaphore_mem>>) src(%dma_wait3A_276 : memref<100000x1024xf32, #tpu.memory_space<hbm>>) dst(%arg7 : memref<16x1024xf32, #tpu.memory_space<vmem>>)
    %scan3A_277 = arith.constant 0 : i32
    %scan3A_278 = arith.constant 16 : i32
    %scan3A_279 = arith.addi %scan3A_277, %scan3A_278 : i32
    %scan3A_280 = arith.constant 1 : i32
    scf.for %scan3A_576 = %scan3A_277 to %scan3A_279 step %scan3A_280  : i32 {
      %mul3A_577 = arith.constant 1 : i32
      %mul3A_578 = arith.muli %scan3A_576, %mul3A_577 : i32
      %add3A_579 = arith.constant 0 : i32
      %add3A_580 = arith.addi %add3A_579, %mul3A_578 : i32
      %parallel_loop3A = arith.constant 0 : i32
      %parallel_loop3A_581 = arith.constant 1024 : i32
      %parallel_loop3A_582 = arith.constant 16 : i32
      scf.for %parallel_loop3A_583 = %parallel_loop3A to %parallel_loop3A_581 step %parallel_loop3A_582  : i32 {
        %parallel_loop3A_584 = arith.index_cast %add3A_580 : i32 to index
        %parallel_loop3A_585 = arith.index_cast %parallel_loop3A_583 : i32 to index
        %parallel_loop3A_586 = tpu.vector_load %arg7[%parallel_loop3A_584, %parallel_loop3A_585] {strides = array<i32>} : memref<16x1024xf32, #tpu.memory_space<vmem>>, vector<1x16xf32>,
        %parallel_loop3A_587 = vector.shape_cast %parallel_loop3A_586 : vector<1x16xf32> to vector<16xf32>
        %parallel_loop3A_588 = arith.index_cast %add3A_580 : i32 to index
        %parallel_loop3A_589 = arith.index_cast %parallel_loop3A_583 : i32 to index
        %parallel_loop3A_590 = tpu.vector_load %arg13[%parallel_loop3A_588, %parallel_loop3A_589] {strides = array<i32>} : memref<16x1024xf32, #tpu.memory_space<vmem>>, vector<1x16xf32>,
        %parallel_loop3A_591 = vector.shape_cast %parallel_loop3A_590 : vector<1x16xf32> to vector<16xf32>
        %parallel_loop3A_592 = arith.addf %parallel_loop3A_587, %parallel_loop3A_591 : vector<16xf32>
        %parallel_loop3A_593 = arith.index_cast %add3A_580 : i32 to index
        %parallel_loop3A_594 = arith.index_cast %parallel_loop3A_583 : i32 to index
        %parallel_loop3A_595 = tpu.vector_load %arg7[%parallel_loop3A_593, %parallel_loop3A_594] {strides = array<i32>} : memref<16x1024xf32, #tpu.memory_space<vmem>>, vector<1x16xf32>,
        %parallel_loop3A_596 = vector.shape_cast %parallel_loop3A_595 : vector<1x16xf32> to vector<16xf32>
        %parallel_loop3A_597 = vector.shape_cast %parallel_loop3A_592 : vector<16xf32> to vector<1x16xf32>
        tpu.vector_store %arg7[%parallel_loop3A_593, %parallel_loop3A_594], %parallel_loop3A_597 {strides = array<i32>} : memref<16x1024xf32, #tpu.memory_space<vmem>>, vector<1x16xf32>,
      } {sc.loop_unroll_factor = 8 : i64, sc.parallel_access}
    }
    %scan3A_281 = arith.constant 16 : i32
    %add3A_282 = arith.constant 2048 : i32
    %add3A_283 = arith.addi %add3A_282, %mul3A_2 : i32
    %add3A_284 = arith.constant 16 : i32
    %add3A_285 = arith.addi %add3A_283, %add3A_284 : i32
    %dma_start3A_286 = arith.constant 0 : i32
    %dma_start3A_287 = tpu.memref_slice %arg5[%add3A_285, %dma_start3A_286] : memref<8192x1024xf32, #tpu.memory_space<hbm>> -> memref<16x1024xf32, #tpu.memory_space<hbm>>
    %dma_start3A_288 = arith.constant 0 : i32
    %dma_start3A_289 = tpu.memref_slice %arg5[%add3A_285, %dma_start3A_288] : memref<8192x1024xf32, #tpu.memory_space<hbm>> -> memref<16x1024xf32, #tpu.memory_space<hbm>>
    tpu.enqueue_dma source(%arg7 : memref<16x1024xf32, #tpu.memory_space<vmem>>) target(%dma_start3A_289 : memref<16x1024xf32, #tpu.memory_space<hbm>>) target_semaphore(%arg19 : memref<!tpu.dma_semaphore, #tpu.memory_space<semaphore_mem>>)
    %dma_wait3A_290 = arith.constant 0 : i32
    %dma_wait3A_291 = tpu.memref_slice %arg5[%add3A_221, %dma_wait3A_290] : memref<8192x1024xf32, #tpu.memory_space<hbm>> -> memref<16x1024xf32, #tpu.memory_space<hbm>>
    %dma_wait3A_292 = arith.constant 0 : i32
    %dma_wait3A_293 = tpu.memref_slice %arg5[%add3A_221, %dma_wait3A_292] : memref<8192x1024xf32, #tpu.memory_space<hbm>> -> memref<16x1024xf32, #tpu.memory_space<hbm>>
    tpu.wait_dma2 semaphore(%arg22 : memref<!tpu.dma_semaphore, #tpu.memory_space<semaphore_mem>>) src(%arg10 : memref<16x1024xf32, #tpu.memory_space<vmem>>) dst(%dma_wait3A_293 : memref<16x1024xf32, #tpu.memory_space<hbm>>)
    %dma_start3A_294 = arith.constant 32 : i32
    %dma_start3A_295 = tpu.memref_slice %arg6[%dma_start3A_294] : memref<256xi32, #tpu.memory_space<vmem>> -> memref<16xi32, #tpu.memory_space<vmem>>
    %dma_start3A_296 = arith.constant 0 : i32
    %dma_start3A_297 = arith.constant 0 : i32
    %dma_start3A_298 = tpu.memref_slice %arg3[%dma_start3A_296, %dma_start3A_297] : memref<100000x1024xf32, #tpu.memory_space<hbm>> -> memref<100000x1024xf32, #tpu.memory_space<hbm>>
    tpu.enqueue_indirect_dma source(%dma_start3A_298 : memref<100000x1024xf32, #tpu.memory_space<hbm>>) target(%arg10 : memref<16x1024xf32, #tpu.memory_space<vmem>>) offsets(%dma_start3A_295 : memref<16xi32, #tpu.memory_space<vmem>>) semaphore(%arg17 : memref<!tpu.dma_semaphore, #tpu.memory_space<semaphore_mem>>)
    %dma_wait3A_299 = arith.constant 144 : i32
    %dma_wait3A_300 = tpu.memref_slice %arg6[%dma_wait3A_299] : memref<256xi32, #tpu.memory_space<vmem>> -> memref<16xi32, #tpu.memory_space<vmem>>
    %dma_wait3A_301 = arith.constant 0 : i32
    %dma_wait3A_302 = arith.constant 0 : i32
    %dma_wait3A_303 = tpu.memref_slice %arg3[%dma_wait3A_301, %dma_wait3A_302] : memref<100000x1024xf32, #tpu.memory_space<hbm>> -> memref<100000x1024xf32, #tpu.memory_space<hbm>>
    tpu.wait_indirect_dma semaphore(%arg15 : memref<!tpu.dma_semaphore, #tpu.memory_space<semaphore_mem>>) src(%dma_wait3A_303 : memref<100000x1024xf32, #tpu.memory_space<hbm>>) dst(%arg8 : memref<16x1024xf32, #tpu.memory_space<vmem>>)
    %scan3A_304 = arith.constant 0 : i32
    %scan3A_305 = arith.constant 16 : i32
    %scan3A_306 = arith.addi %scan3A_304, %scan3A_305 : i32
    %scan3A_307 = arith.constant 1 : i32
    scf.for %scan3A_576 = %scan3A_304 to %scan3A_306 step %scan3A_307  : i32 {
      %mul3A_577 = arith.constant 1 : i32
      %mul3A_578 = arith.muli %scan3A_576, %mul3A_577 : i32
      %add3A_579 = arith.constant 0 : i32
      %add3A_580 = arith.addi %add3A_579, %mul3A_578 : i32
      %parallel_loop3A = arith.constant 0 : i32
      %parallel_loop3A_581 = arith.constant 1024 : i32
      %parallel_loop3A_582 = arith.constant 16 : i32
      scf.for %parallel_loop3A_583 = %parallel_loop3A to %parallel_loop3A_581 step %parallel_loop3A_582  : i32 {
        %parallel_loop3A_584 = arith.index_cast %add3A_580 : i32 to index
        %parallel_loop3A_585 = arith.index_cast %parallel_loop3A_583 : i32 to index
        %parallel_loop3A_586 = tpu.vector_load %arg8[%parallel_loop3A_584, %parallel_loop3A_585] {strides = array<i32>} : memref<16x1024xf32, #tpu.memory_space<vmem>>, vector<1x16xf32>,
        %parallel_loop3A_587 = vector.shape_cast %parallel_loop3A_586 : vector<1x16xf32> to vector<16xf32>
        %parallel_loop3A_588 = arith.index_cast %add3A_580 : i32 to index
        %parallel_loop3A_589 = arith.index_cast %parallel_loop3A_583 : i32 to index
        %parallel_loop3A_590 = tpu.vector_load %arg13[%parallel_loop3A_588, %parallel_loop3A_589] {strides = array<i32>} : memref<16x1024xf32, #tpu.memory_space<vmem>>, vector<1x16xf32>,
        %parallel_loop3A_591 = vector.shape_cast %parallel_loop3A_590 : vector<1x16xf32> to vector<16xf32>
        %parallel_loop3A_592 = arith.addf %parallel_loop3A_587, %parallel_loop3A_591 : vector<16xf32>
        %parallel_loop3A_593 = arith.index_cast %add3A_580 : i32 to index
        %parallel_loop3A_594 = arith.index_cast %parallel_loop3A_583 : i32 to index
        %parallel_loop3A_595 = tpu.vector_load %arg8[%parallel_loop3A_593, %parallel_loop3A_594] {strides = array<i32>} : memref<16x1024xf32, #tpu.memory_space<vmem>>, vector<1x16xf32>,
        %parallel_loop3A_596 = vector.shape_cast %parallel_loop3A_595 : vector<1x16xf32> to vector<16xf32>
        %parallel_loop3A_597 = vector.shape_cast %parallel_loop3A_592 : vector<16xf32> to vector<1x16xf32>
        tpu.vector_store %arg8[%parallel_loop3A_593, %parallel_loop3A_594], %parallel_loop3A_597 {strides = array<i32>} : memref<16x1024xf32, #tpu.memory_space<vmem>>, vector<1x16xf32>,
      } {sc.loop_unroll_factor = 8 : i64, sc.parallel_access}
    }
    %scan3A_308 = arith.constant 16 : i32
    %add3A_309 = arith.constant 4096 : i32
    %add3A_310 = arith.addi %add3A_309, %mul3A_2 : i32
    %add3A_311 = arith.constant 16 : i32
    %add3A_312 = arith.addi %add3A_310, %add3A_311 : i32
    %dma_start3A_313 = arith.constant 0 : i32
    %dma_start3A_314 = tpu.memref_slice %arg5[%add3A_312, %dma_start3A_313] : memref<8192x1024xf32, #tpu.memory_space<hbm>> -> memref<16x1024xf32, #tpu.memory_space<hbm>>
    %dma_start3A_315 = arith.constant 0 : i32
    %dma_start3A_316 = tpu.memref_slice %arg5[%add3A_312, %dma_start3A_315] : memref<8192x1024xf32, #tpu.memory_space<hbm>> -> memref<16x1024xf32, #tpu.memory_space<hbm>>
    tpu.enqueue_dma source(%arg8 : memref<16x1024xf32, #tpu.memory_space<vmem>>) target(%dma_start3A_316 : memref<16x1024xf32, #tpu.memory_space<hbm>>) target_semaphore(%arg20 : memref<!tpu.dma_semaphore, #tpu.memory_space<semaphore_mem>>)
    %dma_wait3A_317 = arith.constant 0 : i32
    %dma_wait3A_318 = tpu.memref_slice %arg5[%add3A_258, %dma_wait3A_317] : memref<8192x1024xf32, #tpu.memory_space<hbm>> -> memref<16x1024xf32, #tpu.memory_space<hbm>>
    %dma_wait3A_319 = arith.constant 0 : i32
    %dma_wait3A_320 = tpu.memref_slice %arg5[%add3A_258, %dma_wait3A_319] : memref<8192x1024xf32, #tpu.memory_space<hbm>> -> memref<16x1024xf32, #tpu.memory_space<hbm>>
    tpu.wait_dma2 semaphore(%arg23 : memref<!tpu.dma_semaphore, #tpu.memory_space<semaphore_mem>>) src(%arg11 : memref<16x1024xf32, #tpu.memory_space<vmem>>) dst(%dma_wait3A_320 : memref<16x1024xf32, #tpu.memory_space<hbm>>)
    %dma_start3A_321 = arith.constant 96 : i32
    %dma_start3A_322 = tpu.memref_slice %arg6[%dma_start3A_321] : memref<256xi32, #tpu.memory_space<vmem>> -> memref<16xi32, #tpu.memory_space<vmem>>
    %dma_start3A_323 = arith.constant 0 : i32
    %dma_start3A_324 = arith.constant 0 : i32
    %dma_start3A_325 = tpu.memref_slice %arg3[%dma_start3A_323, %dma_start3A_324] : memref<100000x1024xf32, #tpu.memory_space<hbm>> -> memref<100000x1024xf32, #tpu.memory_space<hbm>>
    tpu.enqueue_indirect_dma source(%dma_start3A_325 : memref<100000x1024xf32, #tpu.memory_space<hbm>>) target(%arg11 : memref<16x1024xf32, #tpu.memory_space<vmem>>) offsets(%dma_start3A_322 : memref<16xi32, #tpu.memory_space<vmem>>) semaphore(%arg18 : memref<!tpu.dma_semaphore, #tpu.memory_space<semaphore_mem>>)
    %dma_wait3A_326 = arith.constant 208 : i32
    %dma_wait3A_327 = tpu.memref_slice %arg6[%dma_wait3A_326] : memref<256xi32, #tpu.memory_space<vmem>> -> memref<16xi32, #tpu.memory_space<vmem>>
    %dma_wait3A_328 = arith.constant 0 : i32
    %dma_wait3A_329 = arith.constant 0 : i32
    %dma_wait3A_330 = tpu.memref_slice %arg3[%dma_wait3A_328, %dma_wait3A_329] : memref<100000x1024xf32, #tpu.memory_space<hbm>> -> memref<100000x1024xf32, #tpu.memory_space<hbm>>
    tpu.wait_indirect_dma semaphore(%arg16 : memref<!tpu.dma_semaphore, #tpu.memory_space<semaphore_mem>>) src(%dma_wait3A_330 : memref<100000x1024xf32, #tpu.memory_space<hbm>>) dst(%arg9 : memref<16x1024xf32, #tpu.memory_space<vmem>>)
    %scan3A_331 = arith.constant 0 : i32
    %scan3A_332 = arith.constant 16 : i32
    %scan3A_333 = arith.addi %scan3A_331, %scan3A_332 : i32
    %scan3A_334 = arith.constant 1 : i32
    scf.for %scan3A_576 = %scan3A_331 to %scan3A_333 step %scan3A_334  : i32 {
      %mul3A_577 = arith.constant 1 : i32
      %mul3A_578 = arith.muli %scan3A_576, %mul3A_577 : i32
      %add3A_579 = arith.constant 0 : i32
      %add3A_580 = arith.addi %add3A_579, %mul3A_578 : i32
      %parallel_loop3A = arith.constant 0 : i32
      %parallel_loop3A_581 = arith.constant 1024 : i32
      %parallel_loop3A_582 = arith.constant 16 : i32
      scf.for %parallel_loop3A_583 = %parallel_loop3A to %parallel_loop3A_581 step %parallel_loop3A_582  : i32 {
        %parallel_loop3A_584 = arith.index_cast %add3A_580 : i32 to index
        %parallel_loop3A_585 = arith.index_cast %parallel_loop3A_583 : i32 to index
        %parallel_loop3A_586 = tpu.vector_load %arg9[%parallel_loop3A_584, %parallel_loop3A_585] {strides = array<i32>} : memref<16x1024xf32, #tpu.memory_space<vmem>>, vector<1x16xf32>,
        %parallel_loop3A_587 = vector.shape_cast %parallel_loop3A_586 : vector<1x16xf32> to vector<16xf32>
        %parallel_loop3A_588 = arith.index_cast %add3A_580 : i32 to index
        %parallel_loop3A_589 = arith.index_cast %parallel_loop3A_583 : i32 to index
        %parallel_loop3A_590 = tpu.vector_load %arg13[%parallel_loop3A_588, %parallel_loop3A_589] {strides = array<i32>} : memref<16x1024xf32, #tpu.memory_space<vmem>>, vector<1x16xf32>,
        %parallel_loop3A_591 = vector.shape_cast %parallel_loop3A_590 : vector<1x16xf32> to vector<16xf32>
        %parallel_loop3A_592 = arith.addf %parallel_loop3A_587, %parallel_loop3A_591 : vector<16xf32>
        %parallel_loop3A_593 = arith.index_cast %add3A_580 : i32 to index
        %parallel_loop3A_594 = arith.index_cast %parallel_loop3A_583 : i32 to index
        %parallel_loop3A_595 = tpu.vector_load %arg9[%parallel_loop3A_593, %parallel_loop3A_594] {strides = array<i32>} : memref<16x1024xf32, #tpu.memory_space<vmem>>, vector<1x16xf32>,
        %parallel_loop3A_596 = vector.shape_cast %parallel_loop3A_595 : vector<1x16xf32> to vector<16xf32>
        %parallel_loop3A_597 = vector.shape_cast %parallel_loop3A_592 : vector<16xf32> to vector<1x16xf32>
        tpu.vector_store %arg9[%parallel_loop3A_593, %parallel_loop3A_594], %parallel_loop3A_597 {strides = array<i32>} : memref<16x1024xf32, #tpu.memory_space<vmem>>, vector<1x16xf32>,
      } {sc.loop_unroll_factor = 8 : i64, sc.parallel_access}
    }
    %scan3A_335 = arith.constant 16 : i32
    %add3A_336 = arith.constant 6144 : i32
    %add3A_337 = arith.addi %add3A_336, %mul3A_2 : i32
    %add3A_338 = arith.constant 16 : i32
    %add3A_339 = arith.addi %add3A_337, %add3A_338 : i32
    %dma_start3A_340 = arith.constant 0 : i32
    %dma_start3A_341 = tpu.memref_slice %arg5[%add3A_339, %dma_start3A_340] : memref<8192x1024xf32, #tpu.memory_space<hbm>> -> memref<16x1024xf32, #tpu.memory_space<hbm>>
    %dma_start3A_342 = arith.constant 0 : i32
    %dma_start3A_343 = tpu.memref_slice %arg5[%add3A_339, %dma_start3A_342] : memref<8192x1024xf32, #tpu.memory_space<hbm>> -> memref<16x1024xf32, #tpu.memory_space<hbm>>
    tpu.enqueue_dma source(%arg9 : memref<16x1024xf32, #tpu.memory_space<vmem>>) target(%dma_start3A_343 : memref<16x1024xf32, #tpu.memory_space<hbm>>) target_semaphore(%arg21 : memref<!tpu.dma_semaphore, #tpu.memory_space<semaphore_mem>>)
    %dma_wait3A_344 = arith.constant 0 : i32
    %dma_wait3A_345 = tpu.memref_slice %arg4[%add3A_231, %dma_wait3A_344] : memref<2048x1024xf32, #tpu.memory_space<hbm>> -> memref<16x1024xf32, #tpu.memory_space<hbm>>
    %dma_wait3A_346 = arith.constant 0 : i32
    %dma_wait3A_347 = tpu.memref_slice %arg4[%add3A_231, %dma_wait3A_346] : memref<2048x1024xf32, #tpu.memory_space<hbm>> -> memref<16x1024xf32, #tpu.memory_space<hbm>>
    tpu.wait_dma2 semaphore(%arg24 : memref<!tpu.dma_semaphore, #tpu.memory_space<semaphore_mem>>) src(%dma_wait3A_347 : memref<16x1024xf32, #tpu.memory_space<hbm>>) dst(%arg12 : memref<16x1024xf32, #tpu.memory_space<vmem>>)
    %add3A_348 = arith.constant 48 : i32
    %add3A_349 = arith.addi %mul3A_2, %add3A_348 : i32
    %dma_start3A_350 = arith.constant 0 : i32
    %dma_start3A_351 = tpu.memref_slice %arg4[%add3A_349, %dma_start3A_350] : memref<2048x1024xf32, #tpu.memory_space<hbm>> -> memref<16x1024xf32, #tpu.memory_space<hbm>>
    %dma_start3A_352 = arith.constant 0 : i32
    %dma_start3A_353 = tpu.memref_slice %arg4[%add3A_349, %dma_start3A_352] : memref<2048x1024xf32, #tpu.memory_space<hbm>> -> memref<16x1024xf32, #tpu.memory_space<hbm>>
    tpu.enqueue_dma source(%dma_start3A_353 : memref<16x1024xf32, #tpu.memory_space<hbm>>) target(%arg13 : memref<16x1024xf32, #tpu.memory_space<vmem>>) target_semaphore(%arg25 : memref<!tpu.dma_semaphore, #tpu.memory_space<semaphore_mem>>)
    %dma_wait3A_354 = arith.constant 0 : i32
    %dma_wait3A_355 = tpu.memref_slice %arg5[%add3A_285, %dma_wait3A_354] : memref<8192x1024xf32, #tpu.memory_space<hbm>> -> memref<16x1024xf32, #tpu.memory_space<hbm>>
    %dma_wait3A_356 = arith.constant 0 : i32
    %dma_wait3A_357 = tpu.memref_slice %arg5[%add3A_285, %dma_wait3A_356] : memref<8192x1024xf32, #tpu.memory_space<hbm>> -> memref<16x1024xf32, #tpu.memory_space<hbm>>
    tpu.wait_dma2 semaphore(%arg19 : memref<!tpu.dma_semaphore, #tpu.memory_space<semaphore_mem>>) src(%arg7 : memref<16x1024xf32, #tpu.memory_space<vmem>>) dst(%dma_wait3A_357 : memref<16x1024xf32, #tpu.memory_space<hbm>>)
    %dma_start3A_358 = arith.constant 160 : i32
    %dma_start3A_359 = tpu.memref_slice %arg6[%dma_start3A_358] : memref<256xi32, #tpu.memory_space<vmem>> -> memref<16xi32, #tpu.memory_space<vmem>>
    %dma_start3A_360 = arith.constant 0 : i32
    %dma_start3A_361 = arith.constant 0 : i32
    %dma_start3A_362 = tpu.memref_slice %arg3[%dma_start3A_360, %dma_start3A_361] : memref<100000x1024xf32, #tpu.memory_space<hbm>> -> memref<100000x1024xf32, #tpu.memory_space<hbm>>
    tpu.enqueue_indirect_dma source(%dma_start3A_362 : memref<100000x1024xf32, #tpu.memory_space<hbm>>) target(%arg7 : memref<16x1024xf32, #tpu.memory_space<vmem>>) offsets(%dma_start3A_359 : memref<16xi32, #tpu.memory_space<vmem>>) semaphore(%arg14 : memref<!tpu.dma_semaphore, #tpu.memory_space<semaphore_mem>>)
    %dma_wait3A_363 = arith.constant 32 : i32
    %dma_wait3A_364 = tpu.memref_slice %arg6[%dma_wait3A_363] : memref<256xi32, #tpu.memory_space<vmem>> -> memref<16xi32, #tpu.memory_space<vmem>>
    %dma_wait3A_365 = arith.constant 0 : i32
    %dma_wait3A_366 = arith.constant 0 : i32
    %dma_wait3A_367 = tpu.memref_slice %arg3[%dma_wait3A_365, %dma_wait3A_366] : memref<100000x1024xf32, #tpu.memory_space<hbm>> -> memref<100000x1024xf32, #tpu.memory_space<hbm>>
    tpu.wait_indirect_dma semaphore(%arg17 : memref<!tpu.dma_semaphore, #tpu.memory_space<semaphore_mem>>) src(%dma_wait3A_367 : memref<100000x1024xf32, #tpu.memory_space<hbm>>) dst(%arg10 : memref<16x1024xf32, #tpu.memory_space<vmem>>)
    %scan3A_368 = arith.constant 0 : i32
    %scan3A_369 = arith.constant 16 : i32
    %scan3A_370 = arith.addi %scan3A_368, %scan3A_369 : i32
    %scan3A_371 = arith.constant 1 : i32
    scf.for %scan3A_576 = %scan3A_368 to %scan3A_370 step %scan3A_371  : i32 {
      %mul3A_577 = arith.constant 1 : i32
      %mul3A_578 = arith.muli %scan3A_576, %mul3A_577 : i32
      %add3A_579 = arith.constant 0 : i32
      %add3A_580 = arith.addi %add3A_579, %mul3A_578 : i32
      %parallel_loop3A = arith.constant 0 : i32
      %parallel_loop3A_581 = arith.constant 1024 : i32
      %parallel_loop3A_582 = arith.constant 16 : i32
      scf.for %parallel_loop3A_583 = %parallel_loop3A to %parallel_loop3A_581 step %parallel_loop3A_582  : i32 {
        %parallel_loop3A_584 = arith.index_cast %add3A_580 : i32 to index
        %parallel_loop3A_585 = arith.index_cast %parallel_loop3A_583 : i32 to index
        %parallel_loop3A_586 = tpu.vector_load %arg10[%parallel_loop3A_584, %parallel_loop3A_585] {strides = array<i32>} : memref<16x1024xf32, #tpu.memory_space<vmem>>, vector<1x16xf32>,
        %parallel_loop3A_587 = vector.shape_cast %parallel_loop3A_586 : vector<1x16xf32> to vector<16xf32>
        %parallel_loop3A_588 = arith.index_cast %add3A_580 : i32 to index
        %parallel_loop3A_589 = arith.index_cast %parallel_loop3A_583 : i32 to index
        %parallel_loop3A_590 = tpu.vector_load %arg12[%parallel_loop3A_588, %parallel_loop3A_589] {strides = array<i32>} : memref<16x1024xf32, #tpu.memory_space<vmem>>, vector<1x16xf32>,
        %parallel_loop3A_591 = vector.shape_cast %parallel_loop3A_590 : vector<1x16xf32> to vector<16xf32>
        %parallel_loop3A_592 = arith.addf %parallel_loop3A_587, %parallel_loop3A_591 : vector<16xf32>
        %parallel_loop3A_593 = arith.index_cast %add3A_580 : i32 to index
        %parallel_loop3A_594 = arith.index_cast %parallel_loop3A_583 : i32 to index
        %parallel_loop3A_595 = tpu.vector_load %arg10[%parallel_loop3A_593, %parallel_loop3A_594] {strides = array<i32>} : memref<16x1024xf32, #tpu.memory_space<vmem>>, vector<1x16xf32>,
        %parallel_loop3A_596 = vector.shape_cast %parallel_loop3A_595 : vector<1x16xf32> to vector<16xf32>
        %parallel_loop3A_597 = vector.shape_cast %parallel_loop3A_592 : vector<16xf32> to vector<1x16xf32>
        tpu.vector_store %arg10[%parallel_loop3A_593, %parallel_loop3A_594], %parallel_loop3A_597 {strides = array<i32>} : memref<16x1024xf32, #tpu.memory_space<vmem>>, vector<1x16xf32>,
      } {sc.loop_unroll_factor = 8 : i64, sc.parallel_access}
    }
    %scan3A_372 = arith.constant 16 : i32
    %add3A_373 = arith.constant 0 : i32
    %add3A_374 = arith.addi %add3A_373, %mul3A_2 : i32
    %add3A_375 = arith.constant 32 : i32
    %add3A_376 = arith.addi %add3A_374, %add3A_375 : i32
    %dma_start3A_377 = arith.constant 0 : i32
    %dma_start3A_378 = tpu.memref_slice %arg5[%add3A_376, %dma_start3A_377] : memref<8192x1024xf32, #tpu.memory_space<hbm>> -> memref<16x1024xf32, #tpu.memory_space<hbm>>
    %dma_start3A_379 = arith.constant 0 : i32
    %dma_start3A_380 = tpu.memref_slice %arg5[%add3A_376, %dma_start3A_379] : memref<8192x1024xf32, #tpu.memory_space<hbm>> -> memref<16x1024xf32, #tpu.memory_space<hbm>>
    tpu.enqueue_dma source(%arg10 : memref<16x1024xf32, #tpu.memory_space<vmem>>) target(%dma_start3A_380 : memref<16x1024xf32, #tpu.memory_space<hbm>>) target_semaphore(%arg22 : memref<!tpu.dma_semaphore, #tpu.memory_space<semaphore_mem>>)
    %dma_wait3A_381 = arith.constant 0 : i32
    %dma_wait3A_382 = tpu.memref_slice %arg5[%add3A_312, %dma_wait3A_381] : memref<8192x1024xf32, #tpu.memory_space<hbm>> -> memref<16x1024xf32, #tpu.memory_space<hbm>>
    %dma_wait3A_383 = arith.constant 0 : i32
    %dma_wait3A_384 = tpu.memref_slice %arg5[%add3A_312, %dma_wait3A_383] : memref<8192x1024xf32, #tpu.memory_space<hbm>> -> memref<16x1024xf32, #tpu.memory_space<hbm>>
    tpu.wait_dma2 semaphore(%arg20 : memref<!tpu.dma_semaphore, #tpu.memory_space<semaphore_mem>>) src(%arg8 : memref<16x1024xf32, #tpu.memory_space<vmem>>) dst(%dma_wait3A_384 : memref<16x1024xf32, #tpu.memory_space<hbm>>)
    %dma_start3A_385 = arith.constant 224 : i32
    %dma_start3A_386 = tpu.memref_slice %arg6[%dma_start3A_385] : memref<256xi32, #tpu.memory_space<vmem>> -> memref<16xi32, #tpu.memory_space<vmem>>
    %dma_start3A_387 = arith.constant 0 : i32
    %dma_start3A_388 = arith.constant 0 : i32
    %dma_start3A_389 = tpu.memref_slice %arg3[%dma_start3A_387, %dma_start3A_388] : memref<100000x1024xf32, #tpu.memory_space<hbm>> -> memref<100000x1024xf32, #tpu.memory_space<hbm>>
    tpu.enqueue_indirect_dma source(%dma_start3A_389 : memref<100000x1024xf32, #tpu.memory_space<hbm>>) target(%arg8 : memref<16x1024xf32, #tpu.memory_space<vmem>>) offsets(%dma_start3A_386 : memref<16xi32, #tpu.memory_space<vmem>>) semaphore(%arg15 : memref<!tpu.dma_semaphore, #tpu.memory_space<semaphore_mem>>)
    %dma_wait3A_390 = arith.constant 96 : i32
    %dma_wait3A_391 = tpu.memref_slice %arg6[%dma_wait3A_390] : memref<256xi32, #tpu.memory_space<vmem>> -> memref<16xi32, #tpu.memory_space<vmem>>
    %dma_wait3A_392 = arith.constant 0 : i32
    %dma_wait3A_393 = arith.constant 0 : i32
    %dma_wait3A_394 = tpu.memref_slice %arg3[%dma_wait3A_392, %dma_wait3A_393] : memref<100000x1024xf32, #tpu.memory_space<hbm>> -> memref<100000x1024xf32, #tpu.memory_space<hbm>>
    tpu.wait_indirect_dma semaphore(%arg18 : memref<!tpu.dma_semaphore, #tpu.memory_space<semaphore_mem>>) src(%dma_wait3A_394 : memref<100000x1024xf32, #tpu.memory_space<hbm>>) dst(%arg11 : memref<16x1024xf32, #tpu.memory_space<vmem>>)
    %scan3A_395 = arith.constant 0 : i32
    %scan3A_396 = arith.constant 16 : i32
    %scan3A_397 = arith.addi %scan3A_395, %scan3A_396 : i32
    %scan3A_398 = arith.constant 1 : i32
    scf.for %scan3A_576 = %scan3A_395 to %scan3A_397 step %scan3A_398  : i32 {
      %mul3A_577 = arith.constant 1 : i32
      %mul3A_578 = arith.muli %scan3A_576, %mul3A_577 : i32
      %add3A_579 = arith.constant 0 : i32
      %add3A_580 = arith.addi %add3A_579, %mul3A_578 : i32
      %parallel_loop3A = arith.constant 0 : i32
      %parallel_loop3A_581 = arith.constant 1024 : i32
      %parallel_loop3A_582 = arith.constant 16 : i32
      scf.for %parallel_loop3A_583 = %parallel_loop3A to %parallel_loop3A_581 step %parallel_loop3A_582  : i32 {
        %parallel_loop3A_584 = arith.index_cast %add3A_580 : i32 to index
        %parallel_loop3A_585 = arith.index_cast %parallel_loop3A_583 : i32 to index
        %parallel_loop3A_586 = tpu.vector_load %arg11[%parallel_loop3A_584, %parallel_loop3A_585] {strides = array<i32>} : memref<16x1024xf32, #tpu.memory_space<vmem>>, vector<1x16xf32>,
        %parallel_loop3A_587 = vector.shape_cast %parallel_loop3A_586 : vector<1x16xf32> to vector<16xf32>
        %parallel_loop3A_588 = arith.index_cast %add3A_580 : i32 to index
        %parallel_loop3A_589 = arith.index_cast %parallel_loop3A_583 : i32 to index
        %parallel_loop3A_590 = tpu.vector_load %arg12[%parallel_loop3A_588, %parallel_loop3A_589] {strides = array<i32>} : memref<16x1024xf32, #tpu.memory_space<vmem>>, vector<1x16xf32>,
        %parallel_loop3A_591 = vector.shape_cast %parallel_loop3A_590 : vector<1x16xf32> to vector<16xf32>
        %parallel_loop3A_592 = arith.addf %parallel_loop3A_587, %parallel_loop3A_591 : vector<16xf32>
        %parallel_loop3A_593 = arith.index_cast %add3A_580 : i32 to index
        %parallel_loop3A_594 = arith.index_cast %parallel_loop3A_583 : i32 to index
        %parallel_loop3A_595 = tpu.vector_load %arg11[%parallel_loop3A_593, %parallel_loop3A_594] {strides = array<i32>} : memref<16x1024xf32, #tpu.memory_space<vmem>>, vector<1x16xf32>,
        %parallel_loop3A_596 = vector.shape_cast %parallel_loop3A_595 : vector<1x16xf32> to vector<16xf32>
        %parallel_loop3A_597 = vector.shape_cast %parallel_loop3A_592 : vector<16xf32> to vector<1x16xf32>
        tpu.vector_store %arg11[%parallel_loop3A_593, %parallel_loop3A_594], %parallel_loop3A_597 {strides = array<i32>} : memref<16x1024xf32, #tpu.memory_space<vmem>>, vector<1x16xf32>,
      } {sc.loop_unroll_factor = 8 : i64, sc.parallel_access}
    }
    %scan3A_399 = arith.constant 16 : i32
    %add3A_400 = arith.constant 2048 : i32
    %add3A_401 = arith.addi %add3A_400, %mul3A_2 : i32
    %add3A_402 = arith.constant 32 : i32
    %add3A_403 = arith.addi %add3A_401, %add3A_402 : i32
    %dma_start3A_404 = arith.constant 0 : i32
    %dma_start3A_405 = tpu.memref_slice %arg5[%add3A_403, %dma_start3A_404] : memref<8192x1024xf32, #tpu.memory_space<hbm>> -> memref<16x1024xf32, #tpu.memory_space<hbm>>
    %dma_start3A_406 = arith.constant 0 : i32
    %dma_start3A_407 = tpu.memref_slice %arg5[%add3A_403, %dma_start3A_406] : memref<8192x1024xf32, #tpu.memory_space<hbm>> -> memref<16x1024xf32, #tpu.memory_space<hbm>>
    tpu.enqueue_dma source(%arg11 : memref<16x1024xf32, #tpu.memory_space<vmem>>) target(%dma_start3A_407 : memref<16x1024xf32, #tpu.memory_space<hbm>>) target_semaphore(%arg23 : memref<!tpu.dma_semaphore, #tpu.memory_space<semaphore_mem>>)
    %dma_wait3A_408 = arith.constant 0 : i32
    %dma_wait3A_409 = tpu.memref_slice %arg5[%add3A_339, %dma_wait3A_408] : memref<8192x1024xf32, #tpu.memory_space<hbm>> -> memref<16x1024xf32, #tpu.memory_space<hbm>>
    %dma_wait3A_410 = arith.constant 0 : i32
    %dma_wait3A_411 = tpu.memref_slice %arg5[%add3A_339, %dma_wait3A_410] : memref<8192x1024xf32, #tpu.memory_space<hbm>> -> memref<16x1024xf32, #tpu.memory_space<hbm>>
    tpu.wait_dma2 semaphore(%arg21 : memref<!tpu.dma_semaphore, #tpu.memory_space<semaphore_mem>>) src(%arg9 : memref<16x1024xf32, #tpu.memory_space<vmem>>) dst(%dma_wait3A_411 : memref<16x1024xf32, #tpu.memory_space<hbm>>)
    %dma_start3A_412 = arith.constant 48 : i32
    %dma_start3A_413 = tpu.memref_slice %arg6[%dma_start3A_412] : memref<256xi32, #tpu.memory_space<vmem>> -> memref<16xi32, #tpu.memory_space<vmem>>
    %dma_start3A_414 = arith.constant 0 : i32
    %dma_start3A_415 = arith.constant 0 : i32
    %dma_start3A_416 = tpu.memref_slice %arg3[%dma_start3A_414, %dma_start3A_415] : memref<100000x1024xf32, #tpu.memory_space<hbm>> -> memref<100000x1024xf32, #tpu.memory_space<hbm>>
    tpu.enqueue_indirect_dma source(%dma_start3A_416 : memref<100000x1024xf32, #tpu.memory_space<hbm>>) target(%arg9 : memref<16x1024xf32, #tpu.memory_space<vmem>>) offsets(%dma_start3A_413 : memref<16xi32, #tpu.memory_space<vmem>>) semaphore(%arg16 : memref<!tpu.dma_semaphore, #tpu.memory_space<semaphore_mem>>)
    %dma_wait3A_417 = arith.constant 160 : i32
    %dma_wait3A_418 = tpu.memref_slice %arg6[%dma_wait3A_417] : memref<256xi32, #tpu.memory_space<vmem>> -> memref<16xi32, #tpu.memory_space<vmem>>
    %dma_wait3A_419 = arith.constant 0 : i32
    %dma_wait3A_420 = arith.constant 0 : i32
    %dma_wait3A_421 = tpu.memref_slice %arg3[%dma_wait3A_419, %dma_wait3A_420] : memref<100000x1024xf32, #tpu.memory_space<hbm>> -> memref<100000x1024xf32, #tpu.memory_space<hbm>>
    tpu.wait_indirect_dma semaphore(%arg14 : memref<!tpu.dma_semaphore, #tpu.memory_space<semaphore_mem>>) src(%dma_wait3A_421 : memref<100000x1024xf32, #tpu.memory_space<hbm>>) dst(%arg7 : memref<16x1024xf32, #tpu.memory_space<vmem>>)
    %scan3A_422 = arith.constant 0 : i32
    %scan3A_423 = arith.constant 16 : i32
    %scan3A_424 = arith.addi %scan3A_422, %scan3A_423 : i32
    %scan3A_425 = arith.constant 1 : i32
    scf.for %scan3A_576 = %scan3A_422 to %scan3A_424 step %scan3A_425  : i32 {
      %mul3A_577 = arith.constant 1 : i32
      %mul3A_578 = arith.muli %scan3A_576, %mul3A_577 : i32
      %add3A_579 = arith.constant 0 : i32
      %add3A_580 = arith.addi %add3A_579, %mul3A_578 : i32
      %parallel_loop3A = arith.constant 0 : i32
      %parallel_loop3A_581 = arith.constant 1024 : i32
      %parallel_loop3A_582 = arith.constant 16 : i32
      scf.for %parallel_loop3A_583 = %parallel_loop3A to %parallel_loop3A_581 step %parallel_loop3A_582  : i32 {
        %parallel_loop3A_584 = arith.index_cast %add3A_580 : i32 to index
        %parallel_loop3A_585 = arith.index_cast %parallel_loop3A_583 : i32 to index
        %parallel_loop3A_586 = tpu.vector_load %arg7[%parallel_loop3A_584, %parallel_loop3A_585] {strides = array<i32>} : memref<16x1024xf32, #tpu.memory_space<vmem>>, vector<1x16xf32>,
        %parallel_loop3A_587 = vector.shape_cast %parallel_loop3A_586 : vector<1x16xf32> to vector<16xf32>
        %parallel_loop3A_588 = arith.index_cast %add3A_580 : i32 to index
        %parallel_loop3A_589 = arith.index_cast %parallel_loop3A_583 : i32 to index
        %parallel_loop3A_590 = tpu.vector_load %arg12[%parallel_loop3A_588, %parallel_loop3A_589] {strides = array<i32>} : memref<16x1024xf32, #tpu.memory_space<vmem>>, vector<1x16xf32>,
        %parallel_loop3A_591 = vector.shape_cast %parallel_loop3A_590 : vector<1x16xf32> to vector<16xf32>
        %parallel_loop3A_592 = arith.addf %parallel_loop3A_587, %parallel_loop3A_591 : vector<16xf32>
        %parallel_loop3A_593 = arith.index_cast %add3A_580 : i32 to index
        %parallel_loop3A_594 = arith.index_cast %parallel_loop3A_583 : i32 to index
        %parallel_loop3A_595 = tpu.vector_load %arg7[%parallel_loop3A_593, %parallel_loop3A_594] {strides = array<i32>} : memref<16x1024xf32, #tpu.memory_space<vmem>>, vector<1x16xf32>,
        %parallel_loop3A_596 = vector.shape_cast %parallel_loop3A_595 : vector<1x16xf32> to vector<16xf32>
        %parallel_loop3A_597 = vector.shape_cast %parallel_loop3A_592 : vector<16xf32> to vector<1x16xf32>
        tpu.vector_store %arg7[%parallel_loop3A_593, %parallel_loop3A_594], %parallel_loop3A_597 {strides = array<i32>} : memref<16x1024xf32, #tpu.memory_space<vmem>>, vector<1x16xf32>,
      } {sc.loop_unroll_factor = 8 : i64, sc.parallel_access}
    }
    %scan3A_426 = arith.constant 16 : i32
    %add3A_427 = arith.constant 4096 : i32
    %add3A_428 = arith.addi %add3A_427, %mul3A_2 : i32
    %add3A_429 = arith.constant 32 : i32
    %add3A_430 = arith.addi %add3A_428, %add3A_429 : i32
    %dma_start3A_431 = arith.constant 0 : i32
    %dma_start3A_432 = tpu.memref_slice %arg5[%add3A_430, %dma_start3A_431] : memref<8192x1024xf32, #tpu.memory_space<hbm>> -> memref<16x1024xf32, #tpu.memory_space<hbm>>
    %dma_start3A_433 = arith.constant 0 : i32
    %dma_start3A_434 = tpu.memref_slice %arg5[%add3A_430, %dma_start3A_433] : memref<8192x1024xf32, #tpu.memory_space<hbm>> -> memref<16x1024xf32, #tpu.memory_space<hbm>>
    tpu.enqueue_dma source(%arg7 : memref<16x1024xf32, #tpu.memory_space<vmem>>) target(%dma_start3A_434 : memref<16x1024xf32, #tpu.memory_space<hbm>>) target_semaphore(%arg19 : memref<!tpu.dma_semaphore, #tpu.memory_space<semaphore_mem>>)
    %dma_wait3A_435 = arith.constant 0 : i32
    %dma_wait3A_436 = tpu.memref_slice %arg5[%add3A_376, %dma_wait3A_435] : memref<8192x1024xf32, #tpu.memory_space<hbm>> -> memref<16x1024xf32, #tpu.memory_space<hbm>>
    %dma_wait3A_437 = arith.constant 0 : i32
    %dma_wait3A_438 = tpu.memref_slice %arg5[%add3A_376, %dma_wait3A_437] : memref<8192x1024xf32, #tpu.memory_space<hbm>> -> memref<16x1024xf32, #tpu.memory_space<hbm>>
    tpu.wait_dma2 semaphore(%arg22 : memref<!tpu.dma_semaphore, #tpu.memory_space<semaphore_mem>>) src(%arg10 : memref<16x1024xf32, #tpu.memory_space<vmem>>) dst(%dma_wait3A_438 : memref<16x1024xf32, #tpu.memory_space<hbm>>)
    %dma_start3A_439 = arith.constant 112 : i32
    %dma_start3A_440 = tpu.memref_slice %arg6[%dma_start3A_439] : memref<256xi32, #tpu.memory_space<vmem>> -> memref<16xi32, #tpu.memory_space<vmem>>
    %dma_start3A_441 = arith.constant 0 : i32
    %dma_start3A_442 = arith.constant 0 : i32
    %dma_start3A_443 = tpu.memref_slice %arg3[%dma_start3A_441, %dma_start3A_442] : memref<100000x1024xf32, #tpu.memory_space<hbm>> -> memref<100000x1024xf32, #tpu.memory_space<hbm>>
    tpu.enqueue_indirect_dma source(%dma_start3A_443 : memref<100000x1024xf32, #tpu.memory_space<hbm>>) target(%arg10 : memref<16x1024xf32, #tpu.memory_space<vmem>>) offsets(%dma_start3A_440 : memref<16xi32, #tpu.memory_space<vmem>>) semaphore(%arg17 : memref<!tpu.dma_semaphore, #tpu.memory_space<semaphore_mem>>)
    %dma_wait3A_444 = arith.constant 224 : i32
    %dma_wait3A_445 = tpu.memref_slice %arg6[%dma_wait3A_444] : memref<256xi32, #tpu.memory_space<vmem>> -> memref<16xi32, #tpu.memory_space<vmem>>
    %dma_wait3A_446 = arith.constant 0 : i32
    %dma_wait3A_447 = arith.constant 0 : i32
    %dma_wait3A_448 = tpu.memref_slice %arg3[%dma_wait3A_446, %dma_wait3A_447] : memref<100000x1024xf32, #tpu.memory_space<hbm>> -> memref<100000x1024xf32, #tpu.memory_space<hbm>>
    tpu.wait_indirect_dma semaphore(%arg15 : memref<!tpu.dma_semaphore, #tpu.memory_space<semaphore_mem>>) src(%dma_wait3A_448 : memref<100000x1024xf32, #tpu.memory_space<hbm>>) dst(%arg8 : memref<16x1024xf32, #tpu.memory_space<vmem>>)
    %scan3A_449 = arith.constant 0 : i32
    %scan3A_450 = arith.constant 16 : i32
    %scan3A_451 = arith.addi %scan3A_449, %scan3A_450 : i32
    %scan3A_452 = arith.constant 1 : i32
    scf.for %scan3A_576 = %scan3A_449 to %scan3A_451 step %scan3A_452  : i32 {
      %mul3A_577 = arith.constant 1 : i32
      %mul3A_578 = arith.muli %scan3A_576, %mul3A_577 : i32
      %add3A_579 = arith.constant 0 : i32
      %add3A_580 = arith.addi %add3A_579, %mul3A_578 : i32
      %parallel_loop3A = arith.constant 0 : i32
      %parallel_loop3A_581 = arith.constant 1024 : i32
      %parallel_loop3A_582 = arith.constant 16 : i32
      scf.for %parallel_loop3A_583 = %parallel_loop3A to %parallel_loop3A_581 step %parallel_loop3A_582  : i32 {
        %parallel_loop3A_584 = arith.index_cast %add3A_580 : i32 to index
        %parallel_loop3A_585 = arith.index_cast %parallel_loop3A_583 : i32 to index
        %parallel_loop3A_586 = tpu.vector_load %arg8[%parallel_loop3A_584, %parallel_loop3A_585] {strides = array<i32>} : memref<16x1024xf32, #tpu.memory_space<vmem>>, vector<1x16xf32>,
        %parallel_loop3A_587 = vector.shape_cast %parallel_loop3A_586 : vector<1x16xf32> to vector<16xf32>
        %parallel_loop3A_588 = arith.index_cast %add3A_580 : i32 to index
        %parallel_loop3A_589 = arith.index_cast %parallel_loop3A_583 : i32 to index
        %parallel_loop3A_590 = tpu.vector_load %arg12[%parallel_loop3A_588, %parallel_loop3A_589] {strides = array<i32>} : memref<16x1024xf32, #tpu.memory_space<vmem>>, vector<1x16xf32>,
        %parallel_loop3A_591 = vector.shape_cast %parallel_loop3A_590 : vector<1x16xf32> to vector<16xf32>
        %parallel_loop3A_592 = arith.addf %parallel_loop3A_587, %parallel_loop3A_591 : vector<16xf32>
        %parallel_loop3A_593 = arith.index_cast %add3A_580 : i32 to index
        %parallel_loop3A_594 = arith.index_cast %parallel_loop3A_583 : i32 to index
        %parallel_loop3A_595 = tpu.vector_load %arg8[%parallel_loop3A_593, %parallel_loop3A_594] {strides = array<i32>} : memref<16x1024xf32, #tpu.memory_space<vmem>>, vector<1x16xf32>,
        %parallel_loop3A_596 = vector.shape_cast %parallel_loop3A_595 : vector<1x16xf32> to vector<16xf32>
        %parallel_loop3A_597 = vector.shape_cast %parallel_loop3A_592 : vector<16xf32> to vector<1x16xf32>
        tpu.vector_store %arg8[%parallel_loop3A_593, %parallel_loop3A_594], %parallel_loop3A_597 {strides = array<i32>} : memref<16x1024xf32, #tpu.memory_space<vmem>>, vector<1x16xf32>,
      } {sc.loop_unroll_factor = 8 : i64, sc.parallel_access}
    }
    %scan3A_453 = arith.constant 16 : i32
    %add3A_454 = arith.constant 6144 : i32
    %add3A_455 = arith.addi %add3A_454, %mul3A_2 : i32
    %add3A_456 = arith.constant 32 : i32
    %add3A_457 = arith.addi %add3A_455, %add3A_456 : i32
    %dma_start3A_458 = arith.constant 0 : i32
    %dma_start3A_459 = tpu.memref_slice %arg5[%add3A_457, %dma_start3A_458] : memref<8192x1024xf32, #tpu.memory_space<hbm>> -> memref<16x1024xf32, #tpu.memory_space<hbm>>
    %dma_start3A_460 = arith.constant 0 : i32
    %dma_start3A_461 = tpu.memref_slice %arg5[%add3A_457, %dma_start3A_460] : memref<8192x1024xf32, #tpu.memory_space<hbm>> -> memref<16x1024xf32, #tpu.memory_space<hbm>>
    tpu.enqueue_dma source(%arg8 : memref<16x1024xf32, #tpu.memory_space<vmem>>) target(%dma_start3A_461 : memref<16x1024xf32, #tpu.memory_space<hbm>>) target_semaphore(%arg20 : memref<!tpu.dma_semaphore, #tpu.memory_space<semaphore_mem>>)
    %dma_wait3A_462 = arith.constant 0 : i32
    %dma_wait3A_463 = tpu.memref_slice %arg4[%add3A_349, %dma_wait3A_462] : memref<2048x1024xf32, #tpu.memory_space<hbm>> -> memref<16x1024xf32, #tpu.memory_space<hbm>>
    %dma_wait3A_464 = arith.constant 0 : i32
    %dma_wait3A_465 = tpu.memref_slice %arg4[%add3A_349, %dma_wait3A_464] : memref<2048x1024xf32, #tpu.memory_space<hbm>> -> memref<16x1024xf32, #tpu.memory_space<hbm>>
    tpu.wait_dma2 semaphore(%arg25 : memref<!tpu.dma_semaphore, #tpu.memory_space<semaphore_mem>>) src(%dma_wait3A_465 : memref<16x1024xf32, #tpu.memory_space<hbm>>) dst(%arg13 : memref<16x1024xf32, #tpu.memory_space<vmem>>)
    %dma_wait3A_466 = arith.constant 0 : i32
    %dma_wait3A_467 = tpu.memref_slice %arg5[%add3A_403, %dma_wait3A_466] : memref<8192x1024xf32, #tpu.memory_space<hbm>> -> memref<16x1024xf32, #tpu.memory_space<hbm>>
    %dma_wait3A_468 = arith.constant 0 : i32
    %dma_wait3A_469 = tpu.memref_slice %arg5[%add3A_403, %dma_wait3A_468] : memref<8192x1024xf32, #tpu.memory_space<hbm>> -> memref<16x1024xf32, #tpu.memory_space<hbm>>
    tpu.wait_dma2 semaphore(%arg23 : memref<!tpu.dma_semaphore, #tpu.memory_space<semaphore_mem>>) src(%arg11 : memref<16x1024xf32, #tpu.memory_space<vmem>>) dst(%dma_wait3A_469 : memref<16x1024xf32, #tpu.memory_space<hbm>>)
    %dma_start3A_470 = arith.constant 176 : i32
    %dma_start3A_471 = tpu.memref_slice %arg6[%dma_start3A_470] : memref<256xi32, #tpu.memory_space<vmem>> -> memref<16xi32, #tpu.memory_space<vmem>>
    %dma_start3A_472 = arith.constant 0 : i32
    %dma_start3A_473 = arith.constant 0 : i32
    %dma_start3A_474 = tpu.memref_slice %arg3[%dma_start3A_472, %dma_start3A_473] : memref<100000x1024xf32, #tpu.memory_space<hbm>> -> memref<100000x1024xf32, #tpu.memory_space<hbm>>
    tpu.enqueue_indirect_dma source(%dma_start3A_474 : memref<100000x1024xf32, #tpu.memory_space<hbm>>) target(%arg11 : memref<16x1024xf32, #tpu.memory_space<vmem>>) offsets(%dma_start3A_471 : memref<16xi32, #tpu.memory_space<vmem>>) semaphore(%arg18 : memref<!tpu.dma_semaphore, #tpu.memory_space<semaphore_mem>>)
    %dma_wait3A_475 = arith.constant 48 : i32
    %dma_wait3A_476 = tpu.memref_slice %arg6[%dma_wait3A_475] : memref<256xi32, #tpu.memory_space<vmem>> -> memref<16xi32, #tpu.memory_space<vmem>>
    %dma_wait3A_477 = arith.constant 0 : i32
    %dma_wait3A_478 = arith.constant 0 : i32
    %dma_wait3A_479 = tpu.memref_slice %arg3[%dma_wait3A_477, %dma_wait3A_478] : memref<100000x1024xf32, #tpu.memory_space<hbm>> -> memref<100000x1024xf32, #tpu.memory_space<hbm>>
    tpu.wait_indirect_dma semaphore(%arg16 : memref<!tpu.dma_semaphore, #tpu.memory_space<semaphore_mem>>) src(%dma_wait3A_479 : memref<100000x1024xf32, #tpu.memory_space<hbm>>) dst(%arg9 : memref<16x1024xf32, #tpu.memory_space<vmem>>)
    %scan3A_480 = arith.constant 0 : i32
    %scan3A_481 = arith.constant 16 : i32
    %scan3A_482 = arith.addi %scan3A_480, %scan3A_481 : i32
    %scan3A_483 = arith.constant 1 : i32
    scf.for %scan3A_576 = %scan3A_480 to %scan3A_482 step %scan3A_483  : i32 {
      %mul3A_577 = arith.constant 1 : i32
      %mul3A_578 = arith.muli %scan3A_576, %mul3A_577 : i32
      %add3A_579 = arith.constant 0 : i32
      %add3A_580 = arith.addi %add3A_579, %mul3A_578 : i32
      %parallel_loop3A = arith.constant 0 : i32
      %parallel_loop3A_581 = arith.constant 1024 : i32
      %parallel_loop3A_582 = arith.constant 16 : i32
      scf.for %parallel_loop3A_583 = %parallel_loop3A to %parallel_loop3A_581 step %parallel_loop3A_582  : i32 {
        %parallel_loop3A_584 = arith.index_cast %add3A_580 : i32 to index
        %parallel_loop3A_585 = arith.index_cast %parallel_loop3A_583 : i32 to index
        %parallel_loop3A_586 = tpu.vector_load %arg9[%parallel_loop3A_584, %parallel_loop3A_585] {strides = array<i32>} : memref<16x1024xf32, #tpu.memory_space<vmem>>, vector<1x16xf32>,
        %parallel_loop3A_587 = vector.shape_cast %parallel_loop3A_586 : vector<1x16xf32> to vector<16xf32>
        %parallel_loop3A_588 = arith.index_cast %add3A_580 : i32 to index
        %parallel_loop3A_589 = arith.index_cast %parallel_loop3A_583 : i32 to index
        %parallel_loop3A_590 = tpu.vector_load %arg13[%parallel_loop3A_588, %parallel_loop3A_589] {strides = array<i32>} : memref<16x1024xf32, #tpu.memory_space<vmem>>, vector<1x16xf32>,
        %parallel_loop3A_591 = vector.shape_cast %parallel_loop3A_590 : vector<1x16xf32> to vector<16xf32>
        %parallel_loop3A_592 = arith.addf %parallel_loop3A_587, %parallel_loop3A_591 : vector<16xf32>
        %parallel_loop3A_593 = arith.index_cast %add3A_580 : i32 to index
        %parallel_loop3A_594 = arith.index_cast %parallel_loop3A_583 : i32 to index
        %parallel_loop3A_595 = tpu.vector_load %arg9[%parallel_loop3A_593, %parallel_loop3A_594] {strides = array<i32>} : memref<16x1024xf32, #tpu.memory_space<vmem>>, vector<1x16xf32>,
        %parallel_loop3A_596 = vector.shape_cast %parallel_loop3A_595 : vector<1x16xf32> to vector<16xf32>
        %parallel_loop3A_597 = vector.shape_cast %parallel_loop3A_592 : vector<16xf32> to vector<1x16xf32>
        tpu.vector_store %arg9[%parallel_loop3A_593, %parallel_loop3A_594], %parallel_loop3A_597 {strides = array<i32>} : memref<16x1024xf32, #tpu.memory_space<vmem>>, vector<1x16xf32>,
      } {sc.loop_unroll_factor = 8 : i64, sc.parallel_access}
    }
    %scan3A_484 = arith.constant 16 : i32
    %add3A_485 = arith.constant 0 : i32
    %add3A_486 = arith.addi %add3A_485, %mul3A_2 : i32
    %add3A_487 = arith.constant 48 : i32
    %add3A_488 = arith.addi %add3A_486, %add3A_487 : i32
    %dma_start3A_489 = arith.constant 0 : i32
    %dma_start3A_490 = tpu.memref_slice %arg5[%add3A_488, %dma_start3A_489] : memref<8192x1024xf32, #tpu.memory_space<hbm>> -> memref<16x1024xf32, #tpu.memory_space<hbm>>
    %dma_start3A_491 = arith.constant 0 : i32
    %dma_start3A_492 = tpu.memref_slice %arg5[%add3A_488, %dma_start3A_491] : memref<8192x1024xf32, #tpu.memory_space<hbm>> -> memref<16x1024xf32, #tpu.memory_space<hbm>>
    tpu.enqueue_dma source(%arg9 : memref<16x1024xf32, #tpu.memory_space<vmem>>) target(%dma_start3A_492 : memref<16x1024xf32, #tpu.memory_space<hbm>>) target_semaphore(%arg21 : memref<!tpu.dma_semaphore, #tpu.memory_space<semaphore_mem>>)
    %dma_wait3A_493 = arith.constant 0 : i32
    %dma_wait3A_494 = tpu.memref_slice %arg5[%add3A_430, %dma_wait3A_493] : memref<8192x1024xf32, #tpu.memory_space<hbm>> -> memref<16x1024xf32, #tpu.memory_space<hbm>>
    %dma_wait3A_495 = arith.constant 0 : i32
    %dma_wait3A_496 = tpu.memref_slice %arg5[%add3A_430, %dma_wait3A_495] : memref<8192x1024xf32, #tpu.memory_space<hbm>> -> memref<16x1024xf32, #tpu.memory_space<hbm>>
    tpu.wait_dma2 semaphore(%arg19 : memref<!tpu.dma_semaphore, #tpu.memory_space<semaphore_mem>>) src(%arg7 : memref<16x1024xf32, #tpu.memory_space<vmem>>) dst(%dma_wait3A_496 : memref<16x1024xf32, #tpu.memory_space<hbm>>)
    %dma_start3A_497 = arith.constant 240 : i32
    %dma_start3A_498 = tpu.memref_slice %arg6[%dma_start3A_497] : memref<256xi32, #tpu.memory_space<vmem>> -> memref<16xi32, #tpu.memory_space<vmem>>
    %dma_start3A_499 = arith.constant 0 : i32
    %dma_start3A_500 = arith.constant 0 : i32
    %dma_start3A_501 = tpu.memref_slice %arg3[%dma_start3A_499, %dma_start3A_500] : memref<100000x1024xf32, #tpu.memory_space<hbm>> -> memref<100000x1024xf32, #tpu.memory_space<hbm>>
    tpu.enqueue_indirect_dma source(%dma_start3A_501 : memref<100000x1024xf32, #tpu.memory_space<hbm>>) target(%arg7 : memref<16x1024xf32, #tpu.memory_space<vmem>>) offsets(%dma_start3A_498 : memref<16xi32, #tpu.memory_space<vmem>>) semaphore(%arg14 : memref<!tpu.dma_semaphore, #tpu.memory_space<semaphore_mem>>)
    %dma_wait3A_502 = arith.constant 112 : i32
    %dma_wait3A_503 = tpu.memref_slice %arg6[%dma_wait3A_502] : memref<256xi32, #tpu.memory_space<vmem>> -> memref<16xi32, #tpu.memory_space<vmem>>
    %dma_wait3A_504 = arith.constant 0 : i32
    %dma_wait3A_505 = arith.constant 0 : i32
    %dma_wait3A_506 = tpu.memref_slice %arg3[%dma_wait3A_504, %dma_wait3A_505] : memref<100000x1024xf32, #tpu.memory_space<hbm>> -> memref<100000x1024xf32, #tpu.memory_space<hbm>>
    tpu.wait_indirect_dma semaphore(%arg17 : memref<!tpu.dma_semaphore, #tpu.memory_space<semaphore_mem>>) src(%dma_wait3A_506 : memref<100000x1024xf32, #tpu.memory_space<hbm>>) dst(%arg10 : memref<16x1024xf32, #tpu.memory_space<vmem>>)
    %scan3A_507 = arith.constant 0 : i32
    %scan3A_508 = arith.constant 16 : i32
    %scan3A_509 = arith.addi %scan3A_507, %scan3A_508 : i32
    %scan3A_510 = arith.constant 1 : i32
    scf.for %scan3A_576 = %scan3A_507 to %scan3A_509 step %scan3A_510  : i32 {
      %mul3A_577 = arith.constant 1 : i32
      %mul3A_578 = arith.muli %scan3A_576, %mul3A_577 : i32
      %add3A_579 = arith.constant 0 : i32
      %add3A_580 = arith.addi %add3A_579, %mul3A_578 : i32
      %parallel_loop3A = arith.constant 0 : i32
      %parallel_loop3A_581 = arith.constant 1024 : i32
      %parallel_loop3A_582 = arith.constant 16 : i32
      scf.for %parallel_loop3A_583 = %parallel_loop3A to %parallel_loop3A_581 step %parallel_loop3A_582  : i32 {
        %parallel_loop3A_584 = arith.index_cast %add3A_580 : i32 to index
        %parallel_loop3A_585 = arith.index_cast %parallel_loop3A_583 : i32 to index
        %parallel_loop3A_586 = tpu.vector_load %arg10[%parallel_loop3A_584, %parallel_loop3A_585] {strides = array<i32>} : memref<16x1024xf32, #tpu.memory_space<vmem>>, vector<1x16xf32>,
        %parallel_loop3A_587 = vector.shape_cast %parallel_loop3A_586 : vector<1x16xf32> to vector<16xf32>
        %parallel_loop3A_588 = arith.index_cast %add3A_580 : i32 to index
        %parallel_loop3A_589 = arith.index_cast %parallel_loop3A_583 : i32 to index
        %parallel_loop3A_590 = tpu.vector_load %arg13[%parallel_loop3A_588, %parallel_loop3A_589] {strides = array<i32>} : memref<16x1024xf32, #tpu.memory_space<vmem>>, vector<1x16xf32>,
        %parallel_loop3A_591 = vector.shape_cast %parallel_loop3A_590 : vector<1x16xf32> to vector<16xf32>
        %parallel_loop3A_592 = arith.addf %parallel_loop3A_587, %parallel_loop3A_591 : vector<16xf32>
        %parallel_loop3A_593 = arith.index_cast %add3A_580 : i32 to index
        %parallel_loop3A_594 = arith.index_cast %parallel_loop3A_583 : i32 to index
        %parallel_loop3A_595 = tpu.vector_load %arg10[%parallel_loop3A_593, %parallel_loop3A_594] {strides = array<i32>} : memref<16x1024xf32, #tpu.memory_space<vmem>>, vector<1x16xf32>,
        %parallel_loop3A_596 = vector.shape_cast %parallel_loop3A_595 : vector<1x16xf32> to vector<16xf32>
        %parallel_loop3A_597 = vector.shape_cast %parallel_loop3A_592 : vector<16xf32> to vector<1x16xf32>
        tpu.vector_store %arg10[%parallel_loop3A_593, %parallel_loop3A_594], %parallel_loop3A_597 {strides = array<i32>} : memref<16x1024xf32, #tpu.memory_space<vmem>>, vector<1x16xf32>,
      } {sc.loop_unroll_factor = 8 : i64, sc.parallel_access}
    }
    %scan3A_511 = arith.constant 16 : i32
    %add3A_512 = arith.constant 2048 : i32
    %add3A_513 = arith.addi %add3A_512, %mul3A_2 : i32
    %add3A_514 = arith.constant 48 : i32
    %add3A_515 = arith.addi %add3A_513, %add3A_514 : i32
    %dma_start3A_516 = arith.constant 0 : i32
    %dma_start3A_517 = tpu.memref_slice %arg5[%add3A_515, %dma_start3A_516] : memref<8192x1024xf32, #tpu.memory_space<hbm>> -> memref<16x1024xf32, #tpu.memory_space<hbm>>
    %dma_start3A_518 = arith.constant 0 : i32
    %dma_start3A_519 = tpu.memref_slice %arg5[%add3A_515, %dma_start3A_518] : memref<8192x1024xf32, #tpu.memory_space<hbm>> -> memref<16x1024xf32, #tpu.memory_space<hbm>>
    tpu.enqueue_dma source(%arg10 : memref<16x1024xf32, #tpu.memory_space<vmem>>) target(%dma_start3A_519 : memref<16x1024xf32, #tpu.memory_space<hbm>>) target_semaphore(%arg22 : memref<!tpu.dma_semaphore, #tpu.memory_space<semaphore_mem>>)
    %dma_wait3A_520 = arith.constant 176 : i32
    %dma_wait3A_521 = tpu.memref_slice %arg6[%dma_wait3A_520] : memref<256xi32, #tpu.memory_space<vmem>> -> memref<16xi32, #tpu.memory_space<vmem>>
    %dma_wait3A_522 = arith.constant 0 : i32
    %dma_wait3A_523 = arith.constant 0 : i32
    %dma_wait3A_524 = tpu.memref_slice %arg3[%dma_wait3A_522, %dma_wait3A_523] : memref<100000x1024xf32, #tpu.memory_space<hbm>> -> memref<100000x1024xf32, #tpu.memory_space<hbm>>
    tpu.wait_indirect_dma semaphore(%arg18 : memref<!tpu.dma_semaphore, #tpu.memory_space<semaphore_mem>>) src(%dma_wait3A_524 : memref<100000x1024xf32, #tpu.memory_space<hbm>>) dst(%arg11 : memref<16x1024xf32, #tpu.memory_space<vmem>>)
    %scan3A_525 = arith.constant 0 : i32
    %scan3A_526 = arith.constant 16 : i32
    %scan3A_527 = arith.addi %scan3A_525, %scan3A_526 : i32
    %scan3A_528 = arith.constant 1 : i32
    scf.for %scan3A_576 = %scan3A_525 to %scan3A_527 step %scan3A_528  : i32 {
      %mul3A_577 = arith.constant 1 : i32
      %mul3A_578 = arith.muli %scan3A_576, %mul3A_577 : i32
      %add3A_579 = arith.constant 0 : i32
      %add3A_580 = arith.addi %add3A_579, %mul3A_578 : i32
      %parallel_loop3A = arith.constant 0 : i32
      %parallel_loop3A_581 = arith.constant 1024 : i32
      %parallel_loop3A_582 = arith.constant 16 : i32
      scf.for %parallel_loop3A_583 = %parallel_loop3A to %parallel_loop3A_581 step %parallel_loop3A_582  : i32 {
        %parallel_loop3A_584 = arith.index_cast %add3A_580 : i32 to index
        %parallel_loop3A_585 = arith.index_cast %parallel_loop3A_583 : i32 to index
        %parallel_loop3A_586 = tpu.vector_load %arg11[%parallel_loop3A_584, %parallel_loop3A_585] {strides = array<i32>} : memref<16x1024xf32, #tpu.memory_space<vmem>>, vector<1x16xf32>,
        %parallel_loop3A_587 = vector.shape_cast %parallel_loop3A_586 : vector<1x16xf32> to vector<16xf32>
        %parallel_loop3A_588 = arith.index_cast %add3A_580 : i32 to index
        %parallel_loop3A_589 = arith.index_cast %parallel_loop3A_583 : i32 to index
        %parallel_loop3A_590 = tpu.vector_load %arg13[%parallel_loop3A_588, %parallel_loop3A_589] {strides = array<i32>} : memref<16x1024xf32, #tpu.memory_space<vmem>>, vector<1x16xf32>,
        %parallel_loop3A_591 = vector.shape_cast %parallel_loop3A_590 : vector<1x16xf32> to vector<16xf32>
        %parallel_loop3A_592 = arith.addf %parallel_loop3A_587, %parallel_loop3A_591 : vector<16xf32>
        %parallel_loop3A_593 = arith.index_cast %add3A_580 : i32 to index
        %parallel_loop3A_594 = arith.index_cast %parallel_loop3A_583 : i32 to index
        %parallel_loop3A_595 = tpu.vector_load %arg11[%parallel_loop3A_593, %parallel_loop3A_594] {strides = array<i32>} : memref<16x1024xf32, #tpu.memory_space<vmem>>, vector<1x16xf32>,
        %parallel_loop3A_596 = vector.shape_cast %parallel_loop3A_595 : vector<1x16xf32> to vector<16xf32>
        %parallel_loop3A_597 = vector.shape_cast %parallel_loop3A_592 : vector<16xf32> to vector<1x16xf32>
        tpu.vector_store %arg11[%parallel_loop3A_593, %parallel_loop3A_594], %parallel_loop3A_597 {strides = array<i32>} : memref<16x1024xf32, #tpu.memory_space<vmem>>, vector<1x16xf32>,
      } {sc.loop_unroll_factor = 8 : i64, sc.parallel_access}
    }
    %scan3A_529 = arith.constant 16 : i32
    %add3A_530 = arith.constant 4096 : i32
    %add3A_531 = arith.addi %add3A_530, %mul3A_2 : i32
    %add3A_532 = arith.constant 48 : i32
    %add3A_533 = arith.addi %add3A_531, %add3A_532 : i32
    %dma_start3A_534 = arith.constant 0 : i32
    %dma_start3A_535 = tpu.memref_slice %arg5[%add3A_533, %dma_start3A_534] : memref<8192x1024xf32, #tpu.memory_space<hbm>> -> memref<16x1024xf32, #tpu.memory_space<hbm>>
    %dma_start3A_536 = arith.constant 0 : i32
    %dma_start3A_537 = tpu.memref_slice %arg5[%add3A_533, %dma_start3A_536] : memref<8192x1024xf32, #tpu.memory_space<hbm>> -> memref<16x1024xf32, #tpu.memory_space<hbm>>
    tpu.enqueue_dma source(%arg11 : memref<16x1024xf32, #tpu.memory_space<vmem>>) target(%dma_start3A_537 : memref<16x1024xf32, #tpu.memory_space<hbm>>) target_semaphore(%arg23 : memref<!tpu.dma_semaphore, #tpu.memory_space<semaphore_mem>>)
    %dma_wait3A_538 = arith.constant 240 : i32
    %dma_wait3A_539 = tpu.memref_slice %arg6[%dma_wait3A_538] : memref<256xi32, #tpu.memory_space<vmem>> -> memref<16xi32, #tpu.memory_space<vmem>>
    %dma_wait3A_540 = arith.constant 0 : i32
    %dma_wait3A_541 = arith.constant 0 : i32
    %dma_wait3A_542 = tpu.memref_slice %arg3[%dma_wait3A_540, %dma_wait3A_541] : memref<100000x1024xf32, #tpu.memory_space<hbm>> -> memref<100000x1024xf32, #tpu.memory_space<hbm>>
    tpu.wait_indirect_dma semaphore(%arg14 : memref<!tpu.dma_semaphore, #tpu.memory_space<semaphore_mem>>) src(%dma_wait3A_542 : memref<100000x1024xf32, #tpu.memory_space<hbm>>) dst(%arg7 : memref<16x1024xf32, #tpu.memory_space<vmem>>)
    %scan3A_543 = arith.constant 0 : i32
    %scan3A_544 = arith.constant 16 : i32
    %scan3A_545 = arith.addi %scan3A_543, %scan3A_544 : i32
    %scan3A_546 = arith.constant 1 : i32
    scf.for %scan3A_576 = %scan3A_543 to %scan3A_545 step %scan3A_546  : i32 {
      %mul3A_577 = arith.constant 1 : i32
      %mul3A_578 = arith.muli %scan3A_576, %mul3A_577 : i32
      %add3A_579 = arith.constant 0 : i32
      %add3A_580 = arith.addi %add3A_579, %mul3A_578 : i32
      %parallel_loop3A = arith.constant 0 : i32
      %parallel_loop3A_581 = arith.constant 1024 : i32
      %parallel_loop3A_582 = arith.constant 16 : i32
      scf.for %parallel_loop3A_583 = %parallel_loop3A to %parallel_loop3A_581 step %parallel_loop3A_582  : i32 {
        %parallel_loop3A_584 = arith.index_cast %add3A_580 : i32 to index
        %parallel_loop3A_585 = arith.index_cast %parallel_loop3A_583 : i32 to index
        %parallel_loop3A_586 = tpu.vector_load %arg7[%parallel_loop3A_584, %parallel_loop3A_585] {strides = array<i32>} : memref<16x1024xf32, #tpu.memory_space<vmem>>, vector<1x16xf32>,
        %parallel_loop3A_587 = vector.shape_cast %parallel_loop3A_586 : vector<1x16xf32> to vector<16xf32>
        %parallel_loop3A_588 = arith.index_cast %add3A_580 : i32 to index
        %parallel_loop3A_589 = arith.index_cast %parallel_loop3A_583 : i32 to index
        %parallel_loop3A_590 = tpu.vector_load %arg13[%parallel_loop3A_588, %parallel_loop3A_589] {strides = array<i32>} : memref<16x1024xf32, #tpu.memory_space<vmem>>, vector<1x16xf32>,
        %parallel_loop3A_591 = vector.shape_cast %parallel_loop3A_590 : vector<1x16xf32> to vector<16xf32>
        %parallel_loop3A_592 = arith.addf %parallel_loop3A_587, %parallel_loop3A_591 : vector<16xf32>
        %parallel_loop3A_593 = arith.index_cast %add3A_580 : i32 to index
        %parallel_loop3A_594 = arith.index_cast %parallel_loop3A_583 : i32 to index
        %parallel_loop3A_595 = tpu.vector_load %arg7[%parallel_loop3A_593, %parallel_loop3A_594] {strides = array<i32>} : memref<16x1024xf32, #tpu.memory_space<vmem>>, vector<1x16xf32>,
        %parallel_loop3A_596 = vector.shape_cast %parallel_loop3A_595 : vector<1x16xf32> to vector<16xf32>
        %parallel_loop3A_597 = vector.shape_cast %parallel_loop3A_592 : vector<16xf32> to vector<1x16xf32>
        tpu.vector_store %arg7[%parallel_loop3A_593, %parallel_loop3A_594], %parallel_loop3A_597 {strides = array<i32>} : memref<16x1024xf32, #tpu.memory_space<vmem>>, vector<1x16xf32>,
      } {sc.loop_unroll_factor = 8 : i64, sc.parallel_access}
    }
    %scan3A_547 = arith.constant 16 : i32
    %add3A_548 = arith.constant 6144 : i32
    %add3A_549 = arith.addi %add3A_548, %mul3A_2 : i32
    %add3A_550 = arith.constant 48 : i32
    %add3A_551 = arith.addi %add3A_549, %add3A_550 : i32
    %dma_start3A_552 = arith.constant 0 : i32
    %dma_start3A_553 = tpu.memref_slice %arg5[%add3A_551, %dma_start3A_552] : memref<8192x1024xf32, #tpu.memory_space<hbm>> -> memref<16x1024xf32, #tpu.memory_space<hbm>>
    %dma_start3A_554 = arith.constant 0 : i32
    %dma_start3A_555 = tpu.memref_slice %arg5[%add3A_551, %dma_start3A_554] : memref<8192x1024xf32, #tpu.memory_space<hbm>> -> memref<16x1024xf32, #tpu.memory_space<hbm>>
    tpu.enqueue_dma source(%arg7 : memref<16x1024xf32, #tpu.memory_space<vmem>>) target(%dma_start3A_555 : memref<16x1024xf32, #tpu.memory_space<hbm>>) target_semaphore(%arg19 : memref<!tpu.dma_semaphore, #tpu.memory_space<semaphore_mem>>)
    %dma_wait3A_556 = arith.constant 0 : i32
    %dma_wait3A_557 = tpu.memref_slice %arg5[%add3A_457, %dma_wait3A_556] : memref<8192x1024xf32, #tpu.memory_space<hbm>> -> memref<16x1024xf32, #tpu.memory_space<hbm>>
    %dma_wait3A_558 = arith.constant 0 : i32
    %dma_wait3A_559 = tpu.memref_slice %arg5[%add3A_457, %dma_wait3A_558] : memref<8192x1024xf32, #tpu.memory_space<hbm>> -> memref<16x1024xf32, #tpu.memory_space<hbm>>
    tpu.wait_dma2 semaphore(%arg20 : memref<!tpu.dma_semaphore, #tpu.memory_space<semaphore_mem>>) src(%arg8 : memref<16x1024xf32, #tpu.memory_space<vmem>>) dst(%dma_wait3A_559 : memref<16x1024xf32, #tpu.memory_space<hbm>>)
    %dma_wait3A_560 = arith.constant 0 : i32
    %dma_wait3A_561 = tpu.memref_slice %arg5[%add3A_488, %dma_wait3A_560] : memref<8192x1024xf32, #tpu.memory_space<hbm>> -> memref<16x1024xf32, #tpu.memory_space<hbm>>
    %dma_wait3A_562 = arith.constant 0 : i32
    %dma_wait3A_563 = tpu.memref_slice %arg5[%add3A_488, %dma_wait3A_562] : memref<8192x1024xf32, #tpu.memory_space<hbm>> -> memref<16x1024xf32, #tpu.memory_space<hbm>>
    tpu.wait_dma2 semaphore(%arg21 : memref<!tpu.dma_semaphore, #tpu.memory_space<semaphore_mem>>) src(%arg9 : memref<16x1024xf32, #tpu.memory_space<vmem>>) dst(%dma_wait3A_563 : memref<16x1024xf32, #tpu.memory_space<hbm>>)
    %dma_wait3A_564 = arith.constant 0 : i32
    %dma_wait3A_565 = tpu.memref_slice %arg5[%add3A_515, %dma_wait3A_564] : memref<8192x1024xf32, #tpu.memory_space<hbm>> -> memref<16x1024xf32, #tpu.memory_space<hbm>>
    %dma_wait3A_566 = arith.constant 0 : i32
    %dma_wait3A_567 = tpu.memref_slice %arg5[%add3A_515, %dma_wait3A_566] : memref<8192x1024xf32, #tpu.memory_space<hbm>> -> memref<16x1024xf32, #tpu.memory_space<hbm>>
    tpu.wait_dma2 semaphore(%arg22 : memref<!tpu.dma_semaphore, #tpu.memory_space<semaphore_mem>>) src(%arg10 : memref<16x1024xf32, #tpu.memory_space<vmem>>) dst(%dma_wait3A_567 : memref<16x1024xf32, #tpu.memory_space<hbm>>)
    %dma_wait3A_568 = arith.constant 0 : i32
    %dma_wait3A_569 = tpu.memref_slice %arg5[%add3A_533, %dma_wait3A_568] : memref<8192x1024xf32, #tpu.memory_space<hbm>> -> memref<16x1024xf32, #tpu.memory_space<hbm>>
    %dma_wait3A_570 = arith.constant 0 : i32
    %dma_wait3A_571 = tpu.memref_slice %arg5[%add3A_533, %dma_wait3A_570] : memref<8192x1024xf32, #tpu.memory_space<hbm>> -> memref<16x1024xf32, #tpu.memory_space<hbm>>
    tpu.wait_dma2 semaphore(%arg23 : memref<!tpu.dma_semaphore, #tpu.memory_space<semaphore_mem>>) src(%arg11 : memref<16x1024xf32, #tpu.memory_space<vmem>>) dst(%dma_wait3A_571 : memref<16x1024xf32, #tpu.memory_space<hbm>>)
    %dma_wait3A_572 = arith.constant 0 : i32
    %dma_wait3A_573 = tpu.memref_slice %arg5[%add3A_551, %dma_wait3A_572] : memref<8192x1024xf32, #tpu.memory_space<hbm>> -> memref<16x1024xf32, #tpu.memory_space<hbm>>
    %dma_wait3A_574 = arith.constant 0 : i32
    %dma_wait3A_575 = tpu.memref_slice %arg5[%add3A_551, %dma_wait3A_574] : memref<8192x1024xf32, #tpu.memory_space<hbm>> -> memref<16x1024xf32, #tpu.memory_space<hbm>>
    tpu.wait_dma2 semaphore(%arg19 : memref<!tpu.dma_semaphore, #tpu.memory_space<semaphore_mem>>) src(%arg7 : memref<16x1024xf32, #tpu.memory_space<vmem>>) dst(%dma_wait3A_575 : memref<16x1024xf32, #tpu.memory_space<hbm>>)
    return
  }
}

</mosaic_0001>

<sc_bundles>
// kernel: kernel.3.cloned.1.call-start
scs
__scs_entry_jumppad:
0x0: {  	(pc) =	sbr.rel $0x88, $3  }
0x1: {  	(tag) =	ssettag $0x0;
	lr =	simm.s32 $0x1  }
0x2: {  	[smem:$0x3F9E] =	sst lr;
	_ =	strace $0xD0000000  }
0x3: {  	_ = 	snop  }
0x4: {  	_ = 	snop  }
0x5: {  	_ = 	snop  }
0x6: {  	_ = 	snop  }
0x7: {  	_ = 	snop  }
__scs_overlays_trampoline_lowered:
0x8: {  	[smem:$0x3FAD] =	sst s0  }
0x9: {  	[smem:$0x3FAE] =	sst s1  }
0xa: {  	[smem:$0x3FAF] =	sst s2  }
0xb: {  	[smem:$0x3FB0] =	sst s3  }
0xc: {  	[smem:$0x3FB1] =	sst s4  }
0xd: {  	[smem:$0x3FB2] =	sst s5  }
0xe: {  	[smem:$0x3FB3] =	sst s6  }
0xf: {  	[smem:$0x3FB4] =	sst s7  }
0x10: {  	[smem:$0x3FB5] =	sst s8  }
0x11: {  	[smem:$0x3FB6] =	sst s9;
	s0 =	simm.s32 @!p0 $0x0  }
0x12: {  	s1 =	sld [smem:$0x3F9C];
	s0 =	simm.s32 @p0 $0x1  }
0x13: {  	[smem:$0x3FB7] =	sst s0;
	s0 =	simm.s32 @!p1 $0x0  }
0x14: {  	s2 =	sld [smem:$0x3F9B];
	s0 =	simm.s32 @p1 $0x1  }
0x15: {  	[smem:$0x3FB8] =	sst s0;
	s0 =	simm.s32 @!p2 $0x0  }
0x16: {  	s3 =	sld [smem:$0x3FDB];
	s0 =	simm.s32 @p2 $0x1  }
0x17: {  	s4 =	simm.s32 $0x1BF5;
	[smem:$0x3FBA] =	sst s0  }
0x18: {  	s0 =	sld [smem:$0x3F9D];
	_ =	swait.ge [sflag:s4], $0x0  }
0x19: {  	s7 =	sld [smem:$0x3F9E]  }
0x1a: {  	s8 =	sadd.s32 $0xFFFFE003, lr  }
0x1b: {  	s9 =	sadd.s32 $0xFFFFFEF7, lr;
	s5 =	simm.s32 $0xFFFFFFFF;
	p2 =	slt.u32 s8, $0xFFFFF086  }
0x1c: {  	p1 =	slt.u32 s9, $0xF7A;
	s5 =	simm.s32 @!p2 $0x0  }
0x1d: {  	s5 =	simm.s32 @p1 $0x1;
	p0 =	seq.s32 s7, s2  }
0x1e: {  	s7 =	smul.u32 @!p0 $0xF7A, s2;
	p2 =	seq.s32 @!p0 s5, $0x0  }
0x1f: {  	s9 =	smul.u32 $0xF7A, s1;
	s8 =	simm.s32 @!p0 $0x1BF5;
	p2 =	por !p2, p0  }
0x20: {  	[sflag:s8] =	ssyncset.s32 @!p0 $0xFFFFF086;
	s6 =	sadd.s32 @!p0 s3, s7;
	s7 =	simm.s32 @!p0 $0x108  }
0x21: {  	s3 =	sadd.s32 s3, s9;
	s6 =	sadd.s32 @!p0 $0x88, s6;
	s7 =	simm.s32 @p2 $0x1082  }
0x22: {  	[simem:s7], [sflag:s8] =	dma.local @!p0 [hbm:s6], $0xF7A  }
0x23: {  	s9 =	sor.u32 $0xD0000000, s2;
	s6 =	simm.s32 $0x108;
	_ =	swait.ge @!p0 [sflag:s8], $0x0  }
0x24: {  	s3 =	sadd.s32 $0x88, s3;
	s6 =	simm.s32 @!p1 $0x1082;
	[sflag:s4] =	ssyncset.s32 $0xFFFFF086  }
0x25: {  	[simem:s6], [sflag:s4] =	dma.local [hbm:s3], $0xF7A  }
0x26: {  	[smem:$0x3F9E] =	sst s1;
	(tag) =	ssettag s2;
	_ =	strace s9  }
0x27: {  	s1 =	sld [smem:$0x3FAE]  }
0x28: {  	s2 =	sld [smem:$0x3FAF]  }
0x29: {  	s4 =	sld [smem:$0x3FB1]  }
0x2a: {  	p0 =	seq.s32 s5, $0x0;
	s5 =	sld [smem:$0x3FB2]  }
0x2b: {  	s6 =	sld [smem:$0x3FB3]  }
0x2c: {  	s7 =	sld [smem:$0x3FB4]  }
0x2d: {  	s3 =	simm.s32 $0x108;
	s8 =	sld [smem:$0x3FB5]  }
0x2e: {  	s3 =	simm.s32 @!p0 $0x1082;
	s9 =	sld [smem:$0x3FB6]  }
0x2f: {  	lr =	sadd.s32 s0, s3;
	s0 =	sld [smem:$0x3FAD]  }
0x30: {  	s3 =	sld [smem:$0x3FB0]  }
0x31: {  	[smem:$0x3FB9] =	sst s10  }
0x32: {  	s10 =	sld [smem:$0x3FB7];
	_ =	sdelay $0x3  }
0x33: {  	p0 =	seq.s32 s10, $0x1;
	s10 =	sld [smem:$0x3FB9];
	_ =	sdelay $0x3  }
0x34: {  	[smem:$0x3FB9] =	sst s10  }
0x35: {  	s10 =	sld [smem:$0x3FB8];
	_ =	sdelay $0x3  }
0x36: {  	p1 =	seq.s32 s10, $0x1;
	s10 =	sld [smem:$0x3FB9];
	_ =	sdelay $0x3  }
0x37: {  	[smem:$0x3FB9] =	sst s10  }
0x38: {  	s10 =	sld [smem:$0x3FBA]  }
0x39: {  	_ = 	snop;
	(pc) =	sbr.ind lr, $3  }
0x3a: {  	_ = 	snop  }
0x3b: {  	_ = 	snop  }
0x3c: {  	p2 =	seq.s32 s10, $0x1;
	s10 =	sld [smem:$0x3FB9]  }
0x3d: {  	_ =	shalt  }
0x3e: {  	_ =	shalt  }
0x3f: {  	_ =	shalt  }
0x40: {  	_ =	shalt  }
0x41: {  	_ =	shalt  }
0x42: {  	_ =	shalt  }
0x43: {  	_ =	shalt  }
0x44: {  	_ =	shalt  }
0x45: {  	_ =	shalt  }
0x46: {  	_ =	shalt  }
0x47: {  	_ =	shalt  }
0x48: {  	_ =	shalt  }
0x49: {  	_ =	shalt  }
0x4a: {  	_ =	shalt  }
0x4b: {  	_ =	shalt  }
0x4c: {  	_ =	shalt  }
0x4d: {  	_ =	shalt  }
0x4e: {  	_ =	shalt  }
0x4f: {  	_ =	shalt  }
0x50: {  	_ =	shalt  }
0x51: {  	_ =	shalt  }
0x52: {  	_ =	shalt  }
0x53: {  	_ =	shalt  }
0x54: {  	_ =	shalt  }
0x55: {  	_ =	shalt  }
0x56: {  	_ =	shalt  }
0x57: {  	_ =	shalt  }
0x58: {  	_ =	shalt  }
0x59: {  	_ =	shalt  }
0x5a: {  	_ =	shalt  }
0x5b: {  	_ =	shalt  }
0x5c: {  	_ =	shalt  }
0x5d: {  	_ =	shalt  }
0x5e: {  	_ =	shalt  }
0x5f: {  	_ =	shalt  }
0x60: {  	_ =	shalt  }
0x61: {  	_ =	shalt  }
0x62: {  	_ =	shalt  }
0x63: {  	_ =	shalt  }
0x64: {  	_ =	shalt  }
0x65: {  	_ =	shalt  }
0x66: {  	_ =	shalt  }
0x67: {  	_ =	shalt  }
0x68: {  	_ =	shalt  }
0x69: {  	_ =	shalt  }
0x6a: {  	_ =	shalt  }
0x6b: {  	_ =	shalt  }
0x6c: {  	_ =	shalt  }
0x6d: {  	_ =	shalt  }
0x6e: {  	_ =	shalt  }
0x6f: {  	_ =	shalt  }
0x70: {  	_ =	shalt  }
0x71: {  	_ =	shalt  }
0x72: {  	_ =	shalt  }
0x73: {  	_ =	shalt  }
0x74: {  	_ =	shalt  }
0x75: {  	_ =	shalt  }
0x76: {  	_ =	shalt  }
0x77: {  	_ =	shalt  }
0x78: {  	_ =	shalt  }
0x79: {  	_ =	shalt  }
0x7a: {  	_ =	shalt  }
0x7b: {  	_ =	shalt  }
0x7c: {  	_ =	shalt  }
0x7d: {  	_ =	shalt  }
0x7e: {  	_ =	shalt  }
0x7f: {  	_ =	shalt  }
0x80: {  	_ =	shalt  }
0x81: {  	_ =	shalt  }
0x82: {  	_ =	shalt  }
0x83: {  	_ =	shalt  }
0x84: {  	_ =	shalt  }
0x85: {  	_ =	shalt  }
0x86: {  	_ =	shalt  }
0x87: {  	_ =	shalt  }
.Lfunc_end0:
.L_simem_size_0:
called_computation_lowered:
.L_overlay_start_0:
0x88: {  	s2 =	sld [smem:$0x3FD9]  }
0x89: {  	s3 =	sld [smem:$0x3FFE];
	_ =	sdelay $0x1  }
0x8a: {  	s1 =	srdreg.scid  }
0x8b: {  	s0 =	sand.u32 $0x1, s1  }
0x8c: {  	s18 =	sshll.u32 s0, $0xA;
	s2 =	sadd.s32 s3, s2  }
0x8d: {  	s2 =	sadd.s32 s2, s18  }
0x8e: {  	[smem:$0x3FC5] =	sst s2  }
0x8f: {  	_ = 	snop  }
0x90: {  	s2 =	sld [smem:$0x3FC9]  }
0x91: {  	s19 =	sld [smem:$0x3FC8]  }
0x92: {  	s4 =	sld [smem:$0x3FC7]  }
0x93: {  	s5 =	sld [smem:$0x3FD0];
	(tm) =	ssettm $0x1  }
0x94: {  	s6 =	sld [smem:$0x3FFB];
	_ =	sdelay $0x3  }
0x95: {  	_ =	strace s6  }
0x96: {  	s6 =	sld [smem:$0x3FFC];
	_ =	sdelay $0x3  }
0x97: {  	_ =	strace s6  }
0x98: {  	s6 =	sld [smem:$0x3FFD];
	_ =	sdelay $0x3  }
0x99: {  	_ =	strace s6  }
0x9a: {  	_ =	strace $0x8FFFFFFF  }
0x9b: {  	s20 =	sld [smem:$0x3FDB];
	_ =	sdelay $0x1  }
0x9c: {  	s7 =	simm.s32 $_scs_section_size  }
0x9d: {  	s8 =	simm.s32 $_size__tile_overlayer_lowered;
	s9 =	simm.s32 $_tile_overlayer_lowered  }
0x9e: {  	s23 =	simm.s32 $0x1BFF;
	s22 =	sshll.u32 s9, $0x1;
	s6 =	sadd.s32 s7, s20  }
0x9f: {  	s10 =	simm.s32 $0x0;
	s21 =	sshll.u32 s8, $0x1;
	s8 =	sadd.s32 s22, s6  }
0xa0: {  	[timem:s10], [sflag:s23] =	dma.local [hbm:s8], s21  }
0xa1: {  	_ =	swait.ge [sflag:s23], s21  }
0xa2: {  	s7 =	ssub.s32 $0x0, s21;
	[sflag:s23] =	ssyncset.done $0x0  }
0xa3: {  	[sflag:s23] =	ssyncadd.s32 s7;
	_ =	sdelay $0x1  }
0xa4: {  	s24 =	simm.s32 $0x1B8B  }
0xa5: {  	_ =	swait.ge [sflag:s24], $0x1  }
0xa6: {  	[sflag:s24] =	ssyncset.done $0x0  }
0xa7: {  	s25 =	simm.s32 $0x1B8E;
	[sflag:s24] =	ssyncadd.s32 $0xFFFFFFFF  }
0xa8: {  	s26 =	simm.s32 $execute0_lowered;
	[smem:$0x3FD2] =	sst s25  }
0xa9: {  	s7 =	sshll.u32 s26, $0x1;
	_ =	strace $0x80000046;
	[dreg:$0x1] =	wrdreg $0xFFFFFFFF  }
0xaa: {  	s28 =	simm.s32 $_size_execute0_lowered;
	s6 =	sadd.s32 s6, s7;
	[dreg:$0x0] =	wrdreg $0x0  }
0xab: {  	s7 =	sshll.u32 s28, $0x1;
	[dreg:$0x2] =	wrdreg s6  }
0xac: {  	[dreg:$0x3] =	wrdreg s7  }
0xad: {  	[dreg:$0x4] =	wrdreg $0xC0  }
0xae: {  	_ =	task [dreg:s10], $0x5FFFF  }
0xaf: {  	[dreg:$0x1] =	wrdreg $0xFFFFFFFF  }
0xb0: {  	[dreg:$0x0] =	wrdreg $0x60  }
0xb1: {  	[dreg:$0x2] =	wrdreg s2  }
0xb2: {  	[dreg:$0x3] =	wrdreg s19  }
0xb3: {  	[dreg:$0x4] =	wrdreg s4  }
0xb4: {  	[dreg:$0x5] =	wrdreg s5  }
0xb5: {  	[dreg:$0x6] =	wrdreg $0x9  }
0xb6: {  	_ =	task.clear_ibuf [dreg:s10], $0x7FFFF;
	_ =	strace $0x90000046  }
0xb7: {  	s29 =	simm.s32 $0x9;
	_ =	strace $0x80000048  }
0xb8: {  	_ =	swait.ge [sflag:s29], $0x1  }
0xb9: {  	[sflag:s29] =	ssyncadd.s32 $0xFFFFFFFF  }
0xba: {  	_ =	strace $0x90000048  }
0xbb: {  	_ =	sfence  }
0xbc: {  	s30 =	sld [smem:$0x0];
	_ =	sdelay $0x2  }
0xbd: {  	s31 =	sshll.u32 s1, $0xD;
	s1 =	sshrl.u32 s1, $0x2  }
0xbe: {  	s3 =	sand.u32 $0x4000, s31;
	s1 =	sadd.s32 s1, s30  }
0xbf: {  	s0 =	sor.u32 s3, s0;
	s1 =	sshll.u32 s1, $0x11  }
0xc0: {  	s0 =	sor.u32 s1, s0  }
0xc1: {  	s0 =	sadd.s32 $0x8F2B, s0  }
0xc2: {  	[sflag:s0] =	ssyncadd.remote.s32 $0x1  }
0xc3: {  	_ =	sfence.sel $0xFFFF  }
0xc4: {  	[dreg:$0x0] =	wrdreg $0xFFFFFFFF;
	(pc) =	sbr.abs _section_cstart, $3  }
0xc5: {  	[dreg:$0x1] =	wrdreg $0xFFFFFFFF  }
0xc6: {  	_ =	task.clear_ibuf [dreg:s10], $0x2FFFF;
	_ =	strace $0x9FFFFFFF  }
0xc7: {  	(tm) =	ssettm $0x7FFFFFFF  }
tec
execute0_lowered:
.L_overlay_start_1:
0x0: {  	(tag) =	ssettag $0x1  }
0x1: {  	s0 =	rddreg [dreg:$0x0]  }
0x2: {  	s1 =	rddreg [dreg:$0x1]  }
0x3: {  	s2 =	rddreg [dreg:$0x2]  }
0x4: {  	s4 =	rddreg [dreg:$0x3];
	s5 =	srdreg.scid  }
0x5: {  	s3 =	simm.s32 $0x0;
	s10 =	stileid.u32;
	s5 =	sand.u32 $0x1, s5  }
0x6: {  	s9 =	sshll.u32 s10, $0x6;
	s6 =	ssub.s32 $0x2, s5;
	s8 =	sshll.u32 s5, $0x3  }
0x7: {  	[smem:$0x7FF] =	sst s3;
	s7 =	sshrl.u32 s6, $0x1;
	s19 =	sor.u32 s8, s9  }
0x8: {  	s20 =	sshll.u32 s10, $0xE;
	s6 =	ssub.s32 s6, s7;
	s7 =	sadd.s32 s0, s19  }
0x9: {  	_ =	strace $0x80000047;
	s21 =	sadd.s32 $0x10, s7;
	[dreg:$0x5] =	wrdreg s7  }
0xa: {  	s5 =	sshll.u32 s5, $0xD;
	s22 =	sadd.s32 $0x20, s7;
	[dreg:$0x6] =	wrdreg s21  }
0xb: {  	s0 =	sor.u32 s5, s20;
	s23 =	sadd.s32 $0x30, s7;
	[dreg:$0x7] =	wrdreg s22  }
0xc: {  	s24 =	sadd.s32 s2, s0;
	[dreg:$0x8] =	wrdreg s23  }
0xd: {  	s20 =	smax.u32 s6, $0x1;
	[dreg:$0x9] =	wrdreg s24  }
0xe: {  	s25 =	sor.u32 $0x800, s0;
	s8 =	sadd.s32 s4, s0;
	[dreg:$0x17] =	wrdreg s20  }
0xf: {  	s26 =	sadd.s32 s2, s25;
	[dreg:$0xa] =	wrdreg s8  }
0x10: {  	s11 =	sadd.s32 $0x40000, s8;
	[dreg:$0xb] =	wrdreg s26  }
0x11: {  	s30 =	simm.s32 $0x2;
	s13 =	sadd.s32 $0x80000, s8;
	[dreg:$0xc] =	wrdreg s11  }
0x12: {  	s31 =	simm.s32 $0x10100;
	s14 =	sadd.s32 $0xC0000, s8;
	[dreg:$0xd] =	wrdreg s13  }
0x13: {  	s28 =	simm.s32 $0x6;
	s5 =	sadd.s32 s4, s25;
	[dreg:$0xe] =	wrdreg s14  }
0x14: {  	s29 =	simm.s32 $0x4;
	s16 =	sadd.s32 $0x40800, s8;
	[dreg:$0x10] =	wrdreg s5  }
0x15: {  	s15 =	sor.u32 $0x1000, s0;
	s17 =	sadd.s32 $0x80800, s8;
	[dreg:$0x11] =	wrdreg s16  }
0x16: {  	s10 =	sadd.s32 $0x200, s1;
	s18 =	sadd.s32 s4, s15;
	[dreg:$0x12] =	wrdreg s17  }
0x17: {  	s12 =	sadd.s32 $0x300, s1;
	s19 =	sadd.s32 $0xC0800, s8;
	[dreg:$0x14] =	wrdreg s18  }
0x18: {  	s9 =	sadd.s32 $0x100, s1;
	s21 =	sadd.s32 $0x41000, s8;
	[dreg:$0x16] =	wrdreg s19  }
0x19: {  	s0 =	sor.u32 $0x1800, s0;
	s22 =	sadd.s32 $0x81000, s8;
	[dreg:$0x18] =	wrdreg s21  }
0x1a: {  	s23 =	sadd.s32 $0xC1000, s8;
	s24 =	sadd.s32 $0x41800, s8;
	[dreg:$0x19] =	wrdreg s22  }
0x1b: {  	s25 =	sadd.s32 $0x81800, s8;
	s20 =	simm.s32 $0x8;
	[dreg:$0x1a] =	wrdreg s23  }
0x1c: {  	s11 =	sadd.s32 s2, s15;
	s2 =	sadd.s32 s2, s0;
	[dreg:$0x1b] =	wrdreg s24  }
0x1d: {  	s0 =	sadd.s32 s4, s0;
	[dreg:$0x1c] =	wrdreg s25;
	s26 =	sadd.s32 $0xC1800, s8  }
0x1e: {  	s5 =	simm.s32 $0x100;
	s17 =	simm.s32 $0x4100;
	s25 =	simm.s32 $0xB  }
0x1f: {  	s18 =	simm.s32 $0x1;
	s19 =	simm.s32 $0xC100;
	[dreg:$0xf] =	wrdreg s11  }
0x20: {  	s24 =	simm.s32 $0x3;
	s4 =	simm.s32 $0x7;
	[dreg:$0x13] =	wrdreg s2  }
0x21: {  	v2 =	vlaneseq.u32;
	s21 =	simm.s32 $0x9;
	s22 =	simm.s32 $0xA;
	[dreg:$0x15] =	wrdreg s0  }
0x22: {  	vm0 =	vmmov $0xffff;
	v1 =	vshrl.u32 v2, $0x3;
	s23 =	simm.s32 $0x0;
	[dreg:$0x1d] =	wrdreg s26;
	s2 =	simm.s32 $0xD  }
0x23: {  	v0 =	vand.u32 $0x7, v2;
	v2 =	vor.u32 $0x8, v2;
	v1 =	vmul.u32 $0x8, v1;
	s26 =	simm.s32 $0x8100;
	s0 =	simm.s32 $0xC;
	s11 =	simm.s32 $0x5  }
.LBB2_1:
0x24: {  	s6 =	rddreg [dreg:$0x5]  }
0x25: {  	[tilespmem:s3], [sflag:$0xD] =	stream.linear.gather [hbm4b:s6+s3], $0x40, $0x38;
	[tilespmem:$0x1C100] =	vst v63  }
0x26: {  	s16 =	rddreg [dreg:$0x6];
	s7 =	simm.s32 $0x40  }
0x27: {  	[tilespmem:s7], [sflag:$0xD] =	stream.linear.gather [hbm4b:s16+s3], $0x40, $0x38;
	[tilespmem:$0x1C100] =	vst v63  }
0x28: {  	s8 =	simm.s32 $0x80;
	s7 =	rddreg [dreg:$0x7]  }
0x29: {  	[tilespmem:s8], [sflag:$0xD] =	stream.linear.gather [hbm4b:s7+s3], $0x40, $0x38;
	[tilespmem:$0x1C100] =	vst v63  }
0x2a: {  	s13 =	rddreg [dreg:$0x8];
	s14 =	simm.s32 $0xC0  }
0x2b: {  	[tilespmem:s14], [sflag:$0xD] =	stream.linear.gather [hbm4b:s13+s3], $0x40, $0x38;
	[tilespmem:$0x1C100] =	vst v63  }
0x2c: {  	s15 =	rddreg [dreg:$0x9];
	s16 =	simm.s32 $0x14100  }
0x2d: {  	[tilespmem:s16], [sflag:$0xB] =	stream.linear.gather [hbm4b:s15+s3], $0x4000, $0x38;
	[tilespmem:$0x1C100] =	vst v63  }
0x2e: {  	_ =	swait.ge [sflag:s2], $0x40  }
0x2f: {  	[sflag:s2] =	ssyncset.done $0x0  }
0x30: {  	[sflag:s2] =	ssyncadd.s32 $0xFFFFFFC0  }
0x31: {  	_ =	swait.ge [sflag:s2], $0x40  }
0x32: {  	[sflag:s2] =	ssyncset.done $0x0  }
0x33: {  	[sflag:s2] =	ssyncadd.s32 $0xFFFFFFC0  }
0x34: {  	_ =	swait.ge [sflag:s2], $0x40  }
0x35: {  	[sflag:s2] =	ssyncset.done $0x0  }
0x36: {  	[sflag:s2] =	ssyncadd.s32 $0xFFFFFFC0  }
0x37: {  	_ =	swait.ge [sflag:s2], $0x40  }
0x38: {  	[sflag:s2] =	ssyncset.done $0x0  }
0x39: {  	[sflag:s2] =	ssyncadd.s32 $0xFFFFFFC0  }
0x3a: {  	v3 =	vld [tilespmem:$0x0];
	_ =	sdelay $0x4  }
0x3b: {  	v4 =	vshll.u32 v3, $0x3  }
0x3c: {  	v3 =	vand.u32 $0x7, v3;
	v4 =	vand.u32 $0xFFFFFFC0, v4  }
0x3d: {  	v3 =	vor.u32 v3, v4  }
0x3e: {  	v4 =	vperm.xlane v3, v0;
	_ =	sdelay $0x1  }
0x3f: {  	v4 =	vadd.s32 v1, v4;
	_ =	sdelay $0x4  }
0x40: {  	[tilespmem:s5], [sflag:$0x1] =	stream.indirect_vreg.gather [hbm4b:s1+s3], $0x80, v4, vm0, $0xb8;
	[tilespmem:$0x1C100] =	vst v63  }
0x41: {  	s8 =	simm.s32 $0x900;
	v3 =	vperm.xlane v3, v2  }
0x42: {  	[tilespmem:s8], [sflag:$0x1] =	stream.indirect_vreg.gather [hbm4b:s9+s3], $0x80, v4, vm0, $0xb8;
	[tilespmem:$0x1C100] =	vst v63  }
0x43: {  	s13 =	simm.s32 $0x1100;
	v3 =	vadd.s32 v1, v3  }
0x44: {  	[tilespmem:s13], [sflag:$0x1] =	stream.indirect_vreg.gather [hbm4b:s10+s3], $0x80, v4, vm0, $0xb8;
	[tilespmem:$0x1C100] =	vst v63  }
0x45: {  	s14 =	simm.s32 $0x1900  }
0x46: {  	[tilespmem:s14], [sflag:$0x1] =	stream.indirect_vreg.gather [hbm4b:s12+s3], $0x80, v4, vm0, $0xb8;
	[tilespmem:$0x1C100] =	vst v63  }
0x47: {  	s15 =	simm.s32 $0x2100  }
0x48: {  	[tilespmem:s15], [sflag:$0x1] =	stream.indirect_vreg.gather [hbm4b:s1+s3], $0x80, v3, vm0, $0xb8;
	[tilespmem:$0x1C100] =	vst v63  }
0x49: {  	s16 =	simm.s32 $0x2900  }
0x4a: {  	[tilespmem:s16], [sflag:$0x1] =	stream.indirect_vreg.gather [hbm4b:s9+s3], $0x80, v3, vm0, $0xb8;
	[tilespmem:$0x1C100] =	vst v63  }
0x4b: {  	s7 =	simm.s32 $0x3100  }
0x4c: {  	[tilespmem:s7], [sflag:$0x1] =	stream.indirect_vreg.gather [hbm4b:s10+s3], $0x80, v3, vm0, $0xb8;
	[tilespmem:$0x1C100] =	vst v63  }
0x4d: {  	s8 =	simm.s32 $0x3900  }
0x4e: {  	[tilespmem:s8], [sflag:$0x1] =	stream.indirect_vreg.gather [hbm4b:s12+s3], $0x80, v3, vm0, $0xb8;
	[tilespmem:$0x1C100] =	vst v63  }
0x4f: {  	v3 =	vld [tilespmem:$0x40];
	_ =	sdelay $0x4  }
0x50: {  	v62 =	vshll.u32 v3, $0x3  }
0x51: {  	v3 =	vand.u32 $0x7, v3;
	v4 =	vand.u32 $0xFFFFFFC0, v62  }
0x52: {  	v3 =	vor.u32 v3, v4  }
0x53: {  	v4 =	vperm.xlane v3, v0;
	_ =	sdelay $0x1  }
0x54: {  	v4 =	vadd.s32 v1, v4;
	_ =	sdelay $0x4  }
0x55: {  	[tilespmem:s17], [sflag:$0x2] =	stream.indirect_vreg.gather [hbm4b:s1+s3], $0x80, v4, vm0, $0xb8;
	[tilespmem:$0x1C100] =	vst v63  }
0x56: {  	s13 =	simm.s32 $0x4900;
	v3 =	vperm.xlane v3, v2  }
0x57: {  	[tilespmem:s13], [sflag:$0x2] =	stream.indirect_vreg.gather [hbm4b:s9+s3], $0x80, v4, vm0, $0xb8;
	[tilespmem:$0x1C100] =	vst v63  }
0x58: {  	s14 =	simm.s32 $0x5100;
	v3 =	vadd.s32 v1, v3  }
0x59: {  	[tilespmem:s14], [sflag:$0x2] =	stream.indirect_vreg.gather [hbm4b:s10+s3], $0x80, v4, vm0, $0xb8;
	[tilespmem:$0x1C100] =	vst v63  }
0x5a: {  	s15 =	simm.s32 $0x5900  }
0x5b: {  	[tilespmem:s15], [sflag:$0x2] =	stream.indirect_vreg.gather [hbm4b:s12+s3], $0x80, v4, vm0, $0xb8;
	[tilespmem:$0x1C100] =	vst v63  }
0x5c: {  	s16 =	simm.s32 $0x6100  }
0x5d: {  	[tilespmem:s16], [sflag:$0x2] =	stream.indirect_vreg.gather [hbm4b:s1+s3], $0x80, v3, vm0, $0xb8;
	[tilespmem:$0x1C100] =	vst v63  }
0x5e: {  	s7 =	simm.s32 $0x6900  }
0x5f: {  	[tilespmem:s7], [sflag:$0x2] =	stream.indirect_vreg.gather [hbm4b:s9+s3], $0x80, v3, vm0, $0xb8;
	[tilespmem:$0x1C100] =	vst v63  }
0x60: {  	s8 =	simm.s32 $0x7100  }
0x61: {  	[tilespmem:s8], [sflag:$0x2] =	stream.indirect_vreg.gather [hbm4b:s10+s3], $0x80, v3, vm0, $0xb8;
	[tilespmem:$0x1C100] =	vst v63  }
0x62: {  	s13 =	simm.s32 $0x7900  }
0x63: {  	[tilespmem:s13], [sflag:$0x2] =	stream.indirect_vreg.gather [hbm4b:s12+s3], $0x80, v3, vm0, $0xb8;
	[tilespmem:$0x1C100] =	vst v63  }
0x64: {  	_ =	swait.ge [sflag:s25], $0x4000  }
0x65: {  	[sflag:s25] =	ssyncset.done $0x0  }
0x66: {  	s15 =	simm.s32 $0x18100;
	s14 =	rddreg [dreg:$0xb];
	[sflag:s25] =	ssyncadd.s32 $0xFFFFC000  }
0x67: {  	[tilespmem:s15], [sflag:$0xC] =	stream.linear.gather [hbm4b:s14+s3], $0x4000, $0x38;
	[tilespmem:$0x1C100] =	vst v63  }
0x68: {  	v3 =	vld [tilespmem:$0x80];
	_ =	sdelay $0x4  }
0x69: {  	v63 =	vshll.u32 v3, $0x3  }
0x6a: {  	v3 =	vand.u32 $0x7, v3;
	v4 =	vand.u32 $0xFFFFFFC0, v63  }
0x6b: {  	v3 =	vor.u32 v3, v4  }
0x6c: {  	v4 =	vperm.xlane v3, v0;
	_ =	sdelay $0x1  }
0x6d: {  	v4 =	vadd.s32 v1, v4;
	_ =	sdelay $0x4  }
0x6e: {  	[tilespmem:s26], [sflag:$0x3] =	stream.indirect_vreg.gather [hbm4b:s1+s3], $0x80, v4, vm0, $0xb8;
	[tilespmem:$0x1C100] =	vst v63  }
0x6f: {  	s16 =	simm.s32 $0x8900;
	v3 =	vperm.xlane v3, v2  }
0x70: {  	[tilespmem:s16], [sflag:$0x3] =	stream.indirect_vreg.gather [hbm4b:s9+s3], $0x80, v4, vm0, $0xb8;
	[tilespmem:$0x1C100] =	vst v63  }
0x71: {  	s7 =	simm.s32 $0x9100;
	v3 =	vadd.s32 v1, v3  }
0x72: {  	[tilespmem:s7], [sflag:$0x3] =	stream.indirect_vreg.gather [hbm4b:s10+s3], $0x80, v4, vm0, $0xb8;
	[tilespmem:$0x1C100] =	vst v63  }
0x73: {  	s8 =	simm.s32 $0x9900  }
0x74: {  	[tilespmem:s8], [sflag:$0x3] =	stream.indirect_vreg.gather [hbm4b:s12+s3], $0x80, v4, vm0, $0xb8;
	[tilespmem:$0x1C100] =	vst v63  }
0x75: {  	s13 =	simm.s32 $0xA100  }
0x76: {  	[tilespmem:s13], [sflag:$0x3] =	stream.indirect_vreg.gather [hbm4b:s1+s3], $0x80, v3, vm0, $0xb8;
	[tilespmem:$0x1C100] =	vst v63  }
0x77: {  	s14 =	simm.s32 $0xA900  }
0x78: {  	[tilespmem:s14], [sflag:$0x3] =	stream.indirect_vreg.gather [hbm4b:s9+s3], $0x80, v3, vm0, $0xb8;
	[tilespmem:$0x1C100] =	vst v63  }
0x79: {  	s15 =	simm.s32 $0xB100  }
0x7a: {  	[tilespmem:s15], [sflag:$0x3] =	stream.indirect_vreg.gather [hbm4b:s10+s3], $0x80, v3, vm0, $0xb8;
	[tilespmem:$0x1C100] =	vst v63  }
0x7b: {  	s16 =	simm.s32 $0xB900  }
0x7c: {  	[tilespmem:s16], [sflag:$0x3] =	stream.indirect_vreg.gather [hbm4b:s12+s3], $0x80, v3, vm0, $0xb8;
	[tilespmem:$0x1C100] =	vst v63  }
0x7d: {  	_ =	swait.ge [sflag:s18], $0x4000  }
0x7e: {  	s6 =	simm.s32 $0x0;
	[sflag:s18] =	ssyncset.done $0x0  }
0x7f: {  	s7 =	simm.s32 $0x0;
	s8 =	simm.s32 $0x0;
	[sflag:s18] =	ssyncadd.s32 $0xFFFFC000  }
.LBB2_2:
0x80: {  	s13 =	sshll.u32 s7, $0x2;
	s14 =	sand.u32 $0x7, s6  }
0x81: {  	s13 =	sand.u32 $0xFFFF8000, s13;
	s14 =	sshll.u32 s14, $0x9  }
0x82: {  	s13 =	sor.u32 s14, s13  }
0x83: {  	s14 =	sshrl.u32 s13, $0x2  }
0x84: {  	s13 =	sadd.s32 $0x140, s14  }
0x85: {  	s14 =	sadd.s32 $0x14140, s14;
	v4 =	vld [tilespmem:s13+$0x30]  }
0x86: {  	v5 =	vld [tilespmem:s14+$0x30]  }
0x87: {  	v3 =	vld [tilespmem:s14+$0xFFFFFFC0]  }
0x88: {  	v6 =	vld [tilespmem:s13+$0xFFFFFFD0]  }
0x89: {  	v7 =	vld [tilespmem:s14+$0xFFFFFFD0]  }
0x8a: {  	v8 =	vld [tilespmem:s13+$0xFFFFFFE0]  }
0x8b: {  	v9 =	vld [tilespmem:s14+$0xFFFFFFE0]  }
0x8c: {  	v10 =	vld [tilespmem:s13+$0xFFFFFFF0]  }
0x8d: {  	v11 =	vld [tilespmem:s14+$0xFFFFFFF0]  }
0x8e: {  	v12 =	vld [tilespmem:s13+$0x0]  }
0x8f: {  	v13 =	vld [tilespmem:s14+$0x0];
	v5 =	vadd.f32 v5, v4  }
0x90: {  	v7 =	vadd.f32 v7, v6;
	v4 =	vld [tilespmem:s13+$0x10]  }
0x91: {  	v8 =	vadd.f32 v9, v8;
	v6 =	vld [tilespmem:s14+$0x10];
	[tilespmem:s13+$0x30] =	vst v5  }
0x92: {  	v9 =	vadd.f32 v11, v10;
	[tilespmem:s13+$0xFFFFFFD0] =	vst v7;
	v5 =	vld [tilespmem:s13+$0x20]  }
0x93: {  	[tilespmem:s13+$0xFFFFFFE0] =	vst v8;
	v8 =	vld [tilespmem:s14+$0x20]  }
0x94: {  	s15 =	simm.s32 $0x0;
	s16 =	sadd.s32 $0x400, s13;
	v7 =	vld [tilespmem:s13+$0xFFFFFFC0];
	[tilespmem:s13+$0xFFFFFFF0] =	vst v9;
	v9 =	vadd.f32 v13, v12  }
.LBB2_3:
0x95: {  	v10 =	vld [tilespmem:s16+$0x30];
	s14 =	sadd.s32 $0x400, s14  }
0x96: {  	s15 =	sadd.s32 $0x80, s15;
	v11 =	vld [tilespmem:s14+$0x30];
	[tilespmem:s13+$0x0] =	vst v9;
	v4 =	vadd.f32 v6, v4  }
0x97: {  	p0 =	slt.u32 s15, $0x380;
	v6 =	vld [tilespmem:s14+$0xFFFFFFC0]  }
0x98: {  	v9 =	vld [tilespmem:s16+$0xFFFFFFD0];
	[tilespmem:s13+$0x10] =	vst v4;
	v4 =	vadd.f32 v8, v5  }
0x99: {  	v5 =	vld [tilespmem:s14+$0xFFFFFFD0];
	v12 =	vadd.f32 v3, v7  }
0x9a: {  	v7 =	vld [tilespmem:s16+$0xFFFFFFE0];
	[tilespmem:s13+$0x20] =	vst v4  }
0x9b: {  	v4 =	vld [tilespmem:s14+$0xFFFFFFE0];
	v8 =	vadd.f32 v11, v10;
	[tilespmem:s13+$0xFFFFFFC0] =	vst v12;
	s13 =	smov.u32 s16  }
0x9c: {  	v10 =	vld [tilespmem:s16+$0xFFFFFFF0];
	v3 =	vmov v6  }
0x9d: {  	v11 =	vld [tilespmem:s14+$0xFFFFFFF0];
	[tilespmem:s16+$0x30] =	vst v8  }
0x9e: {  	v5 =	vadd.f32 v5, v9;
	v9 =	vld [tilespmem:s16+$0x0]  }
0x9f: {  	v12 =	vld [tilespmem:s14+$0x0]  }
.Ltmp0:
0xa0: {  	[tilespmem:s16+$0xFFFFFFD0] =	vst v5;
	v5 =	vadd.f32 v4, v7;
	v4 =	vld [tilespmem:s16+$0x10];
	(pc) =	sbr.rel @p0 .LBB2_3-.Ltmp0, $4  }
0xa1: {  	v6 =	vld [tilespmem:s14+$0x10]  }
0xa2: {  	[tilespmem:s16+$0xFFFFFFE0] =	vst v5;
	v10 =	vadd.f32 v11, v10;
	v5 =	vld [tilespmem:s16+$0x20]  }
0xa3: {  	v8 =	vld [tilespmem:s14+$0x20]  }
0xa4: {  	s16 =	sadd.s32 $0x400, s16;
	v7 =	vld [tilespmem:s13+$0xFFFFFFC0];
	[tilespmem:s13+$0xFFFFFFF0] =	vst v10;
	v9 =	vadd.f32 v12, v9  }
0xa5: {  	s8 =	sadd.s32 $0x1, s8  }
0xa6: {  	p0 =	sne.s32 s8, $0x10  }
.Ltmp1:
0xa7: {  	v4 =	vadd.f32 v6, v4;
	(pc) =	sbr.rel @p0 .LBB2_2-.Ltmp1, $4  }
0xa8: {  	[tilespmem:s13+$0x0] =	vst v9;
	v5 =	vadd.f32 v8, v5  }
0xa9: {  	[tilespmem:s13+$0x10] =	vst v4;
	v3 =	vadd.f32 v3, v7  }
0xaa: {  	[tilespmem:s13+$0x20] =	vst v5  }
0xab: {  	s7 =	sadd.s32 $0x400, s7;
	s6 =	sadd.s32 $0x1, s6;
	[tilespmem:s13+$0xFFFFFFC0] =	vst v3  }
0xac: {  	s6 =	simm.s32 $0x0;
	s7 =	rddreg [dreg:$0xa]  }
0xad: {  	[hbm4b:s7+s6] =	stream.linear.scatter [tilespmem:s5], [sflag:$0x6], $0x4000, $0x38;
	[tilespmem:$0x1C100] =	vst v63  }
0xae: {  	v3 =	vld [tilespmem:$0xC0];
	_ =	sdelay $0x4  }
0xaf: {  	v4 =	vshll.u32 v3, $0x3  }
0xb0: {  	v3 =	vand.u32 $0x7, v3;
	v4 =	vand.u32 $0xFFFFFFC0, v4  }
0xb1: {  	v3 =	vor.u32 v3, v4  }
0xb2: {  	v4 =	vperm.xlane v3, v0;
	_ =	sdelay $0x1  }
0xb3: {  	v4 =	vadd.s32 v1, v4;
	_ =	sdelay $0x4  }
0xb4: {  	[tilespmem:s19], [sflag:$0x4] =	stream.indirect_vreg.gather [hbm4b:s1+s6], $0x80, v4, vm0, $0xb8;
	[tilespmem:$0x1C100] =	vst v63  }
0xb5: {  	s15 =	simm.s32 $0xC900;
	v3 =	vperm.xlane v3, v2  }
0xb6: {  	[tilespmem:s15], [sflag:$0x4] =	stream.indirect_vreg.gather [hbm4b:s9+s6], $0x80, v4, vm0, $0xb8;
	[tilespmem:$0x1C100] =	vst v63  }
0xb7: {  	s16 =	simm.s32 $0xD100;
	v3 =	vadd.s32 v1, v3  }
0xb8: {  	[tilespmem:s16], [sflag:$0x4] =	stream.indirect_vreg.gather [hbm4b:s10+s6], $0x80, v4, vm0, $0xb8;
	[tilespmem:$0x1C100] =	vst v63  }
0xb9: {  	s8 =	simm.s32 $0xD900  }
0xba: {  	[tilespmem:s8], [sflag:$0x4] =	stream.indirect_vreg.gather [hbm4b:s12+s6], $0x80, v4, vm0, $0xb8;
	[tilespmem:$0x1C100] =	vst v63  }
0xbb: {  	s13 =	simm.s32 $0xE100  }
0xbc: {  	[tilespmem:s13], [sflag:$0x4] =	stream.indirect_vreg.gather [hbm4b:s1+s6], $0x80, v3, vm0, $0xb8;
	[tilespmem:$0x1C100] =	vst v63  }
0xbd: {  	s14 =	simm.s32 $0xE900  }
0xbe: {  	[tilespmem:s14], [sflag:$0x4] =	stream.indirect_vreg.gather [hbm4b:s9+s6], $0x80, v3, vm0, $0xb8;
	[tilespmem:$0x1C100] =	vst v63  }
0xbf: {  	s15 =	simm.s32 $0xF100  }
0xc0: {  	[tilespmem:s15], [sflag:$0x4] =	stream.indirect_vreg.gather [hbm4b:s10+s6], $0x80, v3, vm0, $0xb8;
	[tilespmem:$0x1C100] =	vst v63  }
0xc1: {  	s16 =	simm.s32 $0xF900  }
0xc2: {  	[tilespmem:s16], [sflag:$0x4] =	stream.indirect_vreg.gather [hbm4b:s12+s6], $0x80, v3, vm0, $0xb8;
	[tilespmem:$0x1C100] =	vst v63  }
0xc3: {  	_ =	swait.ge [sflag:s30], $0x4000  }
0xc4: {  	[sflag:s30] =	ssyncset.done $0x0  }
0xc5: {  	s7 =	simm.s32 $0x0;
	s8 =	simm.s32 $0x0;
	[sflag:s30] =	ssyncadd.s32 $0xFFFFC000  }
.LBB2_6:
0xc6: {  	s13 =	sshll.u32 s7, $0x2;
	s14 =	sand.u32 $0x7, s6  }
0xc7: {  	s13 =	sand.u32 $0xFFFF8000, s13;
	s14 =	sshll.u32 s14, $0x9  }
0xc8: {  	s13 =	sor.u32 s14, s13  }
0xc9: {  	s14 =	sshrl.u32 s13, $0x2  }
0xca: {  	s13 =	sadd.s32 $0x4140, s14  }
0xcb: {  	s14 =	sadd.s32 $0x14140, s14;
	v4 =	vld [tilespmem:s13+$0x30]  }
0xcc: {  	v5 =	vld [tilespmem:s14+$0x30]  }
0xcd: {  	v3 =	vld [tilespmem:s14+$0xFFFFFFC0]  }
0xce: {  	v6 =	vld [tilespmem:s13+$0xFFFFFFD0]  }
0xcf: {  	v7 =	vld [tilespmem:s14+$0xFFFFFFD0]  }
0xd0: {  	v8 =	vld [tilespmem:s13+$0xFFFFFFE0]  }
0xd1: {  	v9 =	vld [tilespmem:s14+$0xFFFFFFE0]  }
0xd2: {  	v10 =	vld [tilespmem:s13+$0xFFFFFFF0]  }
0xd3: {  	v11 =	vld [tilespmem:s14+$0xFFFFFFF0]  }
0xd4: {  	v12 =	vld [tilespmem:s13+$0x0]  }
0xd5: {  	v13 =	vld [tilespmem:s14+$0x0];
	v5 =	vadd.f32 v5, v4  }
0xd6: {  	v7 =	vadd.f32 v7, v6;
	v4 =	vld [tilespmem:s13+$0x10]  }
0xd7: {  	v8 =	vadd.f32 v9, v8;
	v6 =	vld [tilespmem:s14+$0x10];
	[tilespmem:s13+$0x30] =	vst v5  }
0xd8: {  	v9 =	vadd.f32 v11, v10;
	[tilespmem:s13+$0xFFFFFFD0] =	vst v7;
	v5 =	vld [tilespmem:s13+$0x20]  }
0xd9: {  	[tilespmem:s13+$0xFFFFFFE0] =	vst v8;
	v8 =	vld [tilespmem:s14+$0x20]  }
0xda: {  	s15 =	simm.s32 $0x0;
	s16 =	sadd.s32 $0x400, s13;
	v7 =	vld [tilespmem:s13+$0xFFFFFFC0];
	[tilespmem:s13+$0xFFFFFFF0] =	vst v9;
	v9 =	vadd.f32 v13, v12  }
.LBB2_7:
0xdb: {  	v10 =	vld [tilespmem:s16+$0x30];
	s14 =	sadd.s32 $0x400, s14  }
0xdc: {  	s15 =	sadd.s32 $0x80, s15;
	v11 =	vld [tilespmem:s14+$0x30];
	[tilespmem:s13+$0x0] =	vst v9;
	v4 =	vadd.f32 v6, v4  }
0xdd: {  	p0 =	slt.u32 s15, $0x380;
	v6 =	vld [tilespmem:s14+$0xFFFFFFC0]  }
0xde: {  	v9 =	vld [tilespmem:s16+$0xFFFFFFD0];
	[tilespmem:s13+$0x10] =	vst v4;
	v4 =	vadd.f32 v8, v5  }
0xdf: {  	v5 =	vld [tilespmem:s14+$0xFFFFFFD0];
	v12 =	vadd.f32 v3, v7  }
0xe0: {  	v7 =	vld [tilespmem:s16+$0xFFFFFFE0];
	[tilespmem:s13+$0x20] =	vst v4  }
0xe1: {  	v4 =	vld [tilespmem:s14+$0xFFFFFFE0];
	v8 =	vadd.f32 v11, v10;
	[tilespmem:s13+$0xFFFFFFC0] =	vst v12;
	s13 =	smov.u32 s16  }
0xe2: {  	v10 =	vld [tilespmem:s16+$0xFFFFFFF0];
	v3 =	vmov v6  }
0xe3: {  	v11 =	vld [tilespmem:s14+$0xFFFFFFF0];
	[tilespmem:s16+$0x30] =	vst v8  }
0xe4: {  	v5 =	vadd.f32 v5, v9;
	v9 =	vld [tilespmem:s16+$0x0]  }
0xe5: {  	v12 =	vld [tilespmem:s14+$0x0]  }
.Ltmp2:
0xe6: {  	[tilespmem:s16+$0xFFFFFFD0] =	vst v5;
	v5 =	vadd.f32 v4, v7;
	v4 =	vld [tilespmem:s16+$0x10];
	(pc) =	sbr.rel @p0 .LBB2_7-.Ltmp2, $4  }
0xe7: {  	v6 =	vld [tilespmem:s14+$0x10]  }
0xe8: {  	[tilespmem:s16+$0xFFFFFFE0] =	vst v5;
	v10 =	vadd.f32 v11, v10;
	v5 =	vld [tilespmem:s16+$0x20]  }
0xe9: {  	v8 =	vld [tilespmem:s14+$0x20]  }
0xea: {  	s16 =	sadd.s32 $0x400, s16;
	v7 =	vld [tilespmem:s13+$0xFFFFFFC0];
	[tilespmem:s13+$0xFFFFFFF0] =	vst v10;
	v9 =	vadd.f32 v12, v9  }
0xeb: {  	s8 =	sadd.s32 $0x1, s8  }
0xec: {  	p0 =	sne.s32 s8, $0x10  }
.Ltmp3:
0xed: {  	v4 =	vadd.f32 v6, v4;
	(pc) =	sbr.rel @p0 .LBB2_6-.Ltmp3, $4  }
0xee: {  	[tilespmem:s13+$0x0] =	vst v9;
	v5 =	vadd.f32 v8, v5  }
0xef: {  	[tilespmem:s13+$0x10] =	vst v4;
	v3 =	vadd.f32 v3, v7  }
0xf0: {  	[tilespmem:s13+$0x20] =	vst v5  }
0xf1: {  	s7 =	sadd.s32 $0x400, s7;
	s6 =	sadd.s32 $0x1, s6;
	[tilespmem:s13+$0xFFFFFFC0] =	vst v3  }
0xf2: {  	s6 =	simm.s32 $0x0;
	s7 =	rddreg [dreg:$0xc]  }
0xf3: {  	[hbm4b:s7+s6] =	stream.linear.scatter [tilespmem:s17], [sflag:$0x7], $0x4000, $0x38;
	[tilespmem:$0x1C100] =	vst v63  }
0xf4: {  	v3 =	vld [tilespmem:$0x10];
	_ =	sdelay $0x4  }
0xf5: {  	v4 =	vshll.u32 v3, $0x3  }
0xf6: {  	v3 =	vand.u32 $0x7, v3;
	v4 =	vand.u32 $0xFFFFFFC0, v4  }
0xf7: {  	v3 =	vor.u32 v3, v4  }
0xf8: {  	v4 =	vperm.xlane v3, v0;
	_ =	sdelay $0x1  }
0xf9: {  	v4 =	vadd.s32 v1, v4;
	_ =	sdelay $0x4  }
0xfa: {  	[tilespmem:s31], [sflag:$0x5] =	stream.indirect_vreg.gather [hbm4b:s1+s6], $0x80, v4, vm0, $0xb8;
	[tilespmem:$0x1C100] =	vst v63  }
0xfb: {  	s15 =	simm.s32 $0x10900;
	v3 =	vperm.xlane v3, v2  }
0xfc: {  	[tilespmem:s15], [sflag:$0x5] =	stream.indirect_vreg.gather [hbm4b:s9+s6], $0x80, v4, vm0, $0xb8;
	[tilespmem:$0x1C100] =	vst v63  }
0xfd: {  	s16 =	simm.s32 $0x11100;
	v3 =	vadd.s32 v1, v3  }
0xfe: {  	[tilespmem:s16], [sflag:$0x5] =	stream.indirect_vreg.gather [hbm4b:s10+s6], $0x80, v4, vm0, $0xb8;
	[tilespmem:$0x1C100] =	vst v63  }
0xff: {  	s8 =	simm.s32 $0x11900  }
0x100: {  	[tilespmem:s8], [sflag:$0x5] =	stream.indirect_vreg.gather [hbm4b:s12+s6], $0x80, v4, vm0, $0xb8;
	[tilespmem:$0x1C100] =	vst v63  }
0x101: {  	s13 =	simm.s32 $0x12100  }
0x102: {  	[tilespmem:s13], [sflag:$0x5] =	stream.indirect_vreg.gather [hbm4b:s1+s6], $0x80, v3, vm0, $0xb8;
	[tilespmem:$0x1C100] =	vst v63  }
0x103: {  	s14 =	simm.s32 $0x12900  }
0x104: {  	[tilespmem:s14], [sflag:$0x5] =	stream.indirect_vreg.gather [hbm4b:s9+s6], $0x80, v3, vm0, $0xb8;
	[tilespmem:$0x1C100] =	vst v63  }
0x105: {  	s15 =	simm.s32 $0x13100  }
0x106: {  	[tilespmem:s15], [sflag:$0x5] =	stream.indirect_vreg.gather [hbm4b:s10+s6], $0x80, v3, vm0, $0xb8;
	[tilespmem:$0x1C100] =	vst v63  }
0x107: {  	s16 =	simm.s32 $0x13900  }
0x108: {  	[tilespmem:s16], [sflag:$0x5] =	stream.indirect_vreg.gather [hbm4b:s12+s6], $0x80, v3, vm0, $0xb8;
	[tilespmem:$0x1C100] =	vst v63  }
0x109: {  	_ =	swait.ge [sflag:s24], $0x4000  }
0x10a: {  	[sflag:s24] =	ssyncset.done $0x0  }
0x10b: {  	s7 =	simm.s32 $0x0;
	s8 =	simm.s32 $0x0;
	[sflag:s24] =	ssyncadd.s32 $0xFFFFC000  }
.LBB2_10:
0x10c: {  	s13 =	sshll.u32 s7, $0x2;
	s14 =	sand.u32 $0x7, s6  }
0x10d: {  	s13 =	sand.u32 $0xFFFF8000, s13;
	s14 =	sshll.u32 s14, $0x9  }
0x10e: {  	s13 =	sor.u32 s14, s13  }
0x10f: {  	s14 =	sshrl.u32 s13, $0x2  }
0x110: {  	s13 =	sadd.s32 $0x8140, s14  }
0x111: {  	s14 =	sadd.s32 $0x14140, s14;
	v4 =	vld [tilespmem:s13+$0x30]  }
0x112: {  	v5 =	vld [tilespmem:s14+$0x30]  }
0x113: {  	v3 =	vld [tilespmem:s14+$0xFFFFFFC0]  }
0x114: {  	v6 =	vld [tilespmem:s13+$0xFFFFFFD0]  }
0x115: {  	v7 =	vld [tilespmem:s14+$0xFFFFFFD0]  }
0x116: {  	v8 =	vld [tilespmem:s13+$0xFFFFFFE0]  }
0x117: {  	v9 =	vld [tilespmem:s14+$0xFFFFFFE0]  }
0x118: {  	v10 =	vld [tilespmem:s13+$0xFFFFFFF0]  }
0x119: {  	v11 =	vld [tilespmem:s14+$0xFFFFFFF0]  }
0x11a: {  	v12 =	vld [tilespmem:s13+$0x0]  }
0x11b: {  	v13 =	vld [tilespmem:s14+$0x0];
	v5 =	vadd.f32 v5, v4  }
0x11c: {  	v7 =	vadd.f32 v7, v6;
	v4 =	vld [tilespmem:s13+$0x10]  }
0x11d: {  	v8 =	vadd.f32 v9, v8;
	v6 =	vld [tilespmem:s14+$0x10];
	[tilespmem:s13+$0x30] =	vst v5  }
0x11e: {  	v9 =	vadd.f32 v11, v10;
	[tilespmem:s13+$0xFFFFFFD0] =	vst v7;
	v5 =	vld [tilespmem:s13+$0x20]  }
0x11f: {  	[tilespmem:s13+$0xFFFFFFE0] =	vst v8;
	v8 =	vld [tilespmem:s14+$0x20]  }
0x120: {  	s15 =	simm.s32 $0x0;
	s16 =	sadd.s32 $0x400, s13;
	v7 =	vld [tilespmem:s13+$0xFFFFFFC0];
	[tilespmem:s13+$0xFFFFFFF0] =	vst v9;
	v9 =	vadd.f32 v13, v12  }
.LBB2_11:
0x121: {  	v10 =	vld [tilespmem:s16+$0x30];
	s14 =	sadd.s32 $0x400, s14  }
0x122: {  	s15 =	sadd.s32 $0x80, s15;
	v11 =	vld [tilespmem:s14+$0x30];
	[tilespmem:s13+$0x0] =	vst v9;
	v4 =	vadd.f32 v6, v4  }
0x123: {  	p0 =	slt.u32 s15, $0x380;
	v6 =	vld [tilespmem:s14+$0xFFFFFFC0]  }
0x124: {  	v9 =	vld [tilespmem:s16+$0xFFFFFFD0];
	[tilespmem:s13+$0x10] =	vst v4;
	v4 =	vadd.f32 v8, v5  }
0x125: {  	v5 =	vld [tilespmem:s14+$0xFFFFFFD0];
	v12 =	vadd.f32 v3, v7  }
0x126: {  	v7 =	vld [tilespmem:s16+$0xFFFFFFE0];
	[tilespmem:s13+$0x20] =	vst v4  }
0x127: {  	v4 =	vld [tilespmem:s14+$0xFFFFFFE0];
	v8 =	vadd.f32 v11, v10;
	[tilespmem:s13+$0xFFFFFFC0] =	vst v12;
	s13 =	smov.u32 s16  }
0x128: {  	v10 =	vld [tilespmem:s16+$0xFFFFFFF0];
	v3 =	vmov v6  }
0x129: {  	v11 =	vld [tilespmem:s14+$0xFFFFFFF0];
	[tilespmem:s16+$0x30] =	vst v8  }
0x12a: {  	v5 =	vadd.f32 v5, v9;
	v9 =	vld [tilespmem:s16+$0x0]  }
0x12b: {  	v12 =	vld [tilespmem:s14+$0x0]  }
.Ltmp4:
0x12c: {  	[tilespmem:s16+$0xFFFFFFD0] =	vst v5;
	v5 =	vadd.f32 v4, v7;
	v4 =	vld [tilespmem:s16+$0x10];
	(pc) =	sbr.rel @p0 .LBB2_11-.Ltmp4, $4  }
0x12d: {  	v6 =	vld [tilespmem:s14+$0x10]  }
0x12e: {  	[tilespmem:s16+$0xFFFFFFE0] =	vst v5;
	v10 =	vadd.f32 v11, v10;
	v5 =	vld [tilespmem:s16+$0x20]  }
0x12f: {  	v8 =	vld [tilespmem:s14+$0x20]  }
0x130: {  	s16 =	sadd.s32 $0x400, s16;
	v7 =	vld [tilespmem:s13+$0xFFFFFFC0];
	[tilespmem:s13+$0xFFFFFFF0] =	vst v10;
	v9 =	vadd.f32 v12, v9  }
0x131: {  	s8 =	sadd.s32 $0x1, s8  }
0x132: {  	p0 =	sne.s32 s8, $0x10  }
.Ltmp5:
0x133: {  	v4 =	vadd.f32 v6, v4;
	(pc) =	sbr.rel @p0 .LBB2_10-.Ltmp5, $4  }
0x134: {  	[tilespmem:s13+$0x0] =	vst v9;
	v5 =	vadd.f32 v8, v5  }
0x135: {  	[tilespmem:s13+$0x10] =	vst v4;
	v3 =	vadd.f32 v3, v7  }
0x136: {  	[tilespmem:s13+$0x20] =	vst v5  }
0x137: {  	s7 =	sadd.s32 $0x400, s7;
	s6 =	sadd.s32 $0x1, s6;
	[tilespmem:s13+$0xFFFFFFC0] =	vst v3  }
0x138: {  	s6 =	simm.s32 $0x0;
	s7 =	rddreg [dreg:$0xd]  }
0x139: {  	[hbm4b:s7+s6] =	stream.linear.scatter [tilespmem:s26], [sflag:$0x8], $0x4000, $0x38;
	[tilespmem:$0x1C100] =	vst v63  }
0x13a: {  	_ =	swait.ge [sflag:s28], $0x4000  }
0x13b: {  	[sflag:s28] =	ssyncset.done $0x0  }
0x13c: {  	[sflag:s28] =	ssyncadd.s32 $0xFFFFC000  }
0x13d: {  	v3 =	vld [tilespmem:$0x50];
	_ =	sdelay $0x4  }
0x13e: {  	v4 =	vshll.u32 v3, $0x3  }
0x13f: {  	v3 =	vand.u32 $0x7, v3;
	v4 =	vand.u32 $0xFFFFFFC0, v4  }
0x140: {  	v3 =	vor.u32 v3, v4  }
0x141: {  	v4 =	vperm.xlane v3, v0;
	_ =	sdelay $0x1  }
0x142: {  	v4 =	vadd.s32 v1, v4;
	_ =	sdelay $0x4  }
0x143: {  	[tilespmem:s5], [sflag:$0x1] =	stream.indirect_vreg.gather [hbm4b:s1+s6], $0x80, v4, vm0, $0xb8;
	[tilespmem:$0x1C100] =	vst v63  }
0x144: {  	s15 =	simm.s32 $0x900;
	v3 =	vperm.xlane v3, v2  }
0x145: {  	[tilespmem:s15], [sflag:$0x1] =	stream.indirect_vreg.gather [hbm4b:s9+s6], $0x80, v4, vm0, $0xb8;
	[tilespmem:$0x1C100] =	vst v63  }
0x146: {  	s16 =	simm.s32 $0x1100;
	v3 =	vadd.s32 v1, v3  }
0x147: {  	[tilespmem:s16], [sflag:$0x1] =	stream.indirect_vreg.gather [hbm4b:s10+s6], $0x80, v4, vm0, $0xb8;
	[tilespmem:$0x1C100] =	vst v63  }
0x148: {  	s8 =	simm.s32 $0x1900  }
0x149: {  	[tilespmem:s8], [sflag:$0x1] =	stream.indirect_vreg.gather [hbm4b:s12+s6], $0x80, v4, vm0, $0xb8;
	[tilespmem:$0x1C100] =	vst v63  }
0x14a: {  	s13 =	simm.s32 $0x2100  }
0x14b: {  	[tilespmem:s13], [sflag:$0x1] =	stream.indirect_vreg.gather [hbm4b:s1+s6], $0x80, v3, vm0, $0xb8;
	[tilespmem:$0x1C100] =	vst v63  }
0x14c: {  	s14 =	simm.s32 $0x2900  }
0x14d: {  	[tilespmem:s14], [sflag:$0x1] =	stream.indirect_vreg.gather [hbm4b:s9+s6], $0x80, v3, vm0, $0xb8;
	[tilespmem:$0x1C100] =	vst v63  }
0x14e: {  	s15 =	simm.s32 $0x3100  }
0x14f: {  	[tilespmem:s15], [sflag:$0x1] =	stream.indirect_vreg.gather [hbm4b:s10+s6], $0x80, v3, vm0, $0xb8;
	[tilespmem:$0x1C100] =	vst v63  }
0x150: {  	s16 =	simm.s32 $0x3900  }
0x151: {  	[tilespmem:s16], [sflag:$0x1] =	stream.indirect_vreg.gather [hbm4b:s12+s6], $0x80, v3, vm0, $0xb8;
	[tilespmem:$0x1C100] =	vst v63  }
0x152: {  	_ =	swait.ge [sflag:s29], $0x4000  }
0x153: {  	[sflag:s29] =	ssyncset.done $0x0  }
0x154: {  	s7 =	simm.s32 $0x0;
	s8 =	simm.s32 $0x0;
	[sflag:s29] =	ssyncadd.s32 $0xFFFFC000  }
.LBB2_14:
0x155: {  	s13 =	sshll.u32 s7, $0x2;
	s14 =	sand.u32 $0x7, s6  }
0x156: {  	s13 =	sand.u32 $0xFFFF8000, s13;
	s14 =	sshll.u32 s14, $0x9  }
0x157: {  	s13 =	sor.u32 s14, s13  }
0x158: {  	s14 =	sshrl.u32 s13, $0x2  }
0x159: {  	s13 =	sadd.s32 $0xC140, s14  }
0x15a: {  	s14 =	sadd.s32 $0x14140, s14;
	v4 =	vld [tilespmem:s13+$0x30]  }
0x15b: {  	v5 =	vld [tilespmem:s14+$0x30]  }
0x15c: {  	v3 =	vld [tilespmem:s14+$0xFFFFFFC0]  }
0x15d: {  	v6 =	vld [tilespmem:s13+$0xFFFFFFD0]  }
0x15e: {  	v7 =	vld [tilespmem:s14+$0xFFFFFFD0]  }
0x15f: {  	v8 =	vld [tilespmem:s13+$0xFFFFFFE0]  }
0x160: {  	v9 =	vld [tilespmem:s14+$0xFFFFFFE0]  }
0x161: {  	v10 =	vld [tilespmem:s13+$0xFFFFFFF0]  }
0x162: {  	v11 =	vld [tilespmem:s14+$0xFFFFFFF0]  }
0x163: {  	v12 =	vld [tilespmem:s13+$0x0]  }
0x164: {  	v13 =	vld [tilespmem:s14+$0x0];
	v5 =	vadd.f32 v5, v4  }
0x165: {  	v7 =	vadd.f32 v7, v6;
	v4 =	vld [tilespmem:s13+$0x10]  }
0x166: {  	v8 =	vadd.f32 v9, v8;
	v6 =	vld [tilespmem:s14+$0x10];
	[tilespmem:s13+$0x30] =	vst v5  }
0x167: {  	v9 =	vadd.f32 v11, v10;
	[tilespmem:s13+$0xFFFFFFD0] =	vst v7;
	v5 =	vld [tilespmem:s13+$0x20]  }
0x168: {  	[tilespmem:s13+$0xFFFFFFE0] =	vst v8;
	v8 =	vld [tilespmem:s14+$0x20]  }
0x169: {  	s15 =	simm.s32 $0x0;
	s16 =	sadd.s32 $0x400, s13;
	v7 =	vld [tilespmem:s13+$0xFFFFFFC0];
	[tilespmem:s13+$0xFFFFFFF0] =	vst v9;
	v9 =	vadd.f32 v13, v12  }
.LBB2_15:
0x16a: {  	v10 =	vld [tilespmem:s16+$0x30];
	s14 =	sadd.s32 $0x400, s14  }
0x16b: {  	s15 =	sadd.s32 $0x80, s15;
	v11 =	vld [tilespmem:s14+$0x30];
	[tilespmem:s13+$0x0] =	vst v9;
	v4 =	vadd.f32 v6, v4  }
0x16c: {  	p0 =	slt.u32 s15, $0x380;
	v6 =	vld [tilespmem:s14+$0xFFFFFFC0]  }
0x16d: {  	v9 =	vld [tilespmem:s16+$0xFFFFFFD0];
	[tilespmem:s13+$0x10] =	vst v4;
	v4 =	vadd.f32 v8, v5  }
0x16e: {  	v5 =	vld [tilespmem:s14+$0xFFFFFFD0];
	v12 =	vadd.f32 v3, v7  }
0x16f: {  	v7 =	vld [tilespmem:s16+$0xFFFFFFE0];
	[tilespmem:s13+$0x20] =	vst v4  }
0x170: {  	v4 =	vld [tilespmem:s14+$0xFFFFFFE0];
	v8 =	vadd.f32 v11, v10;
	[tilespmem:s13+$0xFFFFFFC0] =	vst v12;
	s13 =	smov.u32 s16  }
0x171: {  	v10 =	vld [tilespmem:s16+$0xFFFFFFF0];
	v3 =	vmov v6  }
0x172: {  	v11 =	vld [tilespmem:s14+$0xFFFFFFF0];
	[tilespmem:s16+$0x30] =	vst v8  }
0x173: {  	v5 =	vadd.f32 v5, v9;
	v9 =	vld [tilespmem:s16+$0x0]  }
0x174: {  	v12 =	vld [tilespmem:s14+$0x0]  }
.Ltmp6:
0x175: {  	[tilespmem:s16+$0xFFFFFFD0] =	vst v5;
	v5 =	vadd.f32 v4, v7;
	v4 =	vld [tilespmem:s16+$0x10];
	(pc) =	sbr.rel @p0 .LBB2_15-.Ltmp6, $4  }
0x176: {  	v6 =	vld [tilespmem:s14+$0x10]  }
0x177: {  	[tilespmem:s16+$0xFFFFFFE0] =	vst v5;
	v10 =	vadd.f32 v11, v10;
	v5 =	vld [tilespmem:s16+$0x20]  }
0x178: {  	v8 =	vld [tilespmem:s14+$0x20]  }
0x179: {  	s16 =	sadd.s32 $0x400, s16;
	v7 =	vld [tilespmem:s13+$0xFFFFFFC0];
	[tilespmem:s13+$0xFFFFFFF0] =	vst v10;
	v9 =	vadd.f32 v12, v9  }
0x17a: {  	s8 =	sadd.s32 $0x1, s8  }
0x17b: {  	p0 =	sne.s32 s8, $0x10  }
.Ltmp7:
0x17c: {  	v4 =	vadd.f32 v6, v4;
	(pc) =	sbr.rel @p0 .LBB2_14-.Ltmp7, $4  }
0x17d: {  	[tilespmem:s13+$0x0] =	vst v9;
	v5 =	vadd.f32 v8, v5  }
0x17e: {  	[tilespmem:s13+$0x10] =	vst v4;
	v3 =	vadd.f32 v3, v7  }
0x17f: {  	[tilespmem:s13+$0x20] =	vst v5  }
0x180: {  	s7 =	sadd.s32 $0x400, s7;
	s6 =	sadd.s32 $0x1, s6;
	[tilespmem:s13+$0xFFFFFFC0] =	vst v3  }
0x181: {  	s6 =	simm.s32 $0x0;
	s7 =	rddreg [dreg:$0xe]  }
0x182: {  	[hbm4b:s7+s6] =	stream.linear.scatter [tilespmem:s19], [sflag:$0x9], $0x4000, $0x38;
	[tilespmem:$0x1C100] =	vst v63  }
0x183: {  	_ =	swait.ge [sflag:s0], $0x4000  }
0x184: {  	[sflag:s0] =	ssyncset.done $0x0  }
0x185: {  	s8 =	simm.s32 $0x14100;
	s14 =	rddreg [dreg:$0xf];
	[sflag:s0] =	ssyncadd.s32 $0xFFFFC000  }
0x186: {  	[tilespmem:s8], [sflag:$0xB] =	stream.linear.gather [hbm4b:s14+s6], $0x4000, $0x38;
	[tilespmem:$0x1C100] =	vst v63  }
0x187: {  	_ =	swait.ge [sflag:s4], $0x4000  }
0x188: {  	[sflag:s4] =	ssyncset.done $0x0  }
0x189: {  	[sflag:s4] =	ssyncadd.s32 $0xFFFFC000  }
0x18a: {  	v3 =	vld [tilespmem:$0x90];
	_ =	sdelay $0x4  }
0x18b: {  	v4 =	vshll.u32 v3, $0x3  }
0x18c: {  	v3 =	vand.u32 $0x7, v3;
	v4 =	vand.u32 $0xFFFFFFC0, v4  }
0x18d: {  	v3 =	vor.u32 v3, v4  }
0x18e: {  	v4 =	vperm.xlane v3, v0;
	_ =	sdelay $0x1  }
0x18f: {  	v4 =	vadd.s32 v1, v4;
	_ =	sdelay $0x4  }
0x190: {  	[tilespmem:s17], [sflag:$0x2] =	stream.indirect_vreg.gather [hbm4b:s1+s6], $0x80, v4, vm0, $0xb8;
	[tilespmem:$0x1C100] =	vst v63  }
0x191: {  	s15 =	simm.s32 $0x4900;
	v3 =	vperm.xlane v3, v2  }
0x192: {  	[tilespmem:s15], [sflag:$0x2] =	stream.indirect_vreg.gather [hbm4b:s9+s6], $0x80, v4, vm0, $0xb8;
	[tilespmem:$0x1C100] =	vst v63  }
0x193: {  	s16 =	simm.s32 $0x5100;
	v3 =	vadd.s32 v1, v3  }
0x194: {  	[tilespmem:s16], [sflag:$0x2] =	stream.indirect_vreg.gather [hbm4b:s10+s6], $0x80, v4, vm0, $0xb8;
	[tilespmem:$0x1C100] =	vst v63  }
0x195: {  	s8 =	simm.s32 $0x5900  }
0x196: {  	[tilespmem:s8], [sflag:$0x2] =	stream.indirect_vreg.gather [hbm4b:s12+s6], $0x80, v4, vm0, $0xb8;
	[tilespmem:$0x1C100] =	vst v63  }
0x197: {  	s13 =	simm.s32 $0x6100  }
0x198: {  	[tilespmem:s13], [sflag:$0x2] =	stream.indirect_vreg.gather [hbm4b:s1+s6], $0x80, v3, vm0, $0xb8;
	[tilespmem:$0x1C100] =	vst v63  }
0x199: {  	s14 =	simm.s32 $0x6900  }
0x19a: {  	[tilespmem:s14], [sflag:$0x2] =	stream.indirect_vreg.gather [hbm4b:s9+s6], $0x80, v3, vm0, $0xb8;
	[tilespmem:$0x1C100] =	vst v63  }
0x19b: {  	s15 =	simm.s32 $0x7100  }
0x19c: {  	[tilespmem:s15], [sflag:$0x2] =	stream.indirect_vreg.gather [hbm4b:s10+s6], $0x80, v3, vm0, $0xb8;
	[tilespmem:$0x1C100] =	vst v63  }
0x19d: {  	s16 =	simm.s32 $0x7900  }
0x19e: {  	[tilespmem:s16], [sflag:$0x2] =	stream.indirect_vreg.gather [hbm4b:s12+s6], $0x80, v3, vm0, $0xb8;
	[tilespmem:$0x1C100] =	vst v63  }
0x19f: {  	_ =	swait.ge [sflag:s11], $0x4000  }
0x1a0: {  	[sflag:s11] =	ssyncset.done $0x0  }
0x1a1: {  	s7 =	simm.s32 $0x0;
	s8 =	simm.s32 $0x0;
	[sflag:s11] =	ssyncadd.s32 $0xFFFFC000  }
.LBB2_18:
0x1a2: {  	s13 =	sshll.u32 s7, $0x2;
	s14 =	sand.u32 $0x7, s6  }
0x1a3: {  	s13 =	sand.u32 $0xFFFF8000, s13;
	s14 =	sshll.u32 s14, $0x9  }
0x1a4: {  	s13 =	sor.u32 s14, s13  }
0x1a5: {  	s14 =	sshrl.u32 s13, $0x2  }
0x1a6: {  	s13 =	sadd.s32 $0x10140, s14  }
0x1a7: {  	s14 =	sadd.s32 $0x18140, s14;
	v4 =	vld [tilespmem:s13+$0x30]  }
0x1a8: {  	v5 =	vld [tilespmem:s14+$0x30]  }
0x1a9: {  	v3 =	vld [tilespmem:s14+$0xFFFFFFC0]  }
0x1aa: {  	v6 =	vld [tilespmem:s13+$0xFFFFFFD0]  }
0x1ab: {  	v7 =	vld [tilespmem:s14+$0xFFFFFFD0]  }
0x1ac: {  	v8 =	vld [tilespmem:s13+$0xFFFFFFE0]  }
0x1ad: {  	v9 =	vld [tilespmem:s14+$0xFFFFFFE0]  }
0x1ae: {  	v10 =	vld [tilespmem:s13+$0xFFFFFFF0]  }
0x1af: {  	v11 =	vld [tilespmem:s14+$0xFFFFFFF0]  }
0x1b0: {  	v12 =	vld [tilespmem:s13+$0x0]  }
0x1b1: {  	v13 =	vld [tilespmem:s14+$0x0];
	v5 =	vadd.f32 v5, v4  }
0x1b2: {  	v7 =	vadd.f32 v7, v6;
	v4 =	vld [tilespmem:s13+$0x10]  }
0x1b3: {  	v8 =	vadd.f32 v9, v8;
	v6 =	vld [tilespmem:s14+$0x10];
	[tilespmem:s13+$0x30] =	vst v5  }
0x1b4: {  	v9 =	vadd.f32 v11, v10;
	[tilespmem:s13+$0xFFFFFFD0] =	vst v7;
	v5 =	vld [tilespmem:s13+$0x20]  }
0x1b5: {  	[tilespmem:s13+$0xFFFFFFE0] =	vst v8;
	v8 =	vld [tilespmem:s14+$0x20]  }
0x1b6: {  	s15 =	simm.s32 $0x0;
	s16 =	sadd.s32 $0x400, s13;
	v7 =	vld [tilespmem:s13+$0xFFFFFFC0];
	[tilespmem:s13+$0xFFFFFFF0] =	vst v9;
	v9 =	vadd.f32 v13, v12  }
.LBB2_19:
0x1b7: {  	v10 =	vld [tilespmem:s16+$0x30];
	s14 =	sadd.s32 $0x400, s14  }
0x1b8: {  	s15 =	sadd.s32 $0x80, s15;
	v11 =	vld [tilespmem:s14+$0x30];
	[tilespmem:s13+$0x0] =	vst v9;
	v4 =	vadd.f32 v6, v4  }
0x1b9: {  	p0 =	slt.u32 s15, $0x380;
	v6 =	vld [tilespmem:s14+$0xFFFFFFC0]  }
0x1ba: {  	v9 =	vld [tilespmem:s16+$0xFFFFFFD0];
	[tilespmem:s13+$0x10] =	vst v4;
	v4 =	vadd.f32 v8, v5  }
0x1bb: {  	v5 =	vld [tilespmem:s14+$0xFFFFFFD0];
	v12 =	vadd.f32 v3, v7  }
0x1bc: {  	v7 =	vld [tilespmem:s16+$0xFFFFFFE0];
	[tilespmem:s13+$0x20] =	vst v4  }
0x1bd: {  	v4 =	vld [tilespmem:s14+$0xFFFFFFE0];
	v8 =	vadd.f32 v11, v10;
	[tilespmem:s13+$0xFFFFFFC0] =	vst v12;
	s13 =	smov.u32 s16  }
0x1be: {  	v10 =	vld [tilespmem:s16+$0xFFFFFFF0];
	v3 =	vmov v6  }
0x1bf: {  	v11 =	vld [tilespmem:s14+$0xFFFFFFF0];
	[tilespmem:s16+$0x30] =	vst v8  }
0x1c0: {  	v5 =	vadd.f32 v5, v9;
	v9 =	vld [tilespmem:s16+$0x0]  }
0x1c1: {  	v12 =	vld [tilespmem:s14+$0x0]  }
.Ltmp8:
0x1c2: {  	[tilespmem:s16+$0xFFFFFFD0] =	vst v5;
	v5 =	vadd.f32 v4, v7;
	v4 =	vld [tilespmem:s16+$0x10];
	(pc) =	sbr.rel @p0 .LBB2_19-.Ltmp8, $4  }
0x1c3: {  	v6 =	vld [tilespmem:s14+$0x10]  }
0x1c4: {  	[tilespmem:s16+$0xFFFFFFE0] =	vst v5;
	v10 =	vadd.f32 v11, v10;
	v5 =	vld [tilespmem:s16+$0x20]  }
0x1c5: {  	v8 =	vld [tilespmem:s14+$0x20]  }
0x1c6: {  	s16 =	sadd.s32 $0x400, s16;
	v7 =	vld [tilespmem:s13+$0xFFFFFFC0];
	[tilespmem:s13+$0xFFFFFFF0] =	vst v10;
	v9 =	vadd.f32 v12, v9  }
0x1c7: {  	s8 =	sadd.s32 $0x1, s8  }
0x1c8: {  	p0 =	sne.s32 s8, $0x10  }
.Ltmp9:
0x1c9: {  	v4 =	vadd.f32 v6, v4;
	(pc) =	sbr.rel @p0 .LBB2_18-.Ltmp9, $4  }
0x1ca: {  	[tilespmem:s13+$0x0] =	vst v9;
	v5 =	vadd.f32 v8, v5  }
0x1cb: {  	[tilespmem:s13+$0x10] =	vst v4;
	v3 =	vadd.f32 v3, v7  }
0x1cc: {  	[tilespmem:s13+$0x20] =	vst v5  }
0x1cd: {  	s7 =	sadd.s32 $0x400, s7;
	s6 =	sadd.s32 $0x1, s6;
	[tilespmem:s13+$0xFFFFFFC0] =	vst v3  }
0x1ce: {  	s6 =	simm.s32 $0x0;
	s7 =	rddreg [dreg:$0x10]  }
0x1cf: {  	[hbm4b:s7+s6] =	stream.linear.scatter [tilespmem:s31], [sflag:$0xA], $0x4000, $0x38;
	[tilespmem:$0x1C100] =	vst v63  }
0x1d0: {  	_ =	swait.ge [sflag:s20], $0x4000  }
0x1d1: {  	[sflag:s20] =	ssyncset.done $0x0  }
0x1d2: {  	[sflag:s20] =	ssyncadd.s32 $0xFFFFC000  }
0x1d3: {  	v3 =	vld [tilespmem:$0xD0];
	_ =	sdelay $0x4  }
0x1d4: {  	v4 =	vshll.u32 v3, $0x3  }
0x1d5: {  	v3 =	vand.u32 $0x7, v3;
	v4 =	vand.u32 $0xFFFFFFC0, v4  }
0x1d6: {  	v3 =	vor.u32 v3, v4  }
0x1d7: {  	v4 =	vperm.xlane v3, v0;
	_ =	sdelay $0x1  }
0x1d8: {  	v4 =	vadd.s32 v1, v4;
	_ =	sdelay $0x4  }
0x1d9: {  	[tilespmem:s26], [sflag:$0x3] =	stream.indirect_vreg.gather [hbm4b:s1+s6], $0x80, v4, vm0, $0xb8;
	[tilespmem:$0x1C100] =	vst v63  }
0x1da: {  	s15 =	simm.s32 $0x8900;
	v3 =	vperm.xlane v3, v2  }
0x1db: {  	[tilespmem:s15], [sflag:$0x3] =	stream.indirect_vreg.gather [hbm4b:s9+s6], $0x80, v4, vm0, $0xb8;
	[tilespmem:$0x1C100] =	vst v63  }
0x1dc: {  	s16 =	simm.s32 $0x9100;
	v3 =	vadd.s32 v1, v3  }
0x1dd: {  	[tilespmem:s16], [sflag:$0x3] =	stream.indirect_vreg.gather [hbm4b:s10+s6], $0x80, v4, vm0, $0xb8;
	[tilespmem:$0x1C100] =	vst v63  }
0x1de: {  	s8 =	simm.s32 $0x9900  }
0x1df: {  	[tilespmem:s8], [sflag:$0x3] =	stream.indirect_vreg.gather [hbm4b:s12+s6], $0x80, v4, vm0, $0xb8;
	[tilespmem:$0x1C100] =	vst v63  }
0x1e0: {  	s13 =	simm.s32 $0xA100  }
0x1e1: {  	[tilespmem:s13], [sflag:$0x3] =	stream.indirect_vreg.gather [hbm4b:s1+s6], $0x80, v3, vm0, $0xb8;
	[tilespmem:$0x1C100] =	vst v63  }
0x1e2: {  	s14 =	simm.s32 $0xA900  }
0x1e3: {  	[tilespmem:s14], [sflag:$0x3] =	stream.indirect_vreg.gather [hbm4b:s9+s6], $0x80, v3, vm0, $0xb8;
	[tilespmem:$0x1C100] =	vst v63  }
0x1e4: {  	s15 =	simm.s32 $0xB100  }
0x1e5: {  	[tilespmem:s15], [sflag:$0x3] =	stream.indirect_vreg.gather [hbm4b:s10+s6], $0x80, v3, vm0, $0xb8;
	[tilespmem:$0x1C100] =	vst v63  }
0x1e6: {  	s16 =	simm.s32 $0xB900  }
0x1e7: {  	[tilespmem:s16], [sflag:$0x3] =	stream.indirect_vreg.gather [hbm4b:s12+s6], $0x80, v3, vm0, $0xb8;
	[tilespmem:$0x1C100] =	vst v63  }
0x1e8: {  	_ =	swait.ge [sflag:s18], $0x4000  }
0x1e9: {  	[sflag:s18] =	ssyncset.done $0x0  }
0x1ea: {  	s7 =	simm.s32 $0x0;
	s8 =	simm.s32 $0x0;
	[sflag:s18] =	ssyncadd.s32 $0xFFFFC000  }
.LBB2_22:
0x1eb: {  	s13 =	sshll.u32 s7, $0x2;
	s14 =	sand.u32 $0x7, s6  }
0x1ec: {  	s13 =	sand.u32 $0xFFFF8000, s13;
	s14 =	sshll.u32 s14, $0x9  }
0x1ed: {  	s13 =	sor.u32 s14, s13  }
0x1ee: {  	s14 =	sshrl.u32 s13, $0x2  }
0x1ef: {  	s13 =	sadd.s32 $0x140, s14  }
0x1f0: {  	s14 =	sadd.s32 $0x18140, s14;
	v4 =	vld [tilespmem:s13+$0x30]  }
0x1f1: {  	v5 =	vld [tilespmem:s14+$0x30]  }
0x1f2: {  	v3 =	vld [tilespmem:s14+$0xFFFFFFC0]  }
0x1f3: {  	v6 =	vld [tilespmem:s13+$0xFFFFFFD0]  }
0x1f4: {  	v7 =	vld [tilespmem:s14+$0xFFFFFFD0]  }
0x1f5: {  	v8 =	vld [tilespmem:s13+$0xFFFFFFE0]  }
0x1f6: {  	v9 =	vld [tilespmem:s14+$0xFFFFFFE0]  }
0x1f7: {  	v10 =	vld [tilespmem:s13+$0xFFFFFFF0]  }
0x1f8: {  	v11 =	vld [tilespmem:s14+$0xFFFFFFF0]  }
0x1f9: {  	v12 =	vld [tilespmem:s13+$0x0]  }
0x1fa: {  	v13 =	vld [tilespmem:s14+$0x0];
	v5 =	vadd.f32 v5, v4  }
0x1fb: {  	v7 =	vadd.f32 v7, v6;
	v4 =	vld [tilespmem:s13+$0x10]  }
0x1fc: {  	v8 =	vadd.f32 v9, v8;
	v6 =	vld [tilespmem:s14+$0x10];
	[tilespmem:s13+$0x30] =	vst v5  }
0x1fd: {  	v9 =	vadd.f32 v11, v10;
	[tilespmem:s13+$0xFFFFFFD0] =	vst v7;
	v5 =	vld [tilespmem:s13+$0x20]  }
0x1fe: {  	[tilespmem:s13+$0xFFFFFFE0] =	vst v8;
	v8 =	vld [tilespmem:s14+$0x20]  }
0x1ff: {  	s15 =	simm.s32 $0x0;
	s16 =	sadd.s32 $0x400, s13;
	v7 =	vld [tilespmem:s13+$0xFFFFFFC0];
	[tilespmem:s13+$0xFFFFFFF0] =	vst v9;
	v9 =	vadd.f32 v13, v12  }
.LBB2_23:
0x200: {  	v10 =	vld [tilespmem:s16+$0x30];
	s14 =	sadd.s32 $0x400, s14  }
0x201: {  	s15 =	sadd.s32 $0x80, s15;
	v11 =	vld [tilespmem:s14+$0x30];
	[tilespmem:s13+$0x0] =	vst v9;
	v4 =	vadd.f32 v6, v4  }
0x202: {  	p0 =	slt.u32 s15, $0x380;
	v6 =	vld [tilespmem:s14+$0xFFFFFFC0]  }
0x203: {  	v9 =	vld [tilespmem:s16+$0xFFFFFFD0];
	[tilespmem:s13+$0x10] =	vst v4;
	v4 =	vadd.f32 v8, v5  }
0x204: {  	v5 =	vld [tilespmem:s14+$0xFFFFFFD0];
	v12 =	vadd.f32 v3, v7  }
0x205: {  	v7 =	vld [tilespmem:s16+$0xFFFFFFE0];
	[tilespmem:s13+$0x20] =	vst v4  }
0x206: {  	v4 =	vld [tilespmem:s14+$0xFFFFFFE0];
	v8 =	vadd.f32 v11, v10;
	[tilespmem:s13+$0xFFFFFFC0] =	vst v12;
	s13 =	smov.u32 s16  }
0x207: {  	v10 =	vld [tilespmem:s16+$0xFFFFFFF0];
	v3 =	vmov v6  }
0x208: {  	v11 =	vld [tilespmem:s14+$0xFFFFFFF0];
	[tilespmem:s16+$0x30] =	vst v8  }
0x209: {  	v5 =	vadd.f32 v5, v9;
	v9 =	vld [tilespmem:s16+$0x0]  }
0x20a: {  	v12 =	vld [tilespmem:s14+$0x0]  }
.Ltmp10:
0x20b: {  	[tilespmem:s16+$0xFFFFFFD0] =	vst v5;
	v5 =	vadd.f32 v4, v7;
	v4 =	vld [tilespmem:s16+$0x10];
	(pc) =	sbr.rel @p0 .LBB2_23-.Ltmp10, $4  }
0x20c: {  	v6 =	vld [tilespmem:s14+$0x10]  }
0x20d: {  	[tilespmem:s16+$0xFFFFFFE0] =	vst v5;
	v10 =	vadd.f32 v11, v10;
	v5 =	vld [tilespmem:s16+$0x20]  }
0x20e: {  	v8 =	vld [tilespmem:s14+$0x20]  }
0x20f: {  	s16 =	sadd.s32 $0x400, s16;
	v7 =	vld [tilespmem:s13+$0xFFFFFFC0];
	[tilespmem:s13+$0xFFFFFFF0] =	vst v10;
	v9 =	vadd.f32 v12, v9  }
0x210: {  	s8 =	sadd.s32 $0x1, s8  }
0x211: {  	p0 =	sne.s32 s8, $0x10  }
.Ltmp11:
0x212: {  	v4 =	vadd.f32 v6, v4;
	(pc) =	sbr.rel @p0 .LBB2_22-.Ltmp11, $4  }
0x213: {  	[tilespmem:s13+$0x0] =	vst v9;
	v5 =	vadd.f32 v8, v5  }
0x214: {  	[tilespmem:s13+$0x10] =	vst v4;
	v3 =	vadd.f32 v3, v7  }
0x215: {  	[tilespmem:s13+$0x20] =	vst v5  }
0x216: {  	s7 =	sadd.s32 $0x400, s7;
	s6 =	sadd.s32 $0x1, s6;
	[tilespmem:s13+$0xFFFFFFC0] =	vst v3  }
0x217: {  	s6 =	simm.s32 $0x0;
	s7 =	rddreg [dreg:$0x11]  }
0x218: {  	[hbm4b:s7+s6] =	stream.linear.scatter [tilespmem:s5], [sflag:$0x6], $0x4000, $0x38;
	[tilespmem:$0x1C100] =	vst v63  }
0x219: {  	_ =	swait.ge [sflag:s21], $0x4000  }
0x21a: {  	[sflag:s21] =	ssyncset.done $0x0  }
0x21b: {  	[sflag:s21] =	ssyncadd.s32 $0xFFFFC000  }
0x21c: {  	v3 =	vld [tilespmem:$0x20];
	_ =	sdelay $0x4  }
0x21d: {  	v4 =	vshll.u32 v3, $0x3  }
0x21e: {  	v3 =	vand.u32 $0x7, v3;
	v4 =	vand.u32 $0xFFFFFFC0, v4  }
0x21f: {  	v3 =	vor.u32 v3, v4  }
0x220: {  	v4 =	vperm.xlane v3, v0;
	_ =	sdelay $0x1  }
0x221: {  	v4 =	vadd.s32 v1, v4;
	_ =	sdelay $0x4  }
0x222: {  	[tilespmem:s19], [sflag:$0x4] =	stream.indirect_vreg.gather [hbm4b:s1+s6], $0x80, v4, vm0, $0xb8;
	[tilespmem:$0x1C100] =	vst v63  }
0x223: {  	s15 =	simm.s32 $0xC900;
	v3 =	vperm.xlane v3, v2  }
0x224: {  	[tilespmem:s15], [sflag:$0x4] =	stream.indirect_vreg.gather [hbm4b:s9+s6], $0x80, v4, vm0, $0xb8;
	[tilespmem:$0x1C100] =	vst v63  }
0x225: {  	s16 =	simm.s32 $0xD100;
	v3 =	vadd.s32 v1, v3  }
0x226: {  	[tilespmem:s16], [sflag:$0x4] =	stream.indirect_vreg.gather [hbm4b:s10+s6], $0x80, v4, vm0, $0xb8;
	[tilespmem:$0x1C100] =	vst v63  }
0x227: {  	s8 =	simm.s32 $0xD900  }
0x228: {  	[tilespmem:s8], [sflag:$0x4] =	stream.indirect_vreg.gather [hbm4b:s12+s6], $0x80, v4, vm0, $0xb8;
	[tilespmem:$0x1C100] =	vst v63  }
0x229: {  	s13 =	simm.s32 $0xE100  }
0x22a: {  	[tilespmem:s13], [sflag:$0x4] =	stream.indirect_vreg.gather [hbm4b:s1+s6], $0x80, v3, vm0, $0xb8;
	[tilespmem:$0x1C100] =	vst v63  }
0x22b: {  	s14 =	simm.s32 $0xE900  }
0x22c: {  	[tilespmem:s14], [sflag:$0x4] =	stream.indirect_vreg.gather [hbm4b:s9+s6], $0x80, v3, vm0, $0xb8;
	[tilespmem:$0x1C100] =	vst v63  }
0x22d: {  	s15 =	simm.s32 $0xF100  }
0x22e: {  	[tilespmem:s15], [sflag:$0x4] =	stream.indirect_vreg.gather [hbm4b:s10+s6], $0x80, v3, vm0, $0xb8;
	[tilespmem:$0x1C100] =	vst v63  }
0x22f: {  	s16 =	simm.s32 $0xF900  }
0x230: {  	[tilespmem:s16], [sflag:$0x4] =	stream.indirect_vreg.gather [hbm4b:s12+s6], $0x80, v3, vm0, $0xb8;
	[tilespmem:$0x1C100] =	vst v63  }
0x231: {  	_ =	swait.ge [sflag:s30], $0x4000  }
0x232: {  	[sflag:s30] =	ssyncset.done $0x0  }
0x233: {  	s7 =	simm.s32 $0x0;
	s8 =	simm.s32 $0x0;
	[sflag:s30] =	ssyncadd.s32 $0xFFFFC000  }
.LBB2_26:
0x234: {  	s13 =	sshll.u32 s7, $0x2;
	s14 =	sand.u32 $0x7, s6  }
0x235: {  	s13 =	sand.u32 $0xFFFF8000, s13;
	s14 =	sshll.u32 s14, $0x9  }
0x236: {  	s13 =	sor.u32 s14, s13  }
0x237: {  	s14 =	sshrl.u32 s13, $0x2  }
0x238: {  	s13 =	sadd.s32 $0x4140, s14  }
0x239: {  	s14 =	sadd.s32 $0x18140, s14;
	v4 =	vld [tilespmem:s13+$0x30]  }
0x23a: {  	v5 =	vld [tilespmem:s14+$0x30]  }
0x23b: {  	v3 =	vld [tilespmem:s14+$0xFFFFFFC0]  }
0x23c: {  	v6 =	vld [tilespmem:s13+$0xFFFFFFD0]  }
0x23d: {  	v7 =	vld [tilespmem:s14+$0xFFFFFFD0]  }
0x23e: {  	v8 =	vld [tilespmem:s13+$0xFFFFFFE0]  }
0x23f: {  	v9 =	vld [tilespmem:s14+$0xFFFFFFE0]  }
0x240: {  	v10 =	vld [tilespmem:s13+$0xFFFFFFF0]  }
0x241: {  	v11 =	vld [tilespmem:s14+$0xFFFFFFF0]  }
0x242: {  	v12 =	vld [tilespmem:s13+$0x0]  }
0x243: {  	v13 =	vld [tilespmem:s14+$0x0];
	v5 =	vadd.f32 v5, v4  }
0x244: {  	v7 =	vadd.f32 v7, v6;
	v4 =	vld [tilespmem:s13+$0x10]  }
0x245: {  	v8 =	vadd.f32 v9, v8;
	v6 =	vld [tilespmem:s14+$0x10];
	[tilespmem:s13+$0x30] =	vst v5  }
0x246: {  	v9 =	vadd.f32 v11, v10;
	[tilespmem:s13+$0xFFFFFFD0] =	vst v7;
	v5 =	vld [tilespmem:s13+$0x20]  }
0x247: {  	[tilespmem:s13+$0xFFFFFFE0] =	vst v8;
	v8 =	vld [tilespmem:s14+$0x20]  }
0x248: {  	s15 =	simm.s32 $0x0;
	s16 =	sadd.s32 $0x400, s13;
	v7 =	vld [tilespmem:s13+$0xFFFFFFC0];
	[tilespmem:s13+$0xFFFFFFF0] =	vst v9;
	v9 =	vadd.f32 v13, v12  }
.LBB2_27:
0x249: {  	v10 =	vld [tilespmem:s16+$0x30];
	s14 =	sadd.s32 $0x400, s14  }
0x24a: {  	s15 =	sadd.s32 $0x80, s15;
	v11 =	vld [tilespmem:s14+$0x30];
	[tilespmem:s13+$0x0] =	vst v9;
	v4 =	vadd.f32 v6, v4  }
0x24b: {  	p0 =	slt.u32 s15, $0x380;
	v6 =	vld [tilespmem:s14+$0xFFFFFFC0]  }
0x24c: {  	v9 =	vld [tilespmem:s16+$0xFFFFFFD0];
	[tilespmem:s13+$0x10] =	vst v4;
	v4 =	vadd.f32 v8, v5  }
0x24d: {  	v5 =	vld [tilespmem:s14+$0xFFFFFFD0];
	v12 =	vadd.f32 v3, v7  }
0x24e: {  	v7 =	vld [tilespmem:s16+$0xFFFFFFE0];
	[tilespmem:s13+$0x20] =	vst v4  }
0x24f: {  	v4 =	vld [tilespmem:s14+$0xFFFFFFE0];
	v8 =	vadd.f32 v11, v10;
	[tilespmem:s13+$0xFFFFFFC0] =	vst v12;
	s13 =	smov.u32 s16  }
0x250: {  	v10 =	vld [tilespmem:s16+$0xFFFFFFF0];
	v3 =	vmov v6  }
0x251: {  	v11 =	vld [tilespmem:s14+$0xFFFFFFF0];
	[tilespmem:s16+$0x30] =	vst v8  }
0x252: {  	v5 =	vadd.f32 v5, v9;
	v9 =	vld [tilespmem:s16+$0x0]  }
0x253: {  	v12 =	vld [tilespmem:s14+$0x0]  }
.Ltmp12:
0x254: {  	[tilespmem:s16+$0xFFFFFFD0] =	vst v5;
	v5 =	vadd.f32 v4, v7;
	v4 =	vld [tilespmem:s16+$0x10];
	(pc) =	sbr.rel @p0 .LBB2_27-.Ltmp12, $4  }
0x255: {  	v6 =	vld [tilespmem:s14+$0x10]  }
0x256: {  	[tilespmem:s16+$0xFFFFFFE0] =	vst v5;
	v10 =	vadd.f32 v11, v10;
	v5 =	vld [tilespmem:s16+$0x20]  }
0x257: {  	v8 =	vld [tilespmem:s14+$0x20]  }
0x258: {  	s16 =	sadd.s32 $0x400, s16;
	v7 =	vld [tilespmem:s13+$0xFFFFFFC0];
	[tilespmem:s13+$0xFFFFFFF0] =	vst v10;
	v9 =	vadd.f32 v12, v9  }
0x259: {  	s8 =	sadd.s32 $0x1, s8  }
0x25a: {  	p0 =	sne.s32 s8, $0x10  }
.Ltmp13:
0x25b: {  	v4 =	vadd.f32 v6, v4;
	(pc) =	sbr.rel @p0 .LBB2_26-.Ltmp13, $4  }
0x25c: {  	[tilespmem:s13+$0x0] =	vst v9;
	v5 =	vadd.f32 v8, v5  }
0x25d: {  	[tilespmem:s13+$0x10] =	vst v4;
	v3 =	vadd.f32 v3, v7  }
0x25e: {  	[tilespmem:s13+$0x20] =	vst v5  }
0x25f: {  	s7 =	sadd.s32 $0x400, s7;
	s6 =	sadd.s32 $0x1, s6;
	[tilespmem:s13+$0xFFFFFFC0] =	vst v3  }
0x260: {  	s6 =	simm.s32 $0x0;
	s7 =	rddreg [dreg:$0x12]  }
0x261: {  	[hbm4b:s7+s6] =	stream.linear.scatter [tilespmem:s17], [sflag:$0x7], $0x4000, $0x38;
	[tilespmem:$0x1C100] =	vst v63  }
0x262: {  	_ =	swait.ge [sflag:s22], $0x4000  }
0x263: {  	[sflag:s22] =	ssyncset.done $0x0  }
0x264: {  	[sflag:s22] =	ssyncadd.s32 $0xFFFFC000  }
0x265: {  	v3 =	vld [tilespmem:$0x60];
	_ =	sdelay $0x4  }
0x266: {  	v4 =	vshll.u32 v3, $0x3  }
0x267: {  	v3 =	vand.u32 $0x7, v3;
	v4 =	vand.u32 $0xFFFFFFC0, v4  }
0x268: {  	v3 =	vor.u32 v3, v4  }
0x269: {  	v4 =	vperm.xlane v3, v0;
	_ =	sdelay $0x1  }
0x26a: {  	v4 =	vadd.s32 v1, v4;
	_ =	sdelay $0x4  }
0x26b: {  	[tilespmem:s31], [sflag:$0x5] =	stream.indirect_vreg.gather [hbm4b:s1+s6], $0x80, v4, vm0, $0xb8;
	[tilespmem:$0x1C100] =	vst v63  }
0x26c: {  	s15 =	simm.s32 $0x10900;
	v3 =	vperm.xlane v3, v2  }
0x26d: {  	[tilespmem:s15], [sflag:$0x5] =	stream.indirect_vreg.gather [hbm4b:s9+s6], $0x80, v4, vm0, $0xb8;
	[tilespmem:$0x1C100] =	vst v63  }
0x26e: {  	s16 =	simm.s32 $0x11100;
	v3 =	vadd.s32 v1, v3  }
0x26f: {  	[tilespmem:s16], [sflag:$0x5] =	stream.indirect_vreg.gather [hbm4b:s10+s6], $0x80, v4, vm0, $0xb8;
	[tilespmem:$0x1C100] =	vst v63  }
0x270: {  	s8 =	simm.s32 $0x11900  }
0x271: {  	[tilespmem:s8], [sflag:$0x5] =	stream.indirect_vreg.gather [hbm4b:s12+s6], $0x80, v4, vm0, $0xb8;
	[tilespmem:$0x1C100] =	vst v63  }
0x272: {  	s13 =	simm.s32 $0x12100  }
0x273: {  	[tilespmem:s13], [sflag:$0x5] =	stream.indirect_vreg.gather [hbm4b:s1+s6], $0x80, v3, vm0, $0xb8;
	[tilespmem:$0x1C100] =	vst v63  }
0x274: {  	s14 =	simm.s32 $0x12900  }
0x275: {  	[tilespmem:s14], [sflag:$0x5] =	stream.indirect_vreg.gather [hbm4b:s9+s6], $0x80, v3, vm0, $0xb8;
	[tilespmem:$0x1C100] =	vst v63  }
0x276: {  	s15 =	simm.s32 $0x13100  }
0x277: {  	[tilespmem:s15], [sflag:$0x5] =	stream.indirect_vreg.gather [hbm4b:s10+s6], $0x80, v3, vm0, $0xb8;
	[tilespmem:$0x1C100] =	vst v63  }
0x278: {  	s16 =	simm.s32 $0x13900  }
0x279: {  	[tilespmem:s16], [sflag:$0x5] =	stream.indirect_vreg.gather [hbm4b:s12+s6], $0x80, v3, vm0, $0xb8;
	[tilespmem:$0x1C100] =	vst v63  }
0x27a: {  	_ =	swait.ge [sflag:s24], $0x4000  }
0x27b: {  	[sflag:s24] =	ssyncset.done $0x0  }
0x27c: {  	s7 =	simm.s32 $0x0;
	s8 =	simm.s32 $0x0;
	[sflag:s24] =	ssyncadd.s32 $0xFFFFC000  }
.LBB2_30:
0x27d: {  	s13 =	sshll.u32 s7, $0x2;
	s14 =	sand.u32 $0x7, s6  }
0x27e: {  	s13 =	sand.u32 $0xFFFF8000, s13;
	s14 =	sshll.u32 s14, $0x9  }
0x27f: {  	s13 =	sor.u32 s14, s13  }
0x280: {  	s14 =	sshrl.u32 s13, $0x2  }
0x281: {  	s13 =	sadd.s32 $0x8140, s14  }
0x282: {  	s14 =	sadd.s32 $0x18140, s14;
	v4 =	vld [tilespmem:s13+$0x30]  }
0x283: {  	v5 =	vld [tilespmem:s14+$0x30]  }
0x284: {  	v3 =	vld [tilespmem:s14+$0xFFFFFFC0]  }
0x285: {  	v6 =	vld [tilespmem:s13+$0xFFFFFFD0]  }
0x286: {  	v7 =	vld [tilespmem:s14+$0xFFFFFFD0]  }
0x287: {  	v8 =	vld [tilespmem:s13+$0xFFFFFFE0]  }
0x288: {  	v9 =	vld [tilespmem:s14+$0xFFFFFFE0]  }
0x289: {  	v10 =	vld [tilespmem:s13+$0xFFFFFFF0]  }
0x28a: {  	v11 =	vld [tilespmem:s14+$0xFFFFFFF0]  }
0x28b: {  	v12 =	vld [tilespmem:s13+$0x0]  }
0x28c: {  	v13 =	vld [tilespmem:s14+$0x0];
	v5 =	vadd.f32 v5, v4  }
0x28d: {  	v7 =	vadd.f32 v7, v6;
	v4 =	vld [tilespmem:s13+$0x10]  }
0x28e: {  	v8 =	vadd.f32 v9, v8;
	v6 =	vld [tilespmem:s14+$0x10];
	[tilespmem:s13+$0x30] =	vst v5  }
0x28f: {  	v9 =	vadd.f32 v11, v10;
	[tilespmem:s13+$0xFFFFFFD0] =	vst v7;
	v5 =	vld [tilespmem:s13+$0x20]  }
0x290: {  	[tilespmem:s13+$0xFFFFFFE0] =	vst v8;
	v8 =	vld [tilespmem:s14+$0x20]  }
0x291: {  	s15 =	simm.s32 $0x0;
	s16 =	sadd.s32 $0x400, s13;
	v7 =	vld [tilespmem:s13+$0xFFFFFFC0];
	[tilespmem:s13+$0xFFFFFFF0] =	vst v9;
	v9 =	vadd.f32 v13, v12  }
.LBB2_31:
0x292: {  	v10 =	vld [tilespmem:s16+$0x30];
	s14 =	sadd.s32 $0x400, s14  }
0x293: {  	s15 =	sadd.s32 $0x80, s15;
	v11 =	vld [tilespmem:s14+$0x30];
	[tilespmem:s13+$0x0] =	vst v9;
	v4 =	vadd.f32 v6, v4  }
0x294: {  	p0 =	slt.u32 s15, $0x380;
	v6 =	vld [tilespmem:s14+$0xFFFFFFC0]  }
0x295: {  	v9 =	vld [tilespmem:s16+$0xFFFFFFD0];
	[tilespmem:s13+$0x10] =	vst v4;
	v4 =	vadd.f32 v8, v5  }
0x296: {  	v5 =	vld [tilespmem:s14+$0xFFFFFFD0];
	v12 =	vadd.f32 v3, v7  }
0x297: {  	v7 =	vld [tilespmem:s16+$0xFFFFFFE0];
	[tilespmem:s13+$0x20] =	vst v4  }
0x298: {  	v4 =	vld [tilespmem:s14+$0xFFFFFFE0];
	v8 =	vadd.f32 v11, v10;
	[tilespmem:s13+$0xFFFFFFC0] =	vst v12;
	s13 =	smov.u32 s16  }
0x299: {  	v10 =	vld [tilespmem:s16+$0xFFFFFFF0];
	v3 =	vmov v6  }
0x29a: {  	v11 =	vld [tilespmem:s14+$0xFFFFFFF0];
	[tilespmem:s16+$0x30] =	vst v8  }
0x29b: {  	v5 =	vadd.f32 v5, v9;
	v9 =	vld [tilespmem:s16+$0x0]  }
0x29c: {  	v12 =	vld [tilespmem:s14+$0x0]  }
.Ltmp14:
0x29d: {  	[tilespmem:s16+$0xFFFFFFD0] =	vst v5;
	v5 =	vadd.f32 v4, v7;
	v4 =	vld [tilespmem:s16+$0x10];
	(pc) =	sbr.rel @p0 .LBB2_31-.Ltmp14, $4  }
0x29e: {  	v6 =	vld [tilespmem:s14+$0x10]  }
0x29f: {  	[tilespmem:s16+$0xFFFFFFE0] =	vst v5;
	v10 =	vadd.f32 v11, v10;
	v5 =	vld [tilespmem:s16+$0x20]  }
0x2a0: {  	v8 =	vld [tilespmem:s14+$0x20]  }
0x2a1: {  	s16 =	sadd.s32 $0x400, s16;
	v7 =	vld [tilespmem:s13+$0xFFFFFFC0];
	[tilespmem:s13+$0xFFFFFFF0] =	vst v10;
	v9 =	vadd.f32 v12, v9  }
0x2a2: {  	s8 =	sadd.s32 $0x1, s8  }
0x2a3: {  	p0 =	sne.s32 s8, $0x10  }
.Ltmp15:
0x2a4: {  	v4 =	vadd.f32 v6, v4;
	(pc) =	sbr.rel @p0 .LBB2_30-.Ltmp15, $4  }
0x2a5: {  	[tilespmem:s13+$0x0] =	vst v9;
	v5 =	vadd.f32 v8, v5  }
0x2a6: {  	[tilespmem:s13+$0x10] =	vst v4;
	v3 =	vadd.f32 v3, v7  }
0x2a7: {  	[tilespmem:s13+$0x20] =	vst v5  }
0x2a8: {  	s7 =	sadd.s32 $0x400, s7;
	s6 =	sadd.s32 $0x1, s6;
	[tilespmem:s13+$0xFFFFFFC0] =	vst v3  }
0x2a9: {  	s6 =	simm.s32 $0x0;
	s7 =	rddreg [dreg:$0x16]  }
0x2aa: {  	[hbm4b:s7+s6] =	stream.linear.scatter [tilespmem:s26], [sflag:$0x8], $0x4000, $0x38;
	[tilespmem:$0x1C100] =	vst v63  }
0x2ab: {  	_ =	swait.ge [sflag:s25], $0x4000  }
0x2ac: {  	[sflag:s25] =	ssyncset.done $0x0  }
0x2ad: {  	s8 =	simm.s32 $0x18100;
	s14 =	rddreg [dreg:$0x13];
	[sflag:s25] =	ssyncadd.s32 $0xFFFFC000  }
0x2ae: {  	[tilespmem:s8], [sflag:$0xC] =	stream.linear.gather [hbm4b:s14+s6], $0x4000, $0x38;
	[tilespmem:$0x1C100] =	vst v63  }
0x2af: {  	_ =	swait.ge [sflag:s28], $0x4000  }
0x2b0: {  	[sflag:s28] =	ssyncset.done $0x0  }
0x2b1: {  	[sflag:s28] =	ssyncadd.s32 $0xFFFFC000  }
0x2b2: {  	v3 =	vld [tilespmem:$0xA0];
	_ =	sdelay $0x4  }
0x2b3: {  	v4 =	vshll.u32 v3, $0x3  }
0x2b4: {  	v3 =	vand.u32 $0x7, v3;
	v4 =	vand.u32 $0xFFFFFFC0, v4  }
0x2b5: {  	v3 =	vor.u32 v3, v4  }
0x2b6: {  	v4 =	vperm.xlane v3, v0;
	_ =	sdelay $0x1  }
0x2b7: {  	v4 =	vadd.s32 v1, v4;
	_ =	sdelay $0x4  }
0x2b8: {  	[tilespmem:s5], [sflag:$0x1] =	stream.indirect_vreg.gather [hbm4b:s1+s6], $0x80, v4, vm0, $0xb8;
	[tilespmem:$0x1C100] =	vst v63  }
0x2b9: {  	s15 =	simm.s32 $0x900;
	v3 =	vperm.xlane v3, v2  }
0x2ba: {  	[tilespmem:s15], [sflag:$0x1] =	stream.indirect_vreg.gather [hbm4b:s9+s6], $0x80, v4, vm0, $0xb8;
	[tilespmem:$0x1C100] =	vst v63  }
0x2bb: {  	s16 =	simm.s32 $0x1100;
	v3 =	vadd.s32 v1, v3  }
0x2bc: {  	[tilespmem:s16], [sflag:$0x1] =	stream.indirect_vreg.gather [hbm4b:s10+s6], $0x80, v4, vm0, $0xb8;
	[tilespmem:$0x1C100] =	vst v63  }
0x2bd: {  	s8 =	simm.s32 $0x1900  }
0x2be: {  	[tilespmem:s8], [sflag:$0x1] =	stream.indirect_vreg.gather [hbm4b:s12+s6], $0x80, v4, vm0, $0xb8;
	[tilespmem:$0x1C100] =	vst v63  }
0x2bf: {  	s13 =	simm.s32 $0x2100  }
0x2c0: {  	[tilespmem:s13], [sflag:$0x1] =	stream.indirect_vreg.gather [hbm4b:s1+s6], $0x80, v3, vm0, $0xb8;
	[tilespmem:$0x1C100] =	vst v63  }
0x2c1: {  	s14 =	simm.s32 $0x2900  }
0x2c2: {  	[tilespmem:s14], [sflag:$0x1] =	stream.indirect_vreg.gather [hbm4b:s9+s6], $0x80, v3, vm0, $0xb8;
	[tilespmem:$0x1C100] =	vst v63  }
0x2c3: {  	s15 =	simm.s32 $0x3100  }
0x2c4: {  	[tilespmem:s15], [sflag:$0x1] =	stream.indirect_vreg.gather [hbm4b:s10+s6], $0x80, v3, vm0, $0xb8;
	[tilespmem:$0x1C100] =	vst v63  }
0x2c5: {  	s16 =	simm.s32 $0x3900  }
0x2c6: {  	[tilespmem:s16], [sflag:$0x1] =	stream.indirect_vreg.gather [hbm4b:s12+s6], $0x80, v3, vm0, $0xb8;
	[tilespmem:$0x1C100] =	vst v63  }
0x2c7: {  	_ =	swait.ge [sflag:s29], $0x4000  }
0x2c8: {  	[sflag:s29] =	ssyncset.done $0x0  }
0x2c9: {  	s7 =	simm.s32 $0x0;
	s8 =	simm.s32 $0x0;
	[sflag:s29] =	ssyncadd.s32 $0xFFFFC000  }
.LBB2_34:
0x2ca: {  	s13 =	sshll.u32 s7, $0x2;
	s14 =	sand.u32 $0x7, s6  }
0x2cb: {  	s13 =	sand.u32 $0xFFFF8000, s13;
	s14 =	sshll.u32 s14, $0x9  }
0x2cc: {  	s13 =	sor.u32 s14, s13  }
0x2cd: {  	s14 =	sshrl.u32 s13, $0x2  }
0x2ce: {  	s13 =	sadd.s32 $0xC140, s14  }
0x2cf: {  	s14 =	sadd.s32 $0x14140, s14;
	v4 =	vld [tilespmem:s13+$0x30]  }
0x2d0: {  	v5 =	vld [tilespmem:s14+$0x30]  }
0x2d1: {  	v3 =	vld [tilespmem:s14+$0xFFFFFFC0]  }
0x2d2: {  	v6 =	vld [tilespmem:s13+$0xFFFFFFD0]  }
0x2d3: {  	v7 =	vld [tilespmem:s14+$0xFFFFFFD0]  }
0x2d4: {  	v8 =	vld [tilespmem:s13+$0xFFFFFFE0]  }
0x2d5: {  	v9 =	vld [tilespmem:s14+$0xFFFFFFE0]  }
0x2d6: {  	v10 =	vld [tilespmem:s13+$0xFFFFFFF0]  }
0x2d7: {  	v11 =	vld [tilespmem:s14+$0xFFFFFFF0]  }
0x2d8: {  	v12 =	vld [tilespmem:s13+$0x0]  }
0x2d9: {  	v13 =	vld [tilespmem:s14+$0x0];
	v5 =	vadd.f32 v5, v4  }
0x2da: {  	v7 =	vadd.f32 v7, v6;
	v4 =	vld [tilespmem:s13+$0x10]  }
0x2db: {  	v8 =	vadd.f32 v9, v8;
	v6 =	vld [tilespmem:s14+$0x10];
	[tilespmem:s13+$0x30] =	vst v5  }
0x2dc: {  	v9 =	vadd.f32 v11, v10;
	[tilespmem:s13+$0xFFFFFFD0] =	vst v7;
	v5 =	vld [tilespmem:s13+$0x20]  }
0x2dd: {  	[tilespmem:s13+$0xFFFFFFE0] =	vst v8;
	v8 =	vld [tilespmem:s14+$0x20]  }
0x2de: {  	s15 =	simm.s32 $0x0;
	s16 =	sadd.s32 $0x400, s13;
	v7 =	vld [tilespmem:s13+$0xFFFFFFC0];
	[tilespmem:s13+$0xFFFFFFF0] =	vst v9;
	v9 =	vadd.f32 v13, v12  }
.LBB2_35:
0x2df: {  	v10 =	vld [tilespmem:s16+$0x30];
	s14 =	sadd.s32 $0x400, s14  }
0x2e0: {  	s15 =	sadd.s32 $0x80, s15;
	v11 =	vld [tilespmem:s14+$0x30];
	[tilespmem:s13+$0x0] =	vst v9;
	v4 =	vadd.f32 v6, v4  }
0x2e1: {  	p0 =	slt.u32 s15, $0x380;
	v6 =	vld [tilespmem:s14+$0xFFFFFFC0]  }
0x2e2: {  	v9 =	vld [tilespmem:s16+$0xFFFFFFD0];
	[tilespmem:s13+$0x10] =	vst v4;
	v4 =	vadd.f32 v8, v5  }
0x2e3: {  	v5 =	vld [tilespmem:s14+$0xFFFFFFD0];
	v12 =	vadd.f32 v3, v7  }
0x2e4: {  	v7 =	vld [tilespmem:s16+$0xFFFFFFE0];
	[tilespmem:s13+$0x20] =	vst v4  }
0x2e5: {  	v4 =	vld [tilespmem:s14+$0xFFFFFFE0];
	v8 =	vadd.f32 v11, v10;
	[tilespmem:s13+$0xFFFFFFC0] =	vst v12;
	s13 =	smov.u32 s16  }
0x2e6: {  	v10 =	vld [tilespmem:s16+$0xFFFFFFF0];
	v3 =	vmov v6  }
0x2e7: {  	v11 =	vld [tilespmem:s14+$0xFFFFFFF0];
	[tilespmem:s16+$0x30] =	vst v8  }
0x2e8: {  	v5 =	vadd.f32 v5, v9;
	v9 =	vld [tilespmem:s16+$0x0]  }
0x2e9: {  	v12 =	vld [tilespmem:s14+$0x0]  }
.Ltmp16:
0x2ea: {  	[tilespmem:s16+$0xFFFFFFD0] =	vst v5;
	v5 =	vadd.f32 v4, v7;
	v4 =	vld [tilespmem:s16+$0x10];
	(pc) =	sbr.rel @p0 .LBB2_35-.Ltmp16, $4  }
0x2eb: {  	v6 =	vld [tilespmem:s14+$0x10]  }
0x2ec: {  	[tilespmem:s16+$0xFFFFFFE0] =	vst v5;
	v10 =	vadd.f32 v11, v10;
	v5 =	vld [tilespmem:s16+$0x20]  }
0x2ed: {  	v8 =	vld [tilespmem:s14+$0x20]  }
0x2ee: {  	s16 =	sadd.s32 $0x400, s16;
	v7 =	vld [tilespmem:s13+$0xFFFFFFC0];
	[tilespmem:s13+$0xFFFFFFF0] =	vst v10;
	v9 =	vadd.f32 v12, v9  }
0x2ef: {  	s8 =	sadd.s32 $0x1, s8  }
0x2f0: {  	p0 =	sne.s32 s8, $0x10  }
.Ltmp17:
0x2f1: {  	v4 =	vadd.f32 v6, v4;
	(pc) =	sbr.rel @p0 .LBB2_34-.Ltmp17, $4  }
0x2f2: {  	[tilespmem:s13+$0x0] =	vst v9;
	v5 =	vadd.f32 v8, v5  }
0x2f3: {  	[tilespmem:s13+$0x10] =	vst v4;
	v3 =	vadd.f32 v3, v7  }
0x2f4: {  	[tilespmem:s13+$0x20] =	vst v5  }
0x2f5: {  	s7 =	sadd.s32 $0x400, s7;
	s6 =	sadd.s32 $0x1, s6;
	[tilespmem:s13+$0xFFFFFFC0] =	vst v3  }
0x2f6: {  	s6 =	simm.s32 $0x0;
	s7 =	rddreg [dreg:$0x14]  }
0x2f7: {  	[hbm4b:s7+s6] =	stream.linear.scatter [tilespmem:s19], [sflag:$0x9], $0x4000, $0x38;
	[tilespmem:$0x1C100] =	vst v63  }
0x2f8: {  	_ =	swait.ge [sflag:s4], $0x4000  }
0x2f9: {  	[sflag:s4] =	ssyncset.done $0x0  }
0x2fa: {  	[sflag:s4] =	ssyncadd.s32 $0xFFFFC000  }
0x2fb: {  	v3 =	vld [tilespmem:$0xE0];
	_ =	sdelay $0x4  }
0x2fc: {  	v4 =	vshll.u32 v3, $0x3  }
0x2fd: {  	v3 =	vand.u32 $0x7, v3;
	v4 =	vand.u32 $0xFFFFFFC0, v4  }
0x2fe: {  	v3 =	vor.u32 v3, v4  }
0x2ff: {  	v4 =	vperm.xlane v3, v0;
	_ =	sdelay $0x1  }
0x300: {  	v4 =	vadd.s32 v1, v4;
	_ =	sdelay $0x4  }
0x301: {  	[tilespmem:s17], [sflag:$0x2] =	stream.indirect_vreg.gather [hbm4b:s1+s6], $0x80, v4, vm0, $0xb8;
	[tilespmem:$0x1C100] =	vst v63  }
0x302: {  	s15 =	simm.s32 $0x4900;
	v3 =	vperm.xlane v3, v2  }
0x303: {  	[tilespmem:s15], [sflag:$0x2] =	stream.indirect_vreg.gather [hbm4b:s9+s6], $0x80, v4, vm0, $0xb8;
	[tilespmem:$0x1C100] =	vst v63  }
0x304: {  	s16 =	simm.s32 $0x5100;
	v3 =	vadd.s32 v1, v3  }
0x305: {  	[tilespmem:s16], [sflag:$0x2] =	stream.indirect_vreg.gather [hbm4b:s10+s6], $0x80, v4, vm0, $0xb8;
	[tilespmem:$0x1C100] =	vst v63  }
0x306: {  	s8 =	simm.s32 $0x5900  }
0x307: {  	[tilespmem:s8], [sflag:$0x2] =	stream.indirect_vreg.gather [hbm4b:s12+s6], $0x80, v4, vm0, $0xb8;
	[tilespmem:$0x1C100] =	vst v63  }
0x308: {  	s13 =	simm.s32 $0x6100  }
0x309: {  	[tilespmem:s13], [sflag:$0x2] =	stream.indirect_vreg.gather [hbm4b:s1+s6], $0x80, v3, vm0, $0xb8;
	[tilespmem:$0x1C100] =	vst v63  }
0x30a: {  	s14 =	simm.s32 $0x6900  }
0x30b: {  	[tilespmem:s14], [sflag:$0x2] =	stream.indirect_vreg.gather [hbm4b:s9+s6], $0x80, v3, vm0, $0xb8;
	[tilespmem:$0x1C100] =	vst v63  }
0x30c: {  	s15 =	simm.s32 $0x7100  }
0x30d: {  	[tilespmem:s15], [sflag:$0x2] =	stream.indirect_vreg.gather [hbm4b:s10+s6], $0x80, v3, vm0, $0xb8;
	[tilespmem:$0x1C100] =	vst v63  }
0x30e: {  	s16 =	simm.s32 $0x7900  }
0x30f: {  	[tilespmem:s16], [sflag:$0x2] =	stream.indirect_vreg.gather [hbm4b:s12+s6], $0x80, v3, vm0, $0xb8;
	[tilespmem:$0x1C100] =	vst v63  }
0x310: {  	_ =	swait.ge [sflag:s11], $0x4000  }
0x311: {  	[sflag:s11] =	ssyncset.done $0x0  }
0x312: {  	s7 =	simm.s32 $0x0;
	s8 =	simm.s32 $0x0;
	[sflag:s11] =	ssyncadd.s32 $0xFFFFC000  }
.LBB2_38:
0x313: {  	s13 =	sshll.u32 s7, $0x2;
	s14 =	sand.u32 $0x7, s6  }
0x314: {  	s13 =	sand.u32 $0xFFFF8000, s13;
	s14 =	sshll.u32 s14, $0x9  }
0x315: {  	s13 =	sor.u32 s14, s13  }
0x316: {  	s14 =	sshrl.u32 s13, $0x2  }
0x317: {  	s13 =	sadd.s32 $0x10140, s14  }
0x318: {  	s14 =	sadd.s32 $0x14140, s14;
	v4 =	vld [tilespmem:s13+$0x30]  }
0x319: {  	v5 =	vld [tilespmem:s14+$0x30]  }
0x31a: {  	v3 =	vld [tilespmem:s14+$0xFFFFFFC0]  }
0x31b: {  	v6 =	vld [tilespmem:s13+$0xFFFFFFD0]  }
0x31c: {  	v7 =	vld [tilespmem:s14+$0xFFFFFFD0]  }
0x31d: {  	v8 =	vld [tilespmem:s13+$0xFFFFFFE0]  }
0x31e: {  	v9 =	vld [tilespmem:s14+$0xFFFFFFE0]  }
0x31f: {  	v10 =	vld [tilespmem:s13+$0xFFFFFFF0]  }
0x320: {  	v11 =	vld [tilespmem:s14+$0xFFFFFFF0]  }
0x321: {  	v12 =	vld [tilespmem:s13+$0x0]  }
0x322: {  	v13 =	vld [tilespmem:s14+$0x0];
	v5 =	vadd.f32 v5, v4  }
0x323: {  	v7 =	vadd.f32 v7, v6;
	v4 =	vld [tilespmem:s13+$0x10]  }
0x324: {  	v8 =	vadd.f32 v9, v8;
	v6 =	vld [tilespmem:s14+$0x10];
	[tilespmem:s13+$0x30] =	vst v5  }
0x325: {  	v9 =	vadd.f32 v11, v10;
	[tilespmem:s13+$0xFFFFFFD0] =	vst v7;
	v5 =	vld [tilespmem:s13+$0x20]  }
0x326: {  	[tilespmem:s13+$0xFFFFFFE0] =	vst v8;
	v8 =	vld [tilespmem:s14+$0x20]  }
0x327: {  	s15 =	simm.s32 $0x0;
	s16 =	sadd.s32 $0x400, s13;
	v7 =	vld [tilespmem:s13+$0xFFFFFFC0];
	[tilespmem:s13+$0xFFFFFFF0] =	vst v9;
	v9 =	vadd.f32 v13, v12  }
.LBB2_39:
0x328: {  	v10 =	vld [tilespmem:s16+$0x30];
	s14 =	sadd.s32 $0x400, s14  }
0x329: {  	s15 =	sadd.s32 $0x80, s15;
	v11 =	vld [tilespmem:s14+$0x30];
	[tilespmem:s13+$0x0] =	vst v9;
	v4 =	vadd.f32 v6, v4  }
0x32a: {  	p0 =	slt.u32 s15, $0x380;
	v6 =	vld [tilespmem:s14+$0xFFFFFFC0]  }
0x32b: {  	v9 =	vld [tilespmem:s16+$0xFFFFFFD0];
	[tilespmem:s13+$0x10] =	vst v4;
	v4 =	vadd.f32 v8, v5  }
0x32c: {  	v5 =	vld [tilespmem:s14+$0xFFFFFFD0];
	v12 =	vadd.f32 v3, v7  }
0x32d: {  	v7 =	vld [tilespmem:s16+$0xFFFFFFE0];
	[tilespmem:s13+$0x20] =	vst v4  }
0x32e: {  	v4 =	vld [tilespmem:s14+$0xFFFFFFE0];
	v8 =	vadd.f32 v11, v10;
	[tilespmem:s13+$0xFFFFFFC0] =	vst v12;
	s13 =	smov.u32 s16  }
0x32f: {  	v10 =	vld [tilespmem:s16+$0xFFFFFFF0];
	v3 =	vmov v6  }
0x330: {  	v11 =	vld [tilespmem:s14+$0xFFFFFFF0];
	[tilespmem:s16+$0x30] =	vst v8  }
0x331: {  	v5 =	vadd.f32 v5, v9;
	v9 =	vld [tilespmem:s16+$0x0]  }
0x332: {  	v12 =	vld [tilespmem:s14+$0x0]  }
.Ltmp18:
0x333: {  	[tilespmem:s16+$0xFFFFFFD0] =	vst v5;
	v5 =	vadd.f32 v4, v7;
	v4 =	vld [tilespmem:s16+$0x10];
	(pc) =	sbr.rel @p0 .LBB2_39-.Ltmp18, $4  }
0x334: {  	v6 =	vld [tilespmem:s14+$0x10]  }
0x335: {  	[tilespmem:s16+$0xFFFFFFE0] =	vst v5;
	v10 =	vadd.f32 v11, v10;
	v5 =	vld [tilespmem:s16+$0x20]  }
0x336: {  	v8 =	vld [tilespmem:s14+$0x20]  }
0x337: {  	s16 =	sadd.s32 $0x400, s16;
	v7 =	vld [tilespmem:s13+$0xFFFFFFC0];
	[tilespmem:s13+$0xFFFFFFF0] =	vst v10;
	v9 =	vadd.f32 v12, v9  }
0x338: {  	s8 =	sadd.s32 $0x1, s8  }
0x339: {  	p0 =	sne.s32 s8, $0x10  }
.Ltmp19:
0x33a: {  	v4 =	vadd.f32 v6, v4;
	(pc) =	sbr.rel @p0 .LBB2_38-.Ltmp19, $4  }
0x33b: {  	[tilespmem:s13+$0x0] =	vst v9;
	v5 =	vadd.f32 v8, v5  }
0x33c: {  	[tilespmem:s13+$0x10] =	vst v4;
	v3 =	vadd.f32 v3, v7  }
0x33d: {  	[tilespmem:s13+$0x20] =	vst v5  }
0x33e: {  	s7 =	sadd.s32 $0x400, s7;
	s6 =	sadd.s32 $0x1, s6;
	[tilespmem:s13+$0xFFFFFFC0] =	vst v3  }
0x33f: {  	s6 =	simm.s32 $0x0;
	s7 =	rddreg [dreg:$0x18]  }
0x340: {  	[hbm4b:s7+s6] =	stream.linear.scatter [tilespmem:s31], [sflag:$0xA], $0x4000, $0x38;
	[tilespmem:$0x1C100] =	vst v63  }
0x341: {  	_ =	swait.ge [sflag:s20], $0x4000  }
0x342: {  	[sflag:s20] =	ssyncset.done $0x0  }
0x343: {  	[sflag:s20] =	ssyncadd.s32 $0xFFFFC000  }
0x344: {  	v3 =	vld [tilespmem:$0x30];
	_ =	sdelay $0x4  }
0x345: {  	v4 =	vshll.u32 v3, $0x3  }
0x346: {  	v3 =	vand.u32 $0x7, v3;
	v4 =	vand.u32 $0xFFFFFFC0, v4  }
0x347: {  	v3 =	vor.u32 v3, v4  }
0x348: {  	v4 =	vperm.xlane v3, v0;
	_ =	sdelay $0x1  }
0x349: {  	v4 =	vadd.s32 v1, v4;
	_ =	sdelay $0x4  }
0x34a: {  	[tilespmem:s26], [sflag:$0x3] =	stream.indirect_vreg.gather [hbm4b:s1+s6], $0x80, v4, vm0, $0xb8;
	[tilespmem:$0x1C100] =	vst v63  }
0x34b: {  	s15 =	simm.s32 $0x8900;
	v3 =	vperm.xlane v3, v2  }
0x34c: {  	[tilespmem:s15], [sflag:$0x3] =	stream.indirect_vreg.gather [hbm4b:s9+s6], $0x80, v4, vm0, $0xb8;
	[tilespmem:$0x1C100] =	vst v63  }
0x34d: {  	s16 =	simm.s32 $0x9100;
	v3 =	vadd.s32 v1, v3  }
0x34e: {  	[tilespmem:s16], [sflag:$0x3] =	stream.indirect_vreg.gather [hbm4b:s10+s6], $0x80, v4, vm0, $0xb8;
	[tilespmem:$0x1C100] =	vst v63  }
0x34f: {  	s8 =	simm.s32 $0x9900  }
0x350: {  	[tilespmem:s8], [sflag:$0x3] =	stream.indirect_vreg.gather [hbm4b:s12+s6], $0x80, v4, vm0, $0xb8;
	[tilespmem:$0x1C100] =	vst v63  }
0x351: {  	s13 =	simm.s32 $0xA100  }
0x352: {  	[tilespmem:s13], [sflag:$0x3] =	stream.indirect_vreg.gather [hbm4b:s1+s6], $0x80, v3, vm0, $0xb8;
	[tilespmem:$0x1C100] =	vst v63  }
0x353: {  	s14 =	simm.s32 $0xA900  }
0x354: {  	[tilespmem:s14], [sflag:$0x3] =	stream.indirect_vreg.gather [hbm4b:s9+s6], $0x80, v3, vm0, $0xb8;
	[tilespmem:$0x1C100] =	vst v63  }
0x355: {  	s15 =	simm.s32 $0xB100  }
0x356: {  	[tilespmem:s15], [sflag:$0x3] =	stream.indirect_vreg.gather [hbm4b:s10+s6], $0x80, v3, vm0, $0xb8;
	[tilespmem:$0x1C100] =	vst v63  }
0x357: {  	s16 =	simm.s32 $0xB900  }
0x358: {  	[tilespmem:s16], [sflag:$0x3] =	stream.indirect_vreg.gather [hbm4b:s12+s6], $0x80, v3, vm0, $0xb8;
	[tilespmem:$0x1C100] =	vst v63  }
0x359: {  	_ =	swait.ge [sflag:s18], $0x4000  }
0x35a: {  	[sflag:s18] =	ssyncset.done $0x0  }
0x35b: {  	s7 =	simm.s32 $0x0;
	s8 =	simm.s32 $0x0;
	[sflag:s18] =	ssyncadd.s32 $0xFFFFC000  }
.LBB2_42:
0x35c: {  	s13 =	sshll.u32 s7, $0x2;
	s14 =	sand.u32 $0x7, s6  }
0x35d: {  	s13 =	sand.u32 $0xFFFF8000, s13;
	s14 =	sshll.u32 s14, $0x9  }
0x35e: {  	s13 =	sor.u32 s14, s13  }
0x35f: {  	s14 =	sshrl.u32 s13, $0x2  }
0x360: {  	s13 =	sadd.s32 $0x140, s14  }
0x361: {  	s14 =	sadd.s32 $0x14140, s14;
	v4 =	vld [tilespmem:s13+$0x30]  }
0x362: {  	v5 =	vld [tilespmem:s14+$0x30]  }
0x363: {  	v3 =	vld [tilespmem:s14+$0xFFFFFFC0]  }
0x364: {  	v6 =	vld [tilespmem:s13+$0xFFFFFFD0]  }
0x365: {  	v7 =	vld [tilespmem:s14+$0xFFFFFFD0]  }
0x366: {  	v8 =	vld [tilespmem:s13+$0xFFFFFFE0]  }
0x367: {  	v9 =	vld [tilespmem:s14+$0xFFFFFFE0]  }
0x368: {  	v10 =	vld [tilespmem:s13+$0xFFFFFFF0]  }
0x369: {  	v11 =	vld [tilespmem:s14+$0xFFFFFFF0]  }
0x36a: {  	v12 =	vld [tilespmem:s13+$0x0]  }
0x36b: {  	v13 =	vld [tilespmem:s14+$0x0];
	v5 =	vadd.f32 v5, v4  }
0x36c: {  	v7 =	vadd.f32 v7, v6;
	v4 =	vld [tilespmem:s13+$0x10]  }
0x36d: {  	v8 =	vadd.f32 v9, v8;
	v6 =	vld [tilespmem:s14+$0x10];
	[tilespmem:s13+$0x30] =	vst v5  }
0x36e: {  	v9 =	vadd.f32 v11, v10;
	[tilespmem:s13+$0xFFFFFFD0] =	vst v7;
	v5 =	vld [tilespmem:s13+$0x20]  }
0x36f: {  	[tilespmem:s13+$0xFFFFFFE0] =	vst v8;
	v8 =	vld [tilespmem:s14+$0x20]  }
0x370: {  	s15 =	simm.s32 $0x0;
	s16 =	sadd.s32 $0x400, s13;
	v7 =	vld [tilespmem:s13+$0xFFFFFFC0];
	[tilespmem:s13+$0xFFFFFFF0] =	vst v9;
	v9 =	vadd.f32 v13, v12  }
.LBB2_43:
0x371: {  	v10 =	vld [tilespmem:s16+$0x30];
	s14 =	sadd.s32 $0x400, s14  }
0x372: {  	s15 =	sadd.s32 $0x80, s15;
	v11 =	vld [tilespmem:s14+$0x30];
	[tilespmem:s13+$0x0] =	vst v9;
	v4 =	vadd.f32 v6, v4  }
0x373: {  	p0 =	slt.u32 s15, $0x380;
	v6 =	vld [tilespmem:s14+$0xFFFFFFC0]  }
0x374: {  	v9 =	vld [tilespmem:s16+$0xFFFFFFD0];
	[tilespmem:s13+$0x10] =	vst v4;
	v4 =	vadd.f32 v8, v5  }
0x375: {  	v5 =	vld [tilespmem:s14+$0xFFFFFFD0];
	v12 =	vadd.f32 v3, v7  }
0x376: {  	v7 =	vld [tilespmem:s16+$0xFFFFFFE0];
	[tilespmem:s13+$0x20] =	vst v4  }
0x377: {  	v4 =	vld [tilespmem:s14+$0xFFFFFFE0];
	v8 =	vadd.f32 v11, v10;
	[tilespmem:s13+$0xFFFFFFC0] =	vst v12;
	s13 =	smov.u32 s16  }
0x378: {  	v10 =	vld [tilespmem:s16+$0xFFFFFFF0];
	v3 =	vmov v6  }
0x379: {  	v11 =	vld [tilespmem:s14+$0xFFFFFFF0];
	[tilespmem:s16+$0x30] =	vst v8  }
0x37a: {  	v5 =	vadd.f32 v5, v9;
	v9 =	vld [tilespmem:s16+$0x0]  }
0x37b: {  	v12 =	vld [tilespmem:s14+$0x0]  }
.Ltmp20:
0x37c: {  	[tilespmem:s16+$0xFFFFFFD0] =	vst v5;
	v5 =	vadd.f32 v4, v7;
	v4 =	vld [tilespmem:s16+$0x10];
	(pc) =	sbr.rel @p0 .LBB2_43-.Ltmp20, $4  }
0x37d: {  	v6 =	vld [tilespmem:s14+$0x10]  }
0x37e: {  	[tilespmem:s16+$0xFFFFFFE0] =	vst v5;
	v10 =	vadd.f32 v11, v10;
	v5 =	vld [tilespmem:s16+$0x20]  }
0x37f: {  	v8 =	vld [tilespmem:s14+$0x20]  }
0x380: {  	s16 =	sadd.s32 $0x400, s16;
	v7 =	vld [tilespmem:s13+$0xFFFFFFC0];
	[tilespmem:s13+$0xFFFFFFF0] =	vst v10;
	v9 =	vadd.f32 v12, v9  }
0x381: {  	s8 =	sadd.s32 $0x1, s8  }
0x382: {  	p0 =	sne.s32 s8, $0x10  }
.Ltmp21:
0x383: {  	v4 =	vadd.f32 v6, v4;
	(pc) =	sbr.rel @p0 .LBB2_42-.Ltmp21, $4  }
0x384: {  	[tilespmem:s13+$0x0] =	vst v9;
	v5 =	vadd.f32 v8, v5  }
0x385: {  	[tilespmem:s13+$0x10] =	vst v4;
	v3 =	vadd.f32 v3, v7  }
0x386: {  	[tilespmem:s13+$0x20] =	vst v5  }
0x387: {  	s7 =	sadd.s32 $0x400, s7;
	s6 =	sadd.s32 $0x1, s6;
	[tilespmem:s13+$0xFFFFFFC0] =	vst v3  }
0x388: {  	s6 =	simm.s32 $0x0;
	s7 =	rddreg [dreg:$0x19]  }
0x389: {  	[hbm4b:s7+s6] =	stream.linear.scatter [tilespmem:s5], [sflag:$0x6], $0x4000, $0x38;
	[tilespmem:$0x1C100] =	vst v63  }
0x38a: {  	_ =	swait.ge [sflag:s21], $0x4000  }
0x38b: {  	[sflag:s21] =	ssyncset.done $0x0  }
0x38c: {  	[sflag:s21] =	ssyncadd.s32 $0xFFFFC000  }
0x38d: {  	v3 =	vld [tilespmem:$0x70];
	_ =	sdelay $0x4  }
0x38e: {  	v4 =	vshll.u32 v3, $0x3  }
0x38f: {  	v3 =	vand.u32 $0x7, v3;
	v4 =	vand.u32 $0xFFFFFFC0, v4  }
0x390: {  	v3 =	vor.u32 v3, v4  }
0x391: {  	v4 =	vperm.xlane v3, v0;
	_ =	sdelay $0x1  }
0x392: {  	v4 =	vadd.s32 v1, v4;
	_ =	sdelay $0x4  }
0x393: {  	[tilespmem:s19], [sflag:$0x4] =	stream.indirect_vreg.gather [hbm4b:s1+s6], $0x80, v4, vm0, $0xb8;
	[tilespmem:$0x1C100] =	vst v63  }
0x394: {  	s15 =	simm.s32 $0xC900;
	v3 =	vperm.xlane v3, v2  }
0x395: {  	[tilespmem:s15], [sflag:$0x4] =	stream.indirect_vreg.gather [hbm4b:s9+s6], $0x80, v4, vm0, $0xb8;
	[tilespmem:$0x1C100] =	vst v63  }
0x396: {  	s16 =	simm.s32 $0xD100;
	v3 =	vadd.s32 v1, v3  }
0x397: {  	[tilespmem:s16], [sflag:$0x4] =	stream.indirect_vreg.gather [hbm4b:s10+s6], $0x80, v4, vm0, $0xb8;
	[tilespmem:$0x1C100] =	vst v63  }
0x398: {  	s8 =	simm.s32 $0xD900  }
0x399: {  	[tilespmem:s8], [sflag:$0x4] =	stream.indirect_vreg.gather [hbm4b:s12+s6], $0x80, v4, vm0, $0xb8;
	[tilespmem:$0x1C100] =	vst v63  }
0x39a: {  	s13 =	simm.s32 $0xE100  }
0x39b: {  	[tilespmem:s13], [sflag:$0x4] =	stream.indirect_vreg.gather [hbm4b:s1+s6], $0x80, v3, vm0, $0xb8;
	[tilespmem:$0x1C100] =	vst v63  }
0x39c: {  	s14 =	simm.s32 $0xE900  }
0x39d: {  	[tilespmem:s14], [sflag:$0x4] =	stream.indirect_vreg.gather [hbm4b:s9+s6], $0x80, v3, vm0, $0xb8;
	[tilespmem:$0x1C100] =	vst v63  }
0x39e: {  	s15 =	simm.s32 $0xF100  }
0x39f: {  	[tilespmem:s15], [sflag:$0x4] =	stream.indirect_vreg.gather [hbm4b:s10+s6], $0x80, v3, vm0, $0xb8;
	[tilespmem:$0x1C100] =	vst v63  }
0x3a0: {  	s16 =	simm.s32 $0xF900  }
0x3a1: {  	[tilespmem:s16], [sflag:$0x4] =	stream.indirect_vreg.gather [hbm4b:s12+s6], $0x80, v3, vm0, $0xb8;
	[tilespmem:$0x1C100] =	vst v63  }
0x3a2: {  	_ =	swait.ge [sflag:s30], $0x4000  }
0x3a3: {  	[sflag:s30] =	ssyncset.done $0x0  }
0x3a4: {  	s7 =	simm.s32 $0x0;
	s8 =	simm.s32 $0x0;
	[sflag:s30] =	ssyncadd.s32 $0xFFFFC000  }
.LBB2_46:
0x3a5: {  	s13 =	sshll.u32 s7, $0x2;
	s14 =	sand.u32 $0x7, s6  }
0x3a6: {  	s13 =	sand.u32 $0xFFFF8000, s13;
	s14 =	sshll.u32 s14, $0x9  }
0x3a7: {  	s13 =	sor.u32 s14, s13  }
0x3a8: {  	s14 =	sshrl.u32 s13, $0x2  }
0x3a9: {  	s13 =	sadd.s32 $0x4140, s14  }
0x3aa: {  	s14 =	sadd.s32 $0x14140, s14;
	v4 =	vld [tilespmem:s13+$0x30]  }
0x3ab: {  	v5 =	vld [tilespmem:s14+$0x30]  }
0x3ac: {  	v3 =	vld [tilespmem:s14+$0xFFFFFFC0]  }
0x3ad: {  	v6 =	vld [tilespmem:s13+$0xFFFFFFD0]  }
0x3ae: {  	v7 =	vld [tilespmem:s14+$0xFFFFFFD0]  }
0x3af: {  	v8 =	vld [tilespmem:s13+$0xFFFFFFE0]  }
0x3b0: {  	v9 =	vld [tilespmem:s14+$0xFFFFFFE0]  }
0x3b1: {  	v10 =	vld [tilespmem:s13+$0xFFFFFFF0]  }
0x3b2: {  	v11 =	vld [tilespmem:s14+$0xFFFFFFF0]  }
0x3b3: {  	v12 =	vld [tilespmem:s13+$0x0]  }
0x3b4: {  	v13 =	vld [tilespmem:s14+$0x0];
	v5 =	vadd.f32 v5, v4  }
0x3b5: {  	v7 =	vadd.f32 v7, v6;
	v4 =	vld [tilespmem:s13+$0x10]  }
0x3b6: {  	v8 =	vadd.f32 v9, v8;
	v6 =	vld [tilespmem:s14+$0x10];
	[tilespmem:s13+$0x30] =	vst v5  }
0x3b7: {  	v9 =	vadd.f32 v11, v10;
	[tilespmem:s13+$0xFFFFFFD0] =	vst v7;
	v5 =	vld [tilespmem:s13+$0x20]  }
0x3b8: {  	[tilespmem:s13+$0xFFFFFFE0] =	vst v8;
	v8 =	vld [tilespmem:s14+$0x20]  }
0x3b9: {  	s15 =	simm.s32 $0x0;
	s16 =	sadd.s32 $0x400, s13;
	v7 =	vld [tilespmem:s13+$0xFFFFFFC0];
	[tilespmem:s13+$0xFFFFFFF0] =	vst v9;
	v9 =	vadd.f32 v13, v12  }
.LBB2_47:
0x3ba: {  	v10 =	vld [tilespmem:s16+$0x30];
	s14 =	sadd.s32 $0x400, s14  }
0x3bb: {  	s15 =	sadd.s32 $0x80, s15;
	v11 =	vld [tilespmem:s14+$0x30];
	[tilespmem:s13+$0x0] =	vst v9;
	v4 =	vadd.f32 v6, v4  }
0x3bc: {  	p0 =	slt.u32 s15, $0x380;
	v6 =	vld [tilespmem:s14+$0xFFFFFFC0]  }
0x3bd: {  	v9 =	vld [tilespmem:s16+$0xFFFFFFD0];
	[tilespmem:s13+$0x10] =	vst v4;
	v4 =	vadd.f32 v8, v5  }
0x3be: {  	v5 =	vld [tilespmem:s14+$0xFFFFFFD0];
	v12 =	vadd.f32 v3, v7  }
0x3bf: {  	v7 =	vld [tilespmem:s16+$0xFFFFFFE0];
	[tilespmem:s13+$0x20] =	vst v4  }
0x3c0: {  	v4 =	vld [tilespmem:s14+$0xFFFFFFE0];
	v8 =	vadd.f32 v11, v10;
	[tilespmem:s13+$0xFFFFFFC0] =	vst v12;
	s13 =	smov.u32 s16  }
0x3c1: {  	v10 =	vld [tilespmem:s16+$0xFFFFFFF0];
	v3 =	vmov v6  }
0x3c2: {  	v11 =	vld [tilespmem:s14+$0xFFFFFFF0];
	[tilespmem:s16+$0x30] =	vst v8  }
0x3c3: {  	v5 =	vadd.f32 v5, v9;
	v9 =	vld [tilespmem:s16+$0x0]  }
0x3c4: {  	v12 =	vld [tilespmem:s14+$0x0]  }
.Ltmp22:
0x3c5: {  	[tilespmem:s16+$0xFFFFFFD0] =	vst v5;
	v5 =	vadd.f32 v4, v7;
	v4 =	vld [tilespmem:s16+$0x10];
	(pc) =	sbr.rel @p0 .LBB2_47-.Ltmp22, $4  }
0x3c6: {  	v6 =	vld [tilespmem:s14+$0x10]  }
0x3c7: {  	[tilespmem:s16+$0xFFFFFFE0] =	vst v5;
	v10 =	vadd.f32 v11, v10;
	v5 =	vld [tilespmem:s16+$0x20]  }
0x3c8: {  	v8 =	vld [tilespmem:s14+$0x20]  }
0x3c9: {  	s16 =	sadd.s32 $0x400, s16;
	v7 =	vld [tilespmem:s13+$0xFFFFFFC0];
	[tilespmem:s13+$0xFFFFFFF0] =	vst v10;
	v9 =	vadd.f32 v12, v9  }
0x3ca: {  	s8 =	sadd.s32 $0x1, s8  }
0x3cb: {  	p0 =	sne.s32 s8, $0x10  }
.Ltmp23:
0x3cc: {  	v4 =	vadd.f32 v6, v4;
	(pc) =	sbr.rel @p0 .LBB2_46-.Ltmp23, $4  }
0x3cd: {  	[tilespmem:s13+$0x0] =	vst v9;
	v5 =	vadd.f32 v8, v5  }
0x3ce: {  	[tilespmem:s13+$0x10] =	vst v4;
	v3 =	vadd.f32 v3, v7  }
0x3cf: {  	[tilespmem:s13+$0x20] =	vst v5  }
0x3d0: {  	s7 =	sadd.s32 $0x400, s7;
	s6 =	sadd.s32 $0x1, s6;
	[tilespmem:s13+$0xFFFFFFC0] =	vst v3  }
0x3d1: {  	s6 =	simm.s32 $0x0;
	s7 =	rddreg [dreg:$0x1a]  }
0x3d2: {  	[hbm4b:s7+s6] =	stream.linear.scatter [tilespmem:s17], [sflag:$0x7], $0x4000, $0x38;
	[tilespmem:$0x1C100] =	vst v63  }
0x3d3: {  	_ =	swait.ge [sflag:s0], $0x4000  }
0x3d4: {  	[sflag:s0] =	ssyncset.done $0x0  }
0x3d5: {  	[sflag:s0] =	ssyncadd.s32 $0xFFFFC000  }
0x3d6: {  	_ =	swait.ge [sflag:s22], $0x4000  }
0x3d7: {  	[sflag:s22] =	ssyncset.done $0x0  }
0x3d8: {  	[sflag:s22] =	ssyncadd.s32 $0xFFFFC000  }
0x3d9: {  	v3 =	vld [tilespmem:$0xB0];
	_ =	sdelay $0x4  }
0x3da: {  	v4 =	vshll.u32 v3, $0x3  }
0x3db: {  	v3 =	vand.u32 $0x7, v3;
	v4 =	vand.u32 $0xFFFFFFC0, v4  }
0x3dc: {  	v3 =	vor.u32 v3, v4  }
0x3dd: {  	v4 =	vperm.xlane v3, v0;
	_ =	sdelay $0x1  }
0x3de: {  	v4 =	vadd.s32 v1, v4;
	_ =	sdelay $0x4  }
0x3df: {  	[tilespmem:s31], [sflag:$0x5] =	stream.indirect_vreg.gather [hbm4b:s1+s6], $0x80, v4, vm0, $0xb8;
	[tilespmem:$0x1C100] =	vst v63  }
0x3e0: {  	s15 =	simm.s32 $0x10900;
	v3 =	vperm.xlane v3, v2  }
0x3e1: {  	[tilespmem:s15], [sflag:$0x5] =	stream.indirect_vreg.gather [hbm4b:s9+s6], $0x80, v4, vm0, $0xb8;
	[tilespmem:$0x1C100] =	vst v63  }
0x3e2: {  	s16 =	simm.s32 $0x11100;
	v3 =	vadd.s32 v1, v3  }
0x3e3: {  	[tilespmem:s16], [sflag:$0x5] =	stream.indirect_vreg.gather [hbm4b:s10+s6], $0x80, v4, vm0, $0xb8;
	[tilespmem:$0x1C100] =	vst v63  }
0x3e4: {  	s8 =	simm.s32 $0x11900  }
0x3e5: {  	[tilespmem:s8], [sflag:$0x5] =	stream.indirect_vreg.gather [hbm4b:s12+s6], $0x80, v4, vm0, $0xb8;
	[tilespmem:$0x1C100] =	vst v63  }
0x3e6: {  	s13 =	simm.s32 $0x12100  }
0x3e7: {  	[tilespmem:s13], [sflag:$0x5] =	stream.indirect_vreg.gather [hbm4b:s1+s6], $0x80, v3, vm0, $0xb8;
	[tilespmem:$0x1C100] =	vst v63  }
0x3e8: {  	s14 =	simm.s32 $0x12900  }
0x3e9: {  	[tilespmem:s14], [sflag:$0x5] =	stream.indirect_vreg.gather [hbm4b:s9+s6], $0x80, v3, vm0, $0xb8;
	[tilespmem:$0x1C100] =	vst v63  }
0x3ea: {  	s15 =	simm.s32 $0x13100  }
0x3eb: {  	[tilespmem:s15], [sflag:$0x5] =	stream.indirect_vreg.gather [hbm4b:s10+s6], $0x80, v3, vm0, $0xb8;
	[tilespmem:$0x1C100] =	vst v63  }
0x3ec: {  	s16 =	simm.s32 $0x13900  }
0x3ed: {  	[tilespmem:s16], [sflag:$0x5] =	stream.indirect_vreg.gather [hbm4b:s12+s6], $0x80, v3, vm0, $0xb8;
	[tilespmem:$0x1C100] =	vst v63  }
0x3ee: {  	_ =	swait.ge [sflag:s24], $0x4000  }
0x3ef: {  	[sflag:s24] =	ssyncset.done $0x0  }
0x3f0: {  	s7 =	simm.s32 $0x0;
	s8 =	simm.s32 $0x0;
	[sflag:s24] =	ssyncadd.s32 $0xFFFFC000  }
.LBB2_50:
0x3f1: {  	s13 =	sshll.u32 s7, $0x2;
	s14 =	sand.u32 $0x7, s6  }
0x3f2: {  	s13 =	sand.u32 $0xFFFF8000, s13;
	s14 =	sshll.u32 s14, $0x9  }
0x3f3: {  	s13 =	sor.u32 s14, s13  }
0x3f4: {  	s14 =	sshrl.u32 s13, $0x2  }
0x3f5: {  	s13 =	sadd.s32 $0x8140, s14  }
0x3f6: {  	s14 =	sadd.s32 $0x18140, s14;
	v4 =	vld [tilespmem:s13+$0x30]  }
0x3f7: {  	v5 =	vld [tilespmem:s14+$0x30]  }
0x3f8: {  	v3 =	vld [tilespmem:s14+$0xFFFFFFC0]  }
0x3f9: {  	v6 =	vld [tilespmem:s13+$0xFFFFFFD0]  }
0x3fa: {  	v7 =	vld [tilespmem:s14+$0xFFFFFFD0]  }
0x3fb: {  	v8 =	vld [tilespmem:s13+$0xFFFFFFE0]  }
0x3fc: {  	v9 =	vld [tilespmem:s14+$0xFFFFFFE0]  }
0x3fd: {  	v10 =	vld [tilespmem:s13+$0xFFFFFFF0]  }
0x3fe: {  	v11 =	vld [tilespmem:s14+$0xFFFFFFF0]  }
0x3ff: {  	v12 =	vld [tilespmem:s13+$0x0]  }
0x400: {  	v13 =	vld [tilespmem:s14+$0x0];
	v5 =	vadd.f32 v5, v4  }
0x401: {  	v7 =	vadd.f32 v7, v6;
	v4 =	vld [tilespmem:s13+$0x10]  }
0x402: {  	v8 =	vadd.f32 v9, v8;
	v6 =	vld [tilespmem:s14+$0x10];
	[tilespmem:s13+$0x30] =	vst v5  }
0x403: {  	v9 =	vadd.f32 v11, v10;
	[tilespmem:s13+$0xFFFFFFD0] =	vst v7;
	v5 =	vld [tilespmem:s13+$0x20]  }
0x404: {  	[tilespmem:s13+$0xFFFFFFE0] =	vst v8;
	v8 =	vld [tilespmem:s14+$0x20]  }
0x405: {  	s15 =	simm.s32 $0x0;
	s16 =	sadd.s32 $0x400, s13;
	v7 =	vld [tilespmem:s13+$0xFFFFFFC0];
	[tilespmem:s13+$0xFFFFFFF0] =	vst v9;
	v9 =	vadd.f32 v13, v12  }
.LBB2_51:
0x406: {  	v10 =	vld [tilespmem:s16+$0x30];
	s14 =	sadd.s32 $0x400, s14  }
0x407: {  	s15 =	sadd.s32 $0x80, s15;
	v11 =	vld [tilespmem:s14+$0x30];
	[tilespmem:s13+$0x0] =	vst v9;
	v4 =	vadd.f32 v6, v4  }
0x408: {  	p0 =	slt.u32 s15, $0x380;
	v6 =	vld [tilespmem:s14+$0xFFFFFFC0]  }
0x409: {  	v9 =	vld [tilespmem:s16+$0xFFFFFFD0];
	[tilespmem:s13+$0x10] =	vst v4;
	v4 =	vadd.f32 v8, v5  }
0x40a: {  	v5 =	vld [tilespmem:s14+$0xFFFFFFD0];
	v12 =	vadd.f32 v3, v7  }
0x40b: {  	v7 =	vld [tilespmem:s16+$0xFFFFFFE0];
	[tilespmem:s13+$0x20] =	vst v4  }
0x40c: {  	v4 =	vld [tilespmem:s14+$0xFFFFFFE0];
	v8 =	vadd.f32 v11, v10;
	[tilespmem:s13+$0xFFFFFFC0] =	vst v12;
	s13 =	smov.u32 s16  }
0x40d: {  	v10 =	vld [tilespmem:s16+$0xFFFFFFF0];
	v3 =	vmov v6  }
0x40e: {  	v11 =	vld [tilespmem:s14+$0xFFFFFFF0];
	[tilespmem:s16+$0x30] =	vst v8  }
0x40f: {  	v5 =	vadd.f32 v5, v9;
	v9 =	vld [tilespmem:s16+$0x0]  }
0x410: {  	v12 =	vld [tilespmem:s14+$0x0]  }
.Ltmp24:
0x411: {  	[tilespmem:s16+$0xFFFFFFD0] =	vst v5;
	v5 =	vadd.f32 v4, v7;
	v4 =	vld [tilespmem:s16+$0x10];
	(pc) =	sbr.rel @p0 .LBB2_51-.Ltmp24, $4  }
0x412: {  	v6 =	vld [tilespmem:s14+$0x10]  }
0x413: {  	[tilespmem:s16+$0xFFFFFFE0] =	vst v5;
	v10 =	vadd.f32 v11, v10;
	v5 =	vld [tilespmem:s16+$0x20]  }
0x414: {  	v8 =	vld [tilespmem:s14+$0x20]  }
0x415: {  	s16 =	sadd.s32 $0x400, s16;
	v7 =	vld [tilespmem:s13+$0xFFFFFFC0];
	[tilespmem:s13+$0xFFFFFFF0] =	vst v10;
	v9 =	vadd.f32 v12, v9  }
0x416: {  	s8 =	sadd.s32 $0x1, s8  }
0x417: {  	p0 =	sne.s32 s8, $0x10  }
.Ltmp25:
0x418: {  	v4 =	vadd.f32 v6, v4;
	(pc) =	sbr.rel @p0 .LBB2_50-.Ltmp25, $4  }
0x419: {  	[tilespmem:s13+$0x0] =	vst v9;
	v5 =	vadd.f32 v8, v5  }
0x41a: {  	[tilespmem:s13+$0x10] =	vst v4;
	v3 =	vadd.f32 v3, v7  }
0x41b: {  	[tilespmem:s13+$0x20] =	vst v5  }
0x41c: {  	s7 =	sadd.s32 $0x400, s7;
	s6 =	sadd.s32 $0x1, s6;
	[tilespmem:s13+$0xFFFFFFC0] =	vst v3  }
0x41d: {  	s6 =	simm.s32 $0x0;
	s7 =	rddreg [dreg:$0x15]  }
0x41e: {  	[hbm4b:s7+s6] =	stream.linear.scatter [tilespmem:s26], [sflag:$0x8], $0x4000, $0x38;
	[tilespmem:$0x1C100] =	vst v63  }
0x41f: {  	_ =	swait.ge [sflag:s28], $0x4000  }
0x420: {  	[sflag:s28] =	ssyncset.done $0x0  }
0x421: {  	[sflag:s28] =	ssyncadd.s32 $0xFFFFC000  }
0x422: {  	v3 =	vld [tilespmem:$0xF0];
	_ =	sdelay $0x4  }
0x423: {  	v4 =	vshll.u32 v3, $0x3  }
0x424: {  	v3 =	vand.u32 $0x7, v3;
	v4 =	vand.u32 $0xFFFFFFC0, v4  }
0x425: {  	v3 =	vor.u32 v3, v4  }
0x426: {  	v4 =	vperm.xlane v3, v0;
	_ =	sdelay $0x1  }
0x427: {  	v4 =	vadd.s32 v1, v4;
	_ =	sdelay $0x4  }
0x428: {  	[tilespmem:s5], [sflag:$0x1] =	stream.indirect_vreg.gather [hbm4b:s1+s6], $0x80, v4, vm0, $0xb8;
	[tilespmem:$0x1C100] =	vst v63  }
0x429: {  	s15 =	simm.s32 $0x900;
	v3 =	vperm.xlane v3, v2  }
0x42a: {  	[tilespmem:s15], [sflag:$0x1] =	stream.indirect_vreg.gather [hbm4b:s9+s6], $0x80, v4, vm0, $0xb8;
	[tilespmem:$0x1C100] =	vst v63  }
0x42b: {  	s16 =	simm.s32 $0x1100;
	v3 =	vadd.s32 v1, v3  }
0x42c: {  	[tilespmem:s16], [sflag:$0x1] =	stream.indirect_vreg.gather [hbm4b:s10+s6], $0x80, v4, vm0, $0xb8;
	[tilespmem:$0x1C100] =	vst v63  }
0x42d: {  	s8 =	simm.s32 $0x1900  }
0x42e: {  	[tilespmem:s8], [sflag:$0x1] =	stream.indirect_vreg.gather [hbm4b:s12+s6], $0x80, v4, vm0, $0xb8;
	[tilespmem:$0x1C100] =	vst v63  }
0x42f: {  	s13 =	simm.s32 $0x2100  }
0x430: {  	[tilespmem:s13], [sflag:$0x1] =	stream.indirect_vreg.gather [hbm4b:s1+s6], $0x80, v3, vm0, $0xb8;
	[tilespmem:$0x1C100] =	vst v63  }
0x431: {  	s14 =	simm.s32 $0x2900  }
0x432: {  	[tilespmem:s14], [sflag:$0x1] =	stream.indirect_vreg.gather [hbm4b:s9+s6], $0x80, v3, vm0, $0xb8;
	[tilespmem:$0x1C100] =	vst v63  }
0x433: {  	s15 =	simm.s32 $0x3100  }
0x434: {  	[tilespmem:s15], [sflag:$0x1] =	stream.indirect_vreg.gather [hbm4b:s10+s6], $0x80, v3, vm0, $0xb8;
	[tilespmem:$0x1C100] =	vst v63  }
0x435: {  	s16 =	simm.s32 $0x3900  }
0x436: {  	[tilespmem:s16], [sflag:$0x1] =	stream.indirect_vreg.gather [hbm4b:s12+s6], $0x80, v3, vm0, $0xb8;
	[tilespmem:$0x1C100] =	vst v63  }
0x437: {  	_ =	swait.ge [sflag:s29], $0x4000  }
0x438: {  	[sflag:s29] =	ssyncset.done $0x0  }
0x439: {  	s7 =	simm.s32 $0x0;
	s8 =	simm.s32 $0x0;
	[sflag:s29] =	ssyncadd.s32 $0xFFFFC000  }
.LBB2_54:
0x43a: {  	s13 =	sshll.u32 s7, $0x2;
	s14 =	sand.u32 $0x7, s6  }
0x43b: {  	s13 =	sand.u32 $0xFFFF8000, s13;
	s14 =	sshll.u32 s14, $0x9  }
0x43c: {  	s13 =	sor.u32 s14, s13  }
0x43d: {  	s14 =	sshrl.u32 s13, $0x2  }
0x43e: {  	s13 =	sadd.s32 $0xC140, s14  }
0x43f: {  	s14 =	sadd.s32 $0x18140, s14;
	v4 =	vld [tilespmem:s13+$0x30]  }
0x440: {  	v5 =	vld [tilespmem:s14+$0x30]  }
0x441: {  	v3 =	vld [tilespmem:s14+$0xFFFFFFC0]  }
0x442: {  	v6 =	vld [tilespmem:s13+$0xFFFFFFD0]  }
0x443: {  	v7 =	vld [tilespmem:s14+$0xFFFFFFD0]  }
0x444: {  	v8 =	vld [tilespmem:s13+$0xFFFFFFE0]  }
0x445: {  	v9 =	vld [tilespmem:s14+$0xFFFFFFE0]  }
0x446: {  	v10 =	vld [tilespmem:s13+$0xFFFFFFF0]  }
0x447: {  	v11 =	vld [tilespmem:s14+$0xFFFFFFF0]  }
0x448: {  	v12 =	vld [tilespmem:s13+$0x0]  }
0x449: {  	v13 =	vld [tilespmem:s14+$0x0];
	v5 =	vadd.f32 v5, v4  }
0x44a: {  	v7 =	vadd.f32 v7, v6;
	v4 =	vld [tilespmem:s13+$0x10]  }
0x44b: {  	v8 =	vadd.f32 v9, v8;
	v6 =	vld [tilespmem:s14+$0x10];
	[tilespmem:s13+$0x30] =	vst v5  }
0x44c: {  	v9 =	vadd.f32 v11, v10;
	[tilespmem:s13+$0xFFFFFFD0] =	vst v7;
	v5 =	vld [tilespmem:s13+$0x20]  }
0x44d: {  	[tilespmem:s13+$0xFFFFFFE0] =	vst v8;
	v8 =	vld [tilespmem:s14+$0x20]  }
0x44e: {  	s15 =	simm.s32 $0x0;
	s16 =	sadd.s32 $0x400, s13;
	v7 =	vld [tilespmem:s13+$0xFFFFFFC0];
	[tilespmem:s13+$0xFFFFFFF0] =	vst v9;
	v9 =	vadd.f32 v13, v12  }
.LBB2_55:
0x44f: {  	v10 =	vld [tilespmem:s16+$0x30];
	s14 =	sadd.s32 $0x400, s14  }
0x450: {  	s15 =	sadd.s32 $0x80, s15;
	v11 =	vld [tilespmem:s14+$0x30];
	[tilespmem:s13+$0x0] =	vst v9;
	v4 =	vadd.f32 v6, v4  }
0x451: {  	p0 =	slt.u32 s15, $0x380;
	v6 =	vld [tilespmem:s14+$0xFFFFFFC0]  }
0x452: {  	v9 =	vld [tilespmem:s16+$0xFFFFFFD0];
	[tilespmem:s13+$0x10] =	vst v4;
	v4 =	vadd.f32 v8, v5  }
0x453: {  	v5 =	vld [tilespmem:s14+$0xFFFFFFD0];
	v12 =	vadd.f32 v3, v7  }
0x454: {  	v7 =	vld [tilespmem:s16+$0xFFFFFFE0];
	[tilespmem:s13+$0x20] =	vst v4  }
0x455: {  	v4 =	vld [tilespmem:s14+$0xFFFFFFE0];
	v8 =	vadd.f32 v11, v10;
	[tilespmem:s13+$0xFFFFFFC0] =	vst v12;
	s13 =	smov.u32 s16  }
0x456: {  	v10 =	vld [tilespmem:s16+$0xFFFFFFF0];
	v3 =	vmov v6  }
0x457: {  	v11 =	vld [tilespmem:s14+$0xFFFFFFF0];
	[tilespmem:s16+$0x30] =	vst v8  }
0x458: {  	v5 =	vadd.f32 v5, v9;
	v9 =	vld [tilespmem:s16+$0x0]  }
0x459: {  	v12 =	vld [tilespmem:s14+$0x0]  }
.Ltmp26:
0x45a: {  	[tilespmem:s16+$0xFFFFFFD0] =	vst v5;
	v5 =	vadd.f32 v4, v7;
	v4 =	vld [tilespmem:s16+$0x10];
	(pc) =	sbr.rel @p0 .LBB2_55-.Ltmp26, $4  }
0x45b: {  	v6 =	vld [tilespmem:s14+$0x10]  }
0x45c: {  	[tilespmem:s16+$0xFFFFFFE0] =	vst v5;
	v10 =	vadd.f32 v11, v10;
	v5 =	vld [tilespmem:s16+$0x20]  }
0x45d: {  	v8 =	vld [tilespmem:s14+$0x20]  }
0x45e: {  	s16 =	sadd.s32 $0x400, s16;
	v7 =	vld [tilespmem:s13+$0xFFFFFFC0];
	[tilespmem:s13+$0xFFFFFFF0] =	vst v10;
	v9 =	vadd.f32 v12, v9  }
0x45f: {  	s8 =	sadd.s32 $0x1, s8  }
0x460: {  	p0 =	sne.s32 s8, $0x10  }
.Ltmp27:
0x461: {  	v4 =	vadd.f32 v6, v4;
	(pc) =	sbr.rel @p0 .LBB2_54-.Ltmp27, $4  }
0x462: {  	[tilespmem:s13+$0x0] =	vst v9;
	v5 =	vadd.f32 v8, v5  }
0x463: {  	[tilespmem:s13+$0x10] =	vst v4;
	v3 =	vadd.f32 v3, v7  }
0x464: {  	[tilespmem:s13+$0x20] =	vst v5  }
0x465: {  	s7 =	sadd.s32 $0x400, s7;
	s6 =	sadd.s32 $0x1, s6;
	[tilespmem:s13+$0xFFFFFFC0] =	vst v3  }
0x466: {  	s6 =	simm.s32 $0x0;
	s7 =	rddreg [dreg:$0x1b]  }
0x467: {  	[hbm4b:s7+s6] =	stream.linear.scatter [tilespmem:s19], [sflag:$0x9], $0x4000, $0x38;
	[tilespmem:$0x1C100] =	vst v63  }
0x468: {  	_ =	swait.ge [sflag:s11], $0x4000  }
0x469: {  	[sflag:s11] =	ssyncset.done $0x0  }
0x46a: {  	s8 =	simm.s32 $0x0;
	s7 =	simm.s32 $0x0;
	[sflag:s11] =	ssyncadd.s32 $0xFFFFC000  }
.LBB2_58:
0x46b: {  	s13 =	sshll.u32 s7, $0x2;
	s14 =	sand.u32 $0x7, s6  }
0x46c: {  	s13 =	sand.u32 $0xFFFF8000, s13;
	s14 =	sshll.u32 s14, $0x9  }
0x46d: {  	s13 =	sor.u32 s14, s13  }
0x46e: {  	s14 =	sshrl.u32 s13, $0x2  }
0x46f: {  	s13 =	sadd.s32 $0x10140, s14  }
0x470: {  	s14 =	sadd.s32 $0x18140, s14;
	v4 =	vld [tilespmem:s13+$0x30]  }
0x471: {  	v5 =	vld [tilespmem:s14+$0x30]  }
0x472: {  	v3 =	vld [tilespmem:s14+$0xFFFFFFC0]  }
0x473: {  	v6 =	vld [tilespmem:s13+$0xFFFFFFD0]  }
0x474: {  	v7 =	vld [tilespmem:s14+$0xFFFFFFD0]  }
0x475: {  	v8 =	vld [tilespmem:s13+$0xFFFFFFE0]  }
0x476: {  	v9 =	vld [tilespmem:s14+$0xFFFFFFE0]  }
0x477: {  	v10 =	vld [tilespmem:s13+$0xFFFFFFF0]  }
0x478: {  	v11 =	vld [tilespmem:s14+$0xFFFFFFF0]  }
0x479: {  	v12 =	vld [tilespmem:s13+$0x0]  }
0x47a: {  	v13 =	vld [tilespmem:s14+$0x0];
	v5 =	vadd.f32 v5, v4  }
0x47b: {  	v7 =	vadd.f32 v7, v6;
	v4 =	vld [tilespmem:s13+$0x10]  }
0x47c: {  	v8 =	vadd.f32 v9, v8;
	v6 =	vld [tilespmem:s14+$0x10];
	[tilespmem:s13+$0x30] =	vst v5  }
0x47d: {  	v9 =	vadd.f32 v11, v10;
	[tilespmem:s13+$0xFFFFFFD0] =	vst v7;
	v5 =	vld [tilespmem:s13+$0x20]  }
0x47e: {  	[tilespmem:s13+$0xFFFFFFE0] =	vst v8;
	v8 =	vld [tilespmem:s14+$0x20]  }
0x47f: {  	s15 =	simm.s32 $0x0;
	s16 =	sadd.s32 $0x400, s13;
	v7 =	vld [tilespmem:s13+$0xFFFFFFC0];
	[tilespmem:s13+$0xFFFFFFF0] =	vst v9;
	v9 =	vadd.f32 v13, v12  }
.LBB2_59:
0x480: {  	v10 =	vld [tilespmem:s16+$0x30];
	s14 =	sadd.s32 $0x400, s14  }
0x481: {  	s15 =	sadd.s32 $0x80, s15;
	v11 =	vld [tilespmem:s14+$0x30];
	[tilespmem:s13+$0x0] =	vst v9;
	v4 =	vadd.f32 v6, v4  }
0x482: {  	p0 =	slt.u32 s15, $0x380;
	v6 =	vld [tilespmem:s14+$0xFFFFFFC0]  }
0x483: {  	v9 =	vld [tilespmem:s16+$0xFFFFFFD0];
	[tilespmem:s13+$0x10] =	vst v4;
	v4 =	vadd.f32 v8, v5  }
0x484: {  	v5 =	vld [tilespmem:s14+$0xFFFFFFD0];
	v12 =	vadd.f32 v3, v7  }
0x485: {  	v7 =	vld [tilespmem:s16+$0xFFFFFFE0];
	[tilespmem:s13+$0x20] =	vst v4  }
0x486: {  	v4 =	vld [tilespmem:s14+$0xFFFFFFE0];
	v8 =	vadd.f32 v11, v10;
	[tilespmem:s13+$0xFFFFFFC0] =	vst v12;
	s13 =	smov.u32 s16  }
0x487: {  	v10 =	vld [tilespmem:s16+$0xFFFFFFF0];
	v3 =	vmov v6  }
0x488: {  	v11 =	vld [tilespmem:s14+$0xFFFFFFF0];
	[tilespmem:s16+$0x30] =	vst v8  }
0x489: {  	v5 =	vadd.f32 v5, v9;
	v9 =	vld [tilespmem:s16+$0x0]  }
0x48a: {  	v12 =	vld [tilespmem:s14+$0x0]  }
.Ltmp28:
0x48b: {  	[tilespmem:s16+$0xFFFFFFD0] =	vst v5;
	v5 =	vadd.f32 v4, v7;
	v4 =	vld [tilespmem:s16+$0x10];
	(pc) =	sbr.rel @p0 .LBB2_59-.Ltmp28, $4  }
0x48c: {  	v6 =	vld [tilespmem:s14+$0x10]  }
0x48d: {  	[tilespmem:s16+$0xFFFFFFE0] =	vst v5;
	v10 =	vadd.f32 v11, v10;
	v5 =	vld [tilespmem:s16+$0x20]  }
0x48e: {  	v8 =	vld [tilespmem:s14+$0x20]  }
0x48f: {  	s16 =	sadd.s32 $0x400, s16;
	v7 =	vld [tilespmem:s13+$0xFFFFFFC0];
	[tilespmem:s13+$0xFFFFFFF0] =	vst v10;
	v9 =	vadd.f32 v12, v9  }
0x490: {  	s8 =	sadd.s32 $0x1, s8  }
0x491: {  	p0 =	sne.s32 s8, $0x10  }
.Ltmp29:
0x492: {  	v4 =	vadd.f32 v6, v4;
	(pc) =	sbr.rel @p0 .LBB2_58-.Ltmp29, $4  }
0x493: {  	[tilespmem:s13+$0x0] =	vst v9;
	v5 =	vadd.f32 v8, v5  }
0x494: {  	[tilespmem:s13+$0x10] =	vst v4;
	v3 =	vadd.f32 v3, v7  }
0x495: {  	[tilespmem:s13+$0x20] =	vst v5  }
0x496: {  	s7 =	sadd.s32 $0x400, s7;
	s6 =	sadd.s32 $0x1, s6;
	[tilespmem:s13+$0xFFFFFFC0] =	vst v3  }
0x497: {  	s6 =	simm.s32 $0x0;
	s7 =	rddreg [dreg:$0x1c]  }
0x498: {  	[hbm4b:s7+s6] =	stream.linear.scatter [tilespmem:s31], [sflag:$0xA], $0x4000, $0x38;
	[tilespmem:$0x1C100] =	vst v63  }
0x499: {  	_ =	swait.ge [sflag:s18], $0x4000  }
0x49a: {  	[sflag:s18] =	ssyncset.done $0x0  }
0x49b: {  	s8 =	simm.s32 $0x0;
	s7 =	simm.s32 $0x0;
	[sflag:s18] =	ssyncadd.s32 $0xFFFFC000  }
.LBB2_62:
0x49c: {  	s13 =	sshll.u32 s7, $0x2;
	s14 =	sand.u32 $0x7, s6  }
0x49d: {  	s13 =	sand.u32 $0xFFFF8000, s13;
	s14 =	sshll.u32 s14, $0x9  }
0x49e: {  	s13 =	sor.u32 s14, s13  }
0x49f: {  	s14 =	sshrl.u32 s13, $0x2  }
0x4a0: {  	s13 =	sadd.s32 $0x140, s14  }
0x4a1: {  	s14 =	sadd.s32 $0x18140, s14;
	v4 =	vld [tilespmem:s13+$0x30]  }
0x4a2: {  	v5 =	vld [tilespmem:s14+$0x30]  }
0x4a3: {  	v3 =	vld [tilespmem:s14+$0xFFFFFFC0]  }
0x4a4: {  	v6 =	vld [tilespmem:s13+$0xFFFFFFD0]  }
0x4a5: {  	v7 =	vld [tilespmem:s14+$0xFFFFFFD0]  }
0x4a6: {  	v8 =	vld [tilespmem:s13+$0xFFFFFFE0]  }
0x4a7: {  	v9 =	vld [tilespmem:s14+$0xFFFFFFE0]  }
0x4a8: {  	v10 =	vld [tilespmem:s13+$0xFFFFFFF0]  }
0x4a9: {  	v11 =	vld [tilespmem:s14+$0xFFFFFFF0]  }
0x4aa: {  	v12 =	vld [tilespmem:s13+$0x0]  }
0x4ab: {  	v13 =	vld [tilespmem:s14+$0x0];
	v5 =	vadd.f32 v5, v4  }
0x4ac: {  	v7 =	vadd.f32 v7, v6;
	v4 =	vld [tilespmem:s13+$0x10]  }
0x4ad: {  	v8 =	vadd.f32 v9, v8;
	v6 =	vld [tilespmem:s14+$0x10];
	[tilespmem:s13+$0x30] =	vst v5  }
0x4ae: {  	v9 =	vadd.f32 v11, v10;
	[tilespmem:s13+$0xFFFFFFD0] =	vst v7;
	v5 =	vld [tilespmem:s13+$0x20]  }
0x4af: {  	[tilespmem:s13+$0xFFFFFFE0] =	vst v8;
	v8 =	vld [tilespmem:s14+$0x20]  }
0x4b0: {  	s15 =	simm.s32 $0x0;
	s16 =	sadd.s32 $0x400, s13;
	v7 =	vld [tilespmem:s13+$0xFFFFFFC0];
	[tilespmem:s13+$0xFFFFFFF0] =	vst v9;
	v9 =	vadd.f32 v13, v12  }
.LBB2_63:
0x4b1: {  	v10 =	vld [tilespmem:s16+$0x30];
	s14 =	sadd.s32 $0x400, s14  }
0x4b2: {  	s15 =	sadd.s32 $0x80, s15;
	v11 =	vld [tilespmem:s14+$0x30];
	[tilespmem:s13+$0x0] =	vst v9;
	v4 =	vadd.f32 v6, v4  }
0x4b3: {  	p0 =	slt.u32 s15, $0x380;
	v6 =	vld [tilespmem:s14+$0xFFFFFFC0]  }
0x4b4: {  	v9 =	vld [tilespmem:s16+$0xFFFFFFD0];
	[tilespmem:s13+$0x10] =	vst v4;
	v4 =	vadd.f32 v8, v5  }
0x4b5: {  	v5 =	vld [tilespmem:s14+$0xFFFFFFD0];
	v12 =	vadd.f32 v3, v7  }
0x4b6: {  	v7 =	vld [tilespmem:s16+$0xFFFFFFE0];
	[tilespmem:s13+$0x20] =	vst v4  }
0x4b7: {  	v4 =	vld [tilespmem:s14+$0xFFFFFFE0];
	v8 =	vadd.f32 v11, v10;
	[tilespmem:s13+$0xFFFFFFC0] =	vst v12;
	s13 =	smov.u32 s16  }
0x4b8: {  	v10 =	vld [tilespmem:s16+$0xFFFFFFF0];
	v3 =	vmov v6  }
0x4b9: {  	v11 =	vld [tilespmem:s14+$0xFFFFFFF0];
	[tilespmem:s16+$0x30] =	vst v8  }
0x4ba: {  	v5 =	vadd.f32 v5, v9;
	v9 =	vld [tilespmem:s16+$0x0]  }
0x4bb: {  	v12 =	vld [tilespmem:s14+$0x0]  }
.Ltmp30:
0x4bc: {  	[tilespmem:s16+$0xFFFFFFD0] =	vst v5;
	v5 =	vadd.f32 v4, v7;
	v4 =	vld [tilespmem:s16+$0x10];
	(pc) =	sbr.rel @p0 .LBB2_63-.Ltmp30, $4  }
0x4bd: {  	v6 =	vld [tilespmem:s14+$0x10]  }
0x4be: {  	[tilespmem:s16+$0xFFFFFFE0] =	vst v5;
	v10 =	vadd.f32 v11, v10;
	v5 =	vld [tilespmem:s16+$0x20]  }
0x4bf: {  	v8 =	vld [tilespmem:s14+$0x20]  }
0x4c0: {  	s16 =	sadd.s32 $0x400, s16;
	v7 =	vld [tilespmem:s13+$0xFFFFFFC0];
	[tilespmem:s13+$0xFFFFFFF0] =	vst v10;
	v9 =	vadd.f32 v12, v9  }
0x4c1: {  	s8 =	sadd.s32 $0x1, s8  }
0x4c2: {  	p0 =	sne.s32 s8, $0x10  }
.Ltmp31:
0x4c3: {  	v4 =	vadd.f32 v6, v4;
	(pc) =	sbr.rel @p0 .LBB2_62-.Ltmp31, $4  }
0x4c4: {  	[tilespmem:s13+$0x0] =	vst v9;
	v5 =	vadd.f32 v8, v5  }
0x4c5: {  	[tilespmem:s13+$0x10] =	vst v4;
	v3 =	vadd.f32 v3, v7  }
0x4c6: {  	[tilespmem:s13+$0x20] =	vst v5  }
0x4c7: {  	s7 =	sadd.s32 $0x400, s7;
	s6 =	sadd.s32 $0x1, s6;
	[tilespmem:s13+$0xFFFFFFC0] =	vst v3  }
0x4c8: {  	s6 =	rddreg [dreg:$0x1d]  }
0x4c9: {  	[hbm4b:s6+s3] =	stream.linear.scatter [tilespmem:s5], [sflag:$0x6], $0x4000, $0x38;
	[tilespmem:$0x1C100] =	vst v63  }
0x4ca: {  	_ =	swait.ge [sflag:s4], $0x4000  }
0x4cb: {  	[sflag:s4] =	ssyncset.done $0x0  }
0x4cc: {  	[sflag:s4] =	ssyncadd.s32 $0xFFFFC000  }
0x4cd: {  	_ =	swait.ge [sflag:s20], $0x4000  }
0x4ce: {  	[sflag:s20] =	ssyncset.done $0x0  }
0x4cf: {  	[sflag:s20] =	ssyncadd.s32 $0xFFFFC000  }
0x4d0: {  	_ =	swait.ge [sflag:s21], $0x4000  }
0x4d1: {  	[sflag:s21] =	ssyncset.done $0x0  }
0x4d2: {  	[sflag:s21] =	ssyncadd.s32 $0xFFFFC000  }
0x4d3: {  	_ =	swait.ge [sflag:s22], $0x4000  }
0x4d4: {  	[sflag:s22] =	ssyncset.done $0x0  }
0x4d5: {  	[sflag:s22] =	ssyncadd.s32 $0xFFFFC000  }
0x4d6: {  	_ =	swait.ge [sflag:s28], $0x4000  }
0x4d7: {  	s23 =	sadd.s32 $0x1, s23;
	s16 =	rddreg [dreg:$0x17]  }
0x4d8: {  	p0 =	sne.s32 s23, s16  }
.Ltmp32:
0x4d9: {  	_ = 	snop;
	(pc) =	sbr.rel @p0 .LBB2_1-.Ltmp32, $3  }
0x4da: {  	_ =	sdelay $0x1  }
0x4db: {  	[sflag:s28] =	ssyncset.done $0x0  }
0x4dc: {  	[sflag:s28] =	ssyncadd.s32 $0xFFFFC000  }
0x4dd: {  	_ =	sfence.sel $0x180000  }
0x4de: {  	[bflag:$0x0] =	sbarrier.arrive $0xFFFF  }
0x4df: {  	_ =	strace $0x90000047  }
0x4e0: {  	s0 =	stileid.u32;
	[bflag:$0x2] =	sbarrier.arrive $0xFFFF  }
0x4e1: {  	p0 =	sne.s32 s0, $0x0;
	s0 =	rddreg [dreg:$0x4]  }
0x4e2: {  	s0 =	sadd.s32 @!p0 $0x100000, s0  }
0x4e3: {  	[sflag:s0] =	ssyncadd.tile.s32 @!p0 $0x1;
	_ =	shalt  }
.Lfunc_end2:
_tile_overlayer_lowered:
.L_overlay_start_2:
0x4e4: {  	(tag) =	ssettag $0x2  }
0x4e5: {  	s0 =	rddreg [dreg:$0x0];
	s2 =	stileid.u32  }
0x4e6: {  	s1 =	rddreg [dreg:$0x1];
	p0 =	sne.s32 s2, $0x0  }
0x4e7: {  	s3 =	rddreg [dreg:$0x2];
	[bflag:$0x3] =	sbarrier.arrive $0xFFFF;
	s2 =	simm.s32 @!p0 $0x1C0E  }
0x4e8: {  	[timem:s3], [sflag:s2] =	dma.local @!p0 [hbm:s0], s1  }
0x4e9: {  	s0 =	simm.s32 @!p0 $0xE  }
0x4ea: {  	_ =	swait.ge @!p0 [sflag:s0], s1  }
0x4eb: {  	s1 =	ssub.s32 @!p0 $0x0, s1;
	[sflag:s0] =	ssyncset.done @!p0 $0x0  }
0x4ec: {  	[sflag:s0] =	ssyncadd.s32 @!p0 s1  }
0x4ed: {  	[bflag:$0x3] =	sbarrier.arrive $0xFFFF  }
0x4ee: {  	_ =	shalt  }

</sc_bundles>
